<compile_context>
chip_gen: v7x
topology: tpu7x:2x2x1
jax: 0.10.2.dev20260603
libtpu: 0.0.44.dev20260713+nightly
codegen_flags: <defaults>
</compile_context>

<pallas_src>
import functools

import jax
import jax.numpy as jnp
from jax import lax
from jax.experimental import pallas as pl
from jax.experimental.pallas import tpu as pltpu
from jax.experimental.pallas import tpu_sc as plsc

B, C, H, W = 4, 192, 224, 224
K, CELL = 3, 8
CS = C // K
OW = W * CELL
TH = 32
NCH = H // TH
NW = 32
UNITS = B * K * CELL
UPW = UNITS // NW
SLAB = TH * W


def _sc_body(x_hbm, out_hbm, in_v, out_v, sem):
    wid = lax.axis_index("s") * 2 + lax.axis_index("c")
    iota = lax.iota(jnp.int32, 16)

    def chunk_body(t, carry):
        unit = wid * UPW + t // NCH
        ci = t % NCH
        b = unit // (K * CELL)
        rem = unit % (K * CELL)
        k = rem // CELL
        p = rem % CELL
        bk = b * K + k
        c0 = k * CS + p * CELL
        h0 = ci * TH

        cps = [
            pltpu.async_copy(
                x_hbm.at[pl.ds(((b * C + c0 + q) * H + h0) * W, SLAB)],
                in_v.at[pl.ds(q * SLAB, SLAB)],
                sem,
            )
            for q in range(CELL)
        ]
        for cp in cps:
            cp.wait()

        def row_body(h, carry2):
            hb = h * OW
            for q in range(CELL):
                vb = iota * CELL + q
                src0 = q * SLAB + h * W
                for j in range(W // 16):
                    val = in_v[pl.ds(src0 + j * 16, 16)]
                    plsc.store_scatter(out_v, [vb + (hb + j * 128)], val)
            return carry2

        lax.fori_loop(0, TH, row_body, 0)

        obase = (bk * H + h0) * CELL + p
        ocs = [
            pltpu.async_copy(
                out_v.at[pl.ds(h * OW, OW)],
                out_hbm.at[pl.ds((obase + h * CELL) * OW, OW)],
                sem,
            )
            for h in range(TH)
        ]
        for cp in ocs:
            cp.wait()
        return carry

    lax.fori_loop(0, UPW * NCH, chunk_body, 0)


@functools.partial(
    pl.kernel,
    mesh=plsc.VectorSubcoreMesh(core_axis_name="c", subcore_axis_name="s"),
    out_type=jax.ShapeDtypeStruct((B * K * H * CELL * OW,), jnp.float32),
    scratch_types=[
        pltpu.VMEM((CELL * SLAB,), jnp.float32),
        pltpu.VMEM((TH * OW,), jnp.float32),
        pltpu.SemaphoreType.DMA,
    ],
    compiler_params=pltpu.CompilerParams(needs_layout_passes=False),
)
def _dts_sc(x_hbm, out_hbm, in_v, out_v, sem):
    _sc_body(x_hbm, out_hbm, in_v, out_v, sem)


def kernel(x):
    y = _dts_sc(x.reshape(-1))
    return y.reshape(B, K, H * CELL, OW)

# --- scband reference (transcript-rebuilt; emitter-appended) ---
"""Pipeline reference for scband-depth-to-space-8486855377460 (READ-ONLY COPY).

The authoritative reference and input builder live on the scoring server;
editing this copy changes nothing except your own understanding.
"""

import jax, jax.numpy as jnp
import numpy as np
import math


def setup_inputs(seed: int = 0) -> dict:
    key = jax.random.key(seed)
    x = jax.random.normal(key, (4, 192, 224, 224), dtype=jnp.float32)
    return {"x": x}


def _depth_to_space(x, num_split):
    # Faithful translation of the torch module:
    # - split channels into num_split chunks, each of size Cs = C // num_split
    # - Cs must be a perfect square: cell = sqrt(Cs)
    # - each (h, w) spatial location's Cs channels form a (cell, cell) block
    #   placed at output[:, h*cell:(h+1)*cell, w*cell:(w+1)*cell]
    #   (blocks written in row-major order over (h, w))
    # - outputs of the chunks are stacked on dim=1
    B, C, H, W = x.shape
    Cs = C // num_split
    cell = int(math.isqrt(Cs))
    assert cell * cell == Cs, "channels per split must be a perfect square"
    assert H == W, "module asserts square spatial dims"
    # reshape channel dim: chunk k, channel index p*cell + q within chunk
    xr = x.reshape(B, num_split, cell, cell, H, W)
    # out[b, k, h*cell + p, w*cell + q] = x[b, k, p, q, h, w]
    xt = jnp.transpose(xr, (0, 1, 4, 2, 5, 3))  # [B, K, H, cell, W, cell]
    out = xt.reshape(B, num_split, H * cell, W * cell)
    return out


def reference(x):
    return _depth_to_space(x, 3)

if __name__ == "__main__":
    import jax
    _d = setup_inputs()
    print(jax.jit(kernel)(*tuple(_d.values())))

</pallas_src>

<mosaic_0001>
#map = affine_map<(d0, d1) -> (0)>
module attributes {stable_mosaic.version = 14 : i64} {
  func.func @_dts_sc(%arg0: i32, %arg1: i32, %arg2: memref<38535168xf32, #tpu.memory_space<hbm>>, %arg3: memref<38535168xf32, #tpu.memory_space<hbm>>, %arg4: memref<57344xf32, #tpu.memory_space<vmem>>, %arg5: memref<57344xf32, #tpu.memory_space<vmem>>, %arg6: memref<!tpu.dma_semaphore, #tpu.memory_space<semaphore_mem>>) attributes {dimension_semantics = [#tpu.dimension_semantics<core_parallel>, #tpu.dimension_semantics<subcore_parallel>], iteration_bounds = array<i64: 2, 16>, scalar_prefetch = 0 : i64, scratch_operands = 3 : i64, tpu.core_type = #tpu.core_type<sc_vector_subcore>, window_params = [{transform_indices = #map}, {transform_indices = #map}]} {
    %mul3A = arith.constant 2 : i32
    %mul3A_0 = arith.muli %arg1, %mul3A : i32
    %add3A = arith.addi %mul3A_0, %arg0 : i32
    %iota3A = tpu.iota {dimensions = array<i32: 0>} : vector<16xi32>
    %scan3A = arith.constant 0 : i32
    %scan3A_1 = arith.constant 0 : i32
    %scan3A_2 = arith.constant 21 : i32
    %scan3A_3 = arith.addi %scan3A_1, %scan3A_2 : i32
    %scan3A_4 = arith.constant 1 : i32
    scf.for %scan3A_6 = %scan3A_1 to %scan3A_3 step %scan3A_4  : i32 {
      %mul3A_7 = arith.constant 3 : i32
      %mul3A_8 = arith.muli %add3A, %mul3A_7 : i32
      %jit3A = arith.constant 7 : i32
      %div3A = arith.divsi %scan3A_6, %jit3A : i32
      %sign3A = arith.constant 0 : i32
      %sign3A_9 = arith.cmpi sgt, %scan3A_6, %sign3A : i32
      %sign3A_10 = arith.extui %sign3A_9 : i1 to i32
      %sign3A_11 = arith.constant 0 : i32
      %sign3A_12 = arith.cmpi slt, %scan3A_6, %sign3A_11 : i32
      %sign3A_13 = arith.extui %sign3A_12 : i1 to i32
      %sign3A_14 = arith.subi %sign3A_10, %sign3A_13 : i32
      %sign3A_15 = arith.constant 0 : i32
      %sign3A_16 = arith.cmpi sgt, %jit3A, %sign3A_15 : i32
      %sign3A_17 = arith.extui %sign3A_16 : i1 to i32
      %sign3A_18 = arith.constant 0 : i32
      %sign3A_19 = arith.cmpi slt, %jit3A, %sign3A_18 : i32
      %sign3A_20 = arith.extui %sign3A_19 : i1 to i32
      %sign3A_21 = arith.subi %sign3A_17, %sign3A_20 : i32
      %ne3A = arith.cmpi ne, %sign3A_14, %sign3A_21 : i32
      %rem3A = arith.remsi %scan3A_6, %jit3A : i32
      %ne3A_22 = arith.constant 0 : i32
      %ne3A_23 = arith.cmpi ne, %rem3A, %ne3A_22 : i32
      %and3A = arith.andi %ne3A, %ne3A_23 : i1
      %sub3A = arith.constant 1 : i32
      %sub3A_24 = arith.subi %div3A, %sub3A : i32
      %select_n3A = arith.select %and3A, %sub3A_24, %div3A : i32
      %add3A_25 = arith.addi %mul3A_8, %select_n3A : i32
      %jit3A_26 = arith.constant 7 : i32
      %eq3A = arith.constant 0 : i32
      %eq3A_27 = arith.cmpi eq, %jit3A_26, %eq3A : i32
      %jit3A_28 = arith.constant 1 : i32
      %select_n3A_29 = arith.select %eq3A_27, %jit3A_28, %jit3A_26 : i32
      %rem3A_30 = arith.remsi %scan3A_6, %select_n3A_29 : i32
      %ne3A_31 = arith.constant 0 : i32
      %ne3A_32 = arith.cmpi ne, %rem3A_30, %ne3A_31 : i32
      %lt3A = arith.constant 0 : i32
      %lt3A_33 = arith.cmpi slt, %rem3A_30, %lt3A : i32
      %lt3A_34 = arith.constant 0 : i32
      %lt3A_35 = arith.cmpi slt, %select_n3A_29, %lt3A_34 : i32
      %ne3A_36 = arith.xori %lt3A_33, %lt3A_35 : i1
      %and3A_37 = arith.andi %ne3A_36, %ne3A_32 : i1
      %add3A_38 = arith.addi %rem3A_30, %select_n3A_29 : i32
      %select_n3A_39 = arith.select %and3A_37, %add3A_38, %rem3A_30 : i32
      %jit3A_40 = arith.constant 24 : i32
      %div3A_41 = arith.divsi %add3A_25, %jit3A_40 : i32
      %sign3A_42 = arith.constant 0 : i32
      %sign3A_43 = arith.cmpi sgt, %add3A_25, %sign3A_42 : i32
      %sign3A_44 = arith.extui %sign3A_43 : i1 to i32
      %sign3A_45 = arith.constant 0 : i32
      %sign3A_46 = arith.cmpi slt, %add3A_25, %sign3A_45 : i32
      %sign3A_47 = arith.extui %sign3A_46 : i1 to i32
      %sign3A_48 = arith.subi %sign3A_44, %sign3A_47 : i32
      %sign3A_49 = arith.constant 0 : i32
      %sign3A_50 = arith.cmpi sgt, %jit3A_40, %sign3A_49 : i32
      %sign3A_51 = arith.extui %sign3A_50 : i1 to i32
      %sign3A_52 = arith.constant 0 : i32
      %sign3A_53 = arith.cmpi slt, %jit3A_40, %sign3A_52 : i32
      %sign3A_54 = arith.extui %sign3A_53 : i1 to i32
      %sign3A_55 = arith.subi %sign3A_51, %sign3A_54 : i32
      %ne3A_56 = arith.cmpi ne, %sign3A_48, %sign3A_55 : i32
      %rem3A_57 = arith.remsi %add3A_25, %jit3A_40 : i32
      %ne3A_58 = arith.constant 0 : i32
      %ne3A_59 = arith.cmpi ne, %rem3A_57, %ne3A_58 : i32
      %and3A_60 = arith.andi %ne3A_56, %ne3A_59 : i1
      %sub3A_61 = arith.constant 1 : i32
      %sub3A_62 = arith.subi %div3A_41, %sub3A_61 : i32
      %select_n3A_63 = arith.select %and3A_60, %sub3A_62, %div3A_41 : i32
      %jit3A_64 = arith.constant 24 : i32
      %eq3A_65 = arith.constant 0 : i32
      %eq3A_66 = arith.cmpi eq, %jit3A_64, %eq3A_65 : i32
      %jit3A_67 = arith.constant 1 : i32
      %select_n3A_68 = arith.select %eq3A_66, %jit3A_67, %jit3A_64 : i32
      %rem3A_69 = arith.remsi %add3A_25, %select_n3A_68 : i32
      %ne3A_70 = arith.constant 0 : i32
      %ne3A_71 = arith.cmpi ne, %rem3A_69, %ne3A_70 : i32
      %lt3A_72 = arith.constant 0 : i32
      %lt3A_73 = arith.cmpi slt, %rem3A_69, %lt3A_72 : i32
      %lt3A_74 = arith.constant 0 : i32
      %lt3A_75 = arith.cmpi slt, %select_n3A_68, %lt3A_74 : i32
      %ne3A_76 = arith.xori %lt3A_73, %lt3A_75 : i1
      %and3A_77 = arith.andi %ne3A_76, %ne3A_71 : i1
      %add3A_78 = arith.addi %rem3A_69, %select_n3A_68 : i32
      %select_n3A_79 = arith.select %and3A_77, %add3A_78, %rem3A_69 : i32
      %jit3A_80 = arith.constant 8 : i32
      %div3A_81 = arith.divsi %select_n3A_79, %jit3A_80 : i32
      %sign3A_82 = arith.constant 0 : i32
      %sign3A_83 = arith.cmpi sgt, %select_n3A_79, %sign3A_82 : i32
      %sign3A_84 = arith.extui %sign3A_83 : i1 to i32
      %sign3A_85 = arith.constant 0 : i32
      %sign3A_86 = arith.cmpi slt, %select_n3A_79, %sign3A_85 : i32
      %sign3A_87 = arith.extui %sign3A_86 : i1 to i32
      %sign3A_88 = arith.subi %sign3A_84, %sign3A_87 : i32
      %sign3A_89 = arith.constant 0 : i32
      %sign3A_90 = arith.cmpi sgt, %jit3A_80, %sign3A_89 : i32
      %sign3A_91 = arith.extui %sign3A_90 : i1 to i32
      %sign3A_92 = arith.constant 0 : i32
      %sign3A_93 = arith.cmpi slt, %jit3A_80, %sign3A_92 : i32
      %sign3A_94 = arith.extui %sign3A_93 : i1 to i32
      %sign3A_95 = arith.subi %sign3A_91, %sign3A_94 : i32
      %ne3A_96 = arith.cmpi ne, %sign3A_88, %sign3A_95 : i32
      %rem3A_97 = arith.remsi %select_n3A_79, %jit3A_80 : i32
      %ne3A_98 = arith.constant 0 : i32
      %ne3A_99 = arith.cmpi ne, %rem3A_97, %ne3A_98 : i32
      %and3A_100 = arith.andi %ne3A_96, %ne3A_99 : i1
      %sub3A_101 = arith.constant 1 : i32
      %sub3A_102 = arith.subi %div3A_81, %sub3A_101 : i32
      %select_n3A_103 = arith.select %and3A_100, %sub3A_102, %div3A_81 : i32
      %jit3A_104 = arith.constant 8 : i32
      %eq3A_105 = arith.constant 0 : i32
      %eq3A_106 = arith.cmpi eq, %jit3A_104, %eq3A_105 : i32
      %jit3A_107 = arith.constant 1 : i32
      %select_n3A_108 = arith.select %eq3A_106, %jit3A_107, %jit3A_104 : i32
      %rem3A_109 = arith.remsi %select_n3A_79, %select_n3A_108 : i32
      %ne3A_110 = arith.constant 0 : i32
      %ne3A_111 = arith.cmpi ne, %rem3A_109, %ne3A_110 : i32
      %lt3A_112 = arith.constant 0 : i32
      %lt3A_113 = arith.cmpi slt, %rem3A_109, %lt3A_112 : i32
      %lt3A_114 = arith.constant 0 : i32
      %lt3A_115 = arith.cmpi slt, %select_n3A_108, %lt3A_114 : i32
      %ne3A_116 = arith.xori %lt3A_113, %lt3A_115 : i1
      %and3A_117 = arith.andi %ne3A_116, %ne3A_111 : i1
      %add3A_118 = arith.addi %rem3A_109, %select_n3A_108 : i32
      %select_n3A_119 = arith.select %and3A_117, %add3A_118, %rem3A_109 : i32
      %mul3A_120 = arith.constant 3 : i32
      %mul3A_121 = arith.muli %select_n3A_63, %mul3A_120 : i32
      %add3A_122 = arith.addi %mul3A_121, %select_n3A_103 : i32
      %mul3A_123 = arith.constant 64 : i32
      %mul3A_124 = arith.muli %select_n3A_103, %mul3A_123 : i32
      %mul3A_125 = arith.constant 8 : i32
      %mul3A_126 = arith.muli %select_n3A_119, %mul3A_125 : i32
      %add3A_127 = arith.addi %mul3A_124, %mul3A_126 : i32
      %mul3A_128 = arith.constant 32 : i32
      %mul3A_129 = arith.muli %select_n3A_39, %mul3A_128 : i32
      %mul3A_130 = arith.constant 192 : i32
      %mul3A_131 = arith.muli %select_n3A_63, %mul3A_130 : i32
      %add3A_132 = arith.addi %mul3A_131, %add3A_127 : i32
      %add3A_133 = arith.constant 0 : i32
      %add3A_134 = arith.addi %add3A_132, %add3A_133 : i32
      %mul3A_135 = arith.constant 224 : i32
      %mul3A_136 = arith.muli %add3A_134, %mul3A_135 : i32
      %add3A_137 = arith.addi %mul3A_136, %mul3A_129 : i32
      %mul3A_138 = arith.constant 224 : i32
      %mul3A_139 = arith.muli %add3A_137, %mul3A_138 : i32
      %dma_start3A = arith.constant 0 : i32
      %dma_start3A_140 = tpu.memref_slice %arg4[%dma_start3A] : memref<57344xf32, #tpu.memory_space<vmem>> -> memref<7168xf32, #tpu.memory_space<vmem>>
      %dma_start3A_141 = tpu.memref_slice %arg2[%mul3A_139] : memref<38535168xf32, #tpu.memory_space<hbm>> -> memref<7168xf32, #tpu.memory_space<hbm>>
      %dma_start3A_142 = arith.constant 0 : i32
      %dma_start3A_143 = tpu.memref_slice %arg4[%dma_start3A_142] : memref<57344xf32, #tpu.memory_space<vmem>> -> memref<7168xf32, #tpu.memory_space<vmem>>
      %dma_start3A_144 = tpu.memref_slice %arg2[%mul3A_139] : memref<38535168xf32, #tpu.memory_space<hbm>> -> memref<7168xf32, #tpu.memory_space<hbm>>
      tpu.enqueue_dma source(%dma_start3A_144 : memref<7168xf32, #tpu.memory_space<hbm>>) target(%dma_start3A_143 : memref<7168xf32, #tpu.memory_space<vmem>>) target_semaphore(%arg6 : memref<!tpu.dma_semaphore, #tpu.memory_space<semaphore_mem>>)
      %mul3A_145 = arith.constant 192 : i32
      %mul3A_146 = arith.muli %select_n3A_63, %mul3A_145 : i32
      %add3A_147 = arith.addi %mul3A_146, %add3A_127 : i32
      %add3A_148 = arith.constant 1 : i32
      %add3A_149 = arith.addi %add3A_147, %add3A_148 : i32
      %mul3A_150 = arith.constant 224 : i32
      %mul3A_151 = arith.muli %add3A_149, %mul3A_150 : i32
      %add3A_152 = arith.addi %mul3A_151, %mul3A_129 : i32
      %mul3A_153 = arith.constant 224 : i32
      %mul3A_154 = arith.muli %add3A_152, %mul3A_153 : i32
      %dma_start3A_155 = arith.constant 7168 : i32
      %dma_start3A_156 = tpu.memref_slice %arg4[%dma_start3A_155] : memref<57344xf32, #tpu.memory_space<vmem>> -> memref<7168xf32, #tpu.memory_space<vmem>>
      %dma_start3A_157 = tpu.memref_slice %arg2[%mul3A_154] : memref<38535168xf32, #tpu.memory_space<hbm>> -> memref<7168xf32, #tpu.memory_space<hbm>>
      %dma_start3A_158 = arith.constant 7168 : i32
      %dma_start3A_159 = tpu.memref_slice %arg4[%dma_start3A_158] : memref<57344xf32, #tpu.memory_space<vmem>> -> memref<7168xf32, #tpu.memory_space<vmem>>
      %dma_start3A_160 = tpu.memref_slice %arg2[%mul3A_154] : memref<38535168xf32, #tpu.memory_space<hbm>> -> memref<7168xf32, #tpu.memory_space<hbm>>
      tpu.enqueue_dma source(%dma_start3A_160 : memref<7168xf32, #tpu.memory_space<hbm>>) target(%dma_start3A_159 : memref<7168xf32, #tpu.memory_space<vmem>>) target_semaphore(%arg6 : memref<!tpu.dma_semaphore, #tpu.memory_space<semaphore_mem>>)
      %mul3A_161 = arith.constant 192 : i32
      %mul3A_162 = arith.muli %select_n3A_63, %mul3A_161 : i32
      %add3A_163 = arith.addi %mul3A_162, %add3A_127 : i32
      %add3A_164 = arith.constant 2 : i32
      %add3A_165 = arith.addi %add3A_163, %add3A_164 : i32
      %mul3A_166 = arith.constant 224 : i32
      %mul3A_167 = arith.muli %add3A_165, %mul3A_166 : i32
      %add3A_168 = arith.addi %mul3A_167, %mul3A_129 : i32
      %mul3A_169 = arith.constant 224 : i32
      %mul3A_170 = arith.muli %add3A_168, %mul3A_169 : i32
      %dma_start3A_171 = arith.constant 14336 : i32
      %dma_start3A_172 = tpu.memref_slice %arg4[%dma_start3A_171] : memref<57344xf32, #tpu.memory_space<vmem>> -> memref<7168xf32, #tpu.memory_space<vmem>>
      %dma_start3A_173 = tpu.memref_slice %arg2[%mul3A_170] : memref<38535168xf32, #tpu.memory_space<hbm>> -> memref<7168xf32, #tpu.memory_space<hbm>>
      %dma_start3A_174 = arith.constant 14336 : i32
      %dma_start3A_175 = tpu.memref_slice %arg4[%dma_start3A_174] : memref<57344xf32, #tpu.memory_space<vmem>> -> memref<7168xf32, #tpu.memory_space<vmem>>
      %dma_start3A_176 = tpu.memref_slice %arg2[%mul3A_170] : memref<38535168xf32, #tpu.memory_space<hbm>> -> memref<7168xf32, #tpu.memory_space<hbm>>
      tpu.enqueue_dma source(%dma_start3A_176 : memref<7168xf32, #tpu.memory_space<hbm>>) target(%dma_start3A_175 : memref<7168xf32, #tpu.memory_space<vmem>>) target_semaphore(%arg6 : memref<!tpu.dma_semaphore, #tpu.memory_space<semaphore_mem>>)
      %mul3A_177 = arith.constant 192 : i32
      %mul3A_178 = arith.muli %select_n3A_63, %mul3A_177 : i32
      %add3A_179 = arith.addi %mul3A_178, %add3A_127 : i32
      %add3A_180 = arith.constant 3 : i32
      %add3A_181 = arith.addi %add3A_179, %add3A_180 : i32
      %mul3A_182 = arith.constant 224 : i32
      %mul3A_183 = arith.muli %add3A_181, %mul3A_182 : i32
      %add3A_184 = arith.addi %mul3A_183, %mul3A_129 : i32
      %mul3A_185 = arith.constant 224 : i32
      %mul3A_186 = arith.muli %add3A_184, %mul3A_185 : i32
      %dma_start3A_187 = arith.constant 21504 : i32
      %dma_start3A_188 = tpu.memref_slice %arg4[%dma_start3A_187] : memref<57344xf32, #tpu.memory_space<vmem>> -> memref<7168xf32, #tpu.memory_space<vmem>>
      %dma_start3A_189 = tpu.memref_slice %arg2[%mul3A_186] : memref<38535168xf32, #tpu.memory_space<hbm>> -> memref<7168xf32, #tpu.memory_space<hbm>>
      %dma_start3A_190 = arith.constant 21504 : i32
      %dma_start3A_191 = tpu.memref_slice %arg4[%dma_start3A_190] : memref<57344xf32, #tpu.memory_space<vmem>> -> memref<7168xf32, #tpu.memory_space<vmem>>
      %dma_start3A_192 = tpu.memref_slice %arg2[%mul3A_186] : memref<38535168xf32, #tpu.memory_space<hbm>> -> memref<7168xf32, #tpu.memory_space<hbm>>
      tpu.enqueue_dma source(%dma_start3A_192 : memref<7168xf32, #tpu.memory_space<hbm>>) target(%dma_start3A_191 : memref<7168xf32, #tpu.memory_space<vmem>>) target_semaphore(%arg6 : memref<!tpu.dma_semaphore, #tpu.memory_space<semaphore_mem>>)
      %mul3A_193 = arith.constant 192 : i32
      %mul3A_194 = arith.muli %select_n3A_63, %mul3A_193 : i32
      %add3A_195 = arith.addi %mul3A_194, %add3A_127 : i32
      %add3A_196 = arith.constant 4 : i32
      %add3A_197 = arith.addi %add3A_195, %add3A_196 : i32
      %mul3A_198 = arith.constant 224 : i32
      %mul3A_199 = arith.muli %add3A_197, %mul3A_198 : i32
      %add3A_200 = arith.addi %mul3A_199, %mul3A_129 : i32
      %mul3A_201 = arith.constant 224 : i32
      %mul3A_202 = arith.muli %add3A_200, %mul3A_201 : i32
      %dma_start3A_203 = arith.constant 28672 : i32
      %dma_start3A_204 = tpu.memref_slice %arg4[%dma_start3A_203] : memref<57344xf32, #tpu.memory_space<vmem>> -> memref<7168xf32, #tpu.memory_space<vmem>>
      %dma_start3A_205 = tpu.memref_slice %arg2[%mul3A_202] : memref<38535168xf32, #tpu.memory_space<hbm>> -> memref<7168xf32, #tpu.memory_space<hbm>>
      %dma_start3A_206 = arith.constant 28672 : i32
      %dma_start3A_207 = tpu.memref_slice %arg4[%dma_start3A_206] : memref<57344xf32, #tpu.memory_space<vmem>> -> memref<7168xf32, #tpu.memory_space<vmem>>
      %dma_start3A_208 = tpu.memref_slice %arg2[%mul3A_202] : memref<38535168xf32, #tpu.memory_space<hbm>> -> memref<7168xf32, #tpu.memory_space<hbm>>
      tpu.enqueue_dma source(%dma_start3A_208 : memref<7168xf32, #tpu.memory_space<hbm>>) target(%dma_start3A_207 : memref<7168xf32, #tpu.memory_space<vmem>>) target_semaphore(%arg6 : memref<!tpu.dma_semaphore, #tpu.memory_space<semaphore_mem>>)
      %mul3A_209 = arith.constant 192 : i32
      %mul3A_210 = arith.muli %select_n3A_63, %mul3A_209 : i32
      %add3A_211 = arith.addi %mul3A_210, %add3A_127 : i32
      %add3A_212 = arith.constant 5 : i32
      %add3A_213 = arith.addi %add3A_211, %add3A_212 : i32
      %mul3A_214 = arith.constant 224 : i32
      %mul3A_215 = arith.muli %add3A_213, %mul3A_214 : i32
      %add3A_216 = arith.addi %mul3A_215, %mul3A_129 : i32
      %mul3A_217 = arith.constant 224 : i32
      %mul3A_218 = arith.muli %add3A_216, %mul3A_217 : i32
      %dma_start3A_219 = arith.constant 35840 : i32
      %dma_start3A_220 = tpu.memref_slice %arg4[%dma_start3A_219] : memref<57344xf32, #tpu.memory_space<vmem>> -> memref<7168xf32, #tpu.memory_space<vmem>>
      %dma_start3A_221 = tpu.memref_slice %arg2[%mul3A_218] : memref<38535168xf32, #tpu.memory_space<hbm>> -> memref<7168xf32, #tpu.memory_space<hbm>>
      %dma_start3A_222 = arith.constant 35840 : i32
      %dma_start3A_223 = tpu.memref_slice %arg4[%dma_start3A_222] : memref<57344xf32, #tpu.memory_space<vmem>> -> memref<7168xf32, #tpu.memory_space<vmem>>
      %dma_start3A_224 = tpu.memref_slice %arg2[%mul3A_218] : memref<38535168xf32, #tpu.memory_space<hbm>> -> memref<7168xf32, #tpu.memory_space<hbm>>
      tpu.enqueue_dma source(%dma_start3A_224 : memref<7168xf32, #tpu.memory_space<hbm>>) target(%dma_start3A_223 : memref<7168xf32, #tpu.memory_space<vmem>>) target_semaphore(%arg6 : memref<!tpu.dma_semaphore, #tpu.memory_space<semaphore_mem>>)
      %mul3A_225 = arith.constant 192 : i32
      %mul3A_226 = arith.muli %select_n3A_63, %mul3A_225 : i32
      %add3A_227 = arith.addi %mul3A_226, %add3A_127 : i32
      %add3A_228 = arith.constant 6 : i32
      %add3A_229 = arith.addi %add3A_227, %add3A_228 : i32
      %mul3A_230 = arith.constant 224 : i32
      %mul3A_231 = arith.muli %add3A_229, %mul3A_230 : i32
      %add3A_232 = arith.addi %mul3A_231, %mul3A_129 : i32
      %mul3A_233 = arith.constant 224 : i32
      %mul3A_234 = arith.muli %add3A_232, %mul3A_233 : i32
      %dma_start3A_235 = arith.constant 43008 : i32
      %dma_start3A_236 = tpu.memref_slice %arg4[%dma_start3A_235] : memref<57344xf32, #tpu.memory_space<vmem>> -> memref<7168xf32, #tpu.memory_space<vmem>>
      %dma_start3A_237 = tpu.memref_slice %arg2[%mul3A_234] : memref<38535168xf32, #tpu.memory_space<hbm>> -> memref<7168xf32, #tpu.memory_space<hbm>>
      %dma_start3A_238 = arith.constant 43008 : i32
      %dma_start3A_239 = tpu.memref_slice %arg4[%dma_start3A_238] : memref<57344xf32, #tpu.memory_space<vmem>> -> memref<7168xf32, #tpu.memory_space<vmem>>
      %dma_start3A_240 = tpu.memref_slice %arg2[%mul3A_234] : memref<38535168xf32, #tpu.memory_space<hbm>> -> memref<7168xf32, #tpu.memory_space<hbm>>
      tpu.enqueue_dma source(%dma_start3A_240 : memref<7168xf32, #tpu.memory_space<hbm>>) target(%dma_start3A_239 : memref<7168xf32, #tpu.memory_space<vmem>>) target_semaphore(%arg6 : memref<!tpu.dma_semaphore, #tpu.memory_space<semaphore_mem>>)
      %mul3A_241 = arith.constant 192 : i32
      %mul3A_242 = arith.muli %select_n3A_63, %mul3A_241 : i32
      %add3A_243 = arith.addi %mul3A_242, %add3A_127 : i32
      %add3A_244 = arith.constant 7 : i32
      %add3A_245 = arith.addi %add3A_243, %add3A_244 : i32
      %mul3A_246 = arith.constant 224 : i32
      %mul3A_247 = arith.muli %add3A_245, %mul3A_246 : i32
      %add3A_248 = arith.addi %mul3A_247, %mul3A_129 : i32
      %mul3A_249 = arith.constant 224 : i32
      %mul3A_250 = arith.muli %add3A_248, %mul3A_249 : i32
      %dma_start3A_251 = arith.constant 50176 : i32
      %dma_start3A_252 = tpu.memref_slice %arg4[%dma_start3A_251] : memref<57344xf32, #tpu.memory_space<vmem>> -> memref<7168xf32, #tpu.memory_space<vmem>>
      %dma_start3A_253 = tpu.memref_slice %arg2[%mul3A_250] : memref<38535168xf32, #tpu.memory_space<hbm>> -> memref<7168xf32, #tpu.memory_space<hbm>>
      %dma_start3A_254 = arith.constant 50176 : i32
      %dma_start3A_255 = tpu.memref_slice %arg4[%dma_start3A_254] : memref<57344xf32, #tpu.memory_space<vmem>> -> memref<7168xf32, #tpu.memory_space<vmem>>
      %dma_start3A_256 = tpu.memref_slice %arg2[%mul3A_250] : memref<38535168xf32, #tpu.memory_space<hbm>> -> memref<7168xf32, #tpu.memory_space<hbm>>
      tpu.enqueue_dma source(%dma_start3A_256 : memref<7168xf32, #tpu.memory_space<hbm>>) target(%dma_start3A_255 : memref<7168xf32, #tpu.memory_space<vmem>>) target_semaphore(%arg6 : memref<!tpu.dma_semaphore, #tpu.memory_space<semaphore_mem>>)
      %dma_wait3A = arith.constant 0 : i32
      %dma_wait3A_257 = tpu.memref_slice %arg4[%dma_wait3A] : memref<57344xf32, #tpu.memory_space<vmem>> -> memref<7168xf32, #tpu.memory_space<vmem>>
      %dma_wait3A_258 = tpu.memref_slice %arg2[%mul3A_139] : memref<38535168xf32, #tpu.memory_space<hbm>> -> memref<7168xf32, #tpu.memory_space<hbm>>
      %dma_wait3A_259 = arith.constant 0 : i32
      %dma_wait3A_260 = tpu.memref_slice %arg4[%dma_wait3A_259] : memref<57344xf32, #tpu.memory_space<vmem>> -> memref<7168xf32, #tpu.memory_space<vmem>>
      %dma_wait3A_261 = tpu.memref_slice %arg2[%mul3A_139] : memref<38535168xf32, #tpu.memory_space<hbm>> -> memref<7168xf32, #tpu.memory_space<hbm>>
      tpu.wait_dma2 semaphore(%arg6 : memref<!tpu.dma_semaphore, #tpu.memory_space<semaphore_mem>>) src(%dma_wait3A_261 : memref<7168xf32, #tpu.memory_space<hbm>>) dst(%dma_wait3A_260 : memref<7168xf32, #tpu.memory_space<vmem>>)
      %dma_wait3A_262 = arith.constant 7168 : i32
      %dma_wait3A_263 = tpu.memref_slice %arg4[%dma_wait3A_262] : memref<57344xf32, #tpu.memory_space<vmem>> -> memref<7168xf32, #tpu.memory_space<vmem>>
      %dma_wait3A_264 = tpu.memref_slice %arg2[%mul3A_154] : memref<38535168xf32, #tpu.memory_space<hbm>> -> memref<7168xf32, #tpu.memory_space<hbm>>
      %dma_wait3A_265 = arith.constant 7168 : i32
      %dma_wait3A_266 = tpu.memref_slice %arg4[%dma_wait3A_265] : memref<57344xf32, #tpu.memory_space<vmem>> -> memref<7168xf32, #tpu.memory_space<vmem>>
      %dma_wait3A_267 = tpu.memref_slice %arg2[%mul3A_154] : memref<38535168xf32, #tpu.memory_space<hbm>> -> memref<7168xf32, #tpu.memory_space<hbm>>
      tpu.wait_dma2 semaphore(%arg6 : memref<!tpu.dma_semaphore, #tpu.memory_space<semaphore_mem>>) src(%dma_wait3A_267 : memref<7168xf32, #tpu.memory_space<hbm>>) dst(%dma_wait3A_266 : memref<7168xf32, #tpu.memory_space<vmem>>)
      %dma_wait3A_268 = arith.constant 14336 : i32
      %dma_wait3A_269 = tpu.memref_slice %arg4[%dma_wait3A_268] : memref<57344xf32, #tpu.memory_space<vmem>> -> memref<7168xf32, #tpu.memory_space<vmem>>
      %dma_wait3A_270 = tpu.memref_slice %arg2[%mul3A_170] : memref<38535168xf32, #tpu.memory_space<hbm>> -> memref<7168xf32, #tpu.memory_space<hbm>>
      %dma_wait3A_271 = arith.constant 14336 : i32
      %dma_wait3A_272 = tpu.memref_slice %arg4[%dma_wait3A_271] : memref<57344xf32, #tpu.memory_space<vmem>> -> memref<7168xf32, #tpu.memory_space<vmem>>
      %dma_wait3A_273 = tpu.memref_slice %arg2[%mul3A_170] : memref<38535168xf32, #tpu.memory_space<hbm>> -> memref<7168xf32, #tpu.memory_space<hbm>>
      tpu.wait_dma2 semaphore(%arg6 : memref<!tpu.dma_semaphore, #tpu.memory_space<semaphore_mem>>) src(%dma_wait3A_273 : memref<7168xf32, #tpu.memory_space<hbm>>) dst(%dma_wait3A_272 : memref<7168xf32, #tpu.memory_space<vmem>>)
      %dma_wait3A_274 = arith.constant 21504 : i32
      %dma_wait3A_275 = tpu.memref_slice %arg4[%dma_wait3A_274] : memref<57344xf32, #tpu.memory_space<vmem>> -> memref<7168xf32, #tpu.memory_space<vmem>>
      %dma_wait3A_276 = tpu.memref_slice %arg2[%mul3A_186] : memref<38535168xf32, #tpu.memory_space<hbm>> -> memref<7168xf32, #tpu.memory_space<hbm>>
      %dma_wait3A_277 = arith.constant 21504 : i32
      %dma_wait3A_278 = tpu.memref_slice %arg4[%dma_wait3A_277] : memref<57344xf32, #tpu.memory_space<vmem>> -> memref<7168xf32, #tpu.memory_space<vmem>>
      %dma_wait3A_279 = tpu.memref_slice %arg2[%mul3A_186] : memref<38535168xf32, #tpu.memory_space<hbm>> -> memref<7168xf32, #tpu.memory_space<hbm>>
      tpu.wait_dma2 semaphore(%arg6 : memref<!tpu.dma_semaphore, #tpu.memory_space<semaphore_mem>>) src(%dma_wait3A_279 : memref<7168xf32, #tpu.memory_space<hbm>>) dst(%dma_wait3A_278 : memref<7168xf32, #tpu.memory_space<vmem>>)
      %dma_wait3A_280 = arith.constant 28672 : i32
      %dma_wait3A_281 = tpu.memref_slice %arg4[%dma_wait3A_280] : memref<57344xf32, #tpu.memory_space<vmem>> -> memref<7168xf32, #tpu.memory_space<vmem>>
      %dma_wait3A_282 = tpu.memref_slice %arg2[%mul3A_202] : memref<38535168xf32, #tpu.memory_space<hbm>> -> memref<7168xf32, #tpu.memory_space<hbm>>
      %dma_wait3A_283 = arith.constant 28672 : i32
      %dma_wait3A_284 = tpu.memref_slice %arg4[%dma_wait3A_283] : memref<57344xf32, #tpu.memory_space<vmem>> -> memref<7168xf32, #tpu.memory_space<vmem>>
      %dma_wait3A_285 = tpu.memref_slice %arg2[%mul3A_202] : memref<38535168xf32, #tpu.memory_space<hbm>> -> memref<7168xf32, #tpu.memory_space<hbm>>
      tpu.wait_dma2 semaphore(%arg6 : memref<!tpu.dma_semaphore, #tpu.memory_space<semaphore_mem>>) src(%dma_wait3A_285 : memref<7168xf32, #tpu.memory_space<hbm>>) dst(%dma_wait3A_284 : memref<7168xf32, #tpu.memory_space<vmem>>)
      %dma_wait3A_286 = arith.constant 35840 : i32
      %dma_wait3A_287 = tpu.memref_slice %arg4[%dma_wait3A_286] : memref<57344xf32, #tpu.memory_space<vmem>> -> memref<7168xf32, #tpu.memory_space<vmem>>
      %dma_wait3A_288 = tpu.memref_slice %arg2[%mul3A_218] : memref<38535168xf32, #tpu.memory_space<hbm>> -> memref<7168xf32, #tpu.memory_space<hbm>>
      %dma_wait3A_289 = arith.constant 35840 : i32
      %dma_wait3A_290 = tpu.memref_slice %arg4[%dma_wait3A_289] : memref<57344xf32, #tpu.memory_space<vmem>> -> memref<7168xf32, #tpu.memory_space<vmem>>
      %dma_wait3A_291 = tpu.memref_slice %arg2[%mul3A_218] : memref<38535168xf32, #tpu.memory_space<hbm>> -> memref<7168xf32, #tpu.memory_space<hbm>>
      tpu.wait_dma2 semaphore(%arg6 : memref<!tpu.dma_semaphore, #tpu.memory_space<semaphore_mem>>) src(%dma_wait3A_291 : memref<7168xf32, #tpu.memory_space<hbm>>) dst(%dma_wait3A_290 : memref<7168xf32, #tpu.memory_space<vmem>>)
      %dma_wait3A_292 = arith.constant 43008 : i32
      %dma_wait3A_293 = tpu.memref_slice %arg4[%dma_wait3A_292] : memref<57344xf32, #tpu.memory_space<vmem>> -> memref<7168xf32, #tpu.memory_space<vmem>>
      %dma_wait3A_294 = tpu.memref_slice %arg2[%mul3A_234] : memref<38535168xf32, #tpu.memory_space<hbm>> -> memref<7168xf32, #tpu.memory_space<hbm>>
      %dma_wait3A_295 = arith.constant 43008 : i32
      %dma_wait3A_296 = tpu.memref_slice %arg4[%dma_wait3A_295] : memref<57344xf32, #tpu.memory_space<vmem>> -> memref<7168xf32, #tpu.memory_space<vmem>>
      %dma_wait3A_297 = tpu.memref_slice %arg2[%mul3A_234] : memref<38535168xf32, #tpu.memory_space<hbm>> -> memref<7168xf32, #tpu.memory_space<hbm>>
      tpu.wait_dma2 semaphore(%arg6 : memref<!tpu.dma_semaphore, #tpu.memory_space<semaphore_mem>>) src(%dma_wait3A_297 : memref<7168xf32, #tpu.memory_space<hbm>>) dst(%dma_wait3A_296 : memref<7168xf32, #tpu.memory_space<vmem>>)
      %dma_wait3A_298 = arith.constant 50176 : i32
      %dma_wait3A_299 = tpu.memref_slice %arg4[%dma_wait3A_298] : memref<57344xf32, #tpu.memory_space<vmem>> -> memref<7168xf32, #tpu.memory_space<vmem>>
      %dma_wait3A_300 = tpu.memref_slice %arg2[%mul3A_250] : memref<38535168xf32, #tpu.memory_space<hbm>> -> memref<7168xf32, #tpu.memory_space<hbm>>
      %dma_wait3A_301 = arith.constant 50176 : i32
      %dma_wait3A_302 = tpu.memref_slice %arg4[%dma_wait3A_301] : memref<57344xf32, #tpu.memory_space<vmem>> -> memref<7168xf32, #tpu.memory_space<vmem>>
      %dma_wait3A_303 = tpu.memref_slice %arg2[%mul3A_250] : memref<38535168xf32, #tpu.memory_space<hbm>> -> memref<7168xf32, #tpu.memory_space<hbm>>
      tpu.wait_dma2 semaphore(%arg6 : memref<!tpu.dma_semaphore, #tpu.memory_space<semaphore_mem>>) src(%dma_wait3A_303 : memref<7168xf32, #tpu.memory_space<hbm>>) dst(%dma_wait3A_302 : memref<7168xf32, #tpu.memory_space<vmem>>)
      %scan3A_304 = arith.constant 0 : i32
      %scan3A_305 = arith.constant 0 : i32
      %scan3A_306 = arith.constant 32 : i32
      %scan3A_307 = arith.addi %scan3A_305, %scan3A_306 : i32
      %scan3A_308 = arith.constant 1 : i32
      scf.for %scan3A_828 = %scan3A_305 to %scan3A_307 step %scan3A_308  : i32 {
        %mul3A_829 = arith.constant 1792 : i32
        %mul3A_830 = arith.muli %scan3A_828, %mul3A_829 : i32
        %mul3A_831 = arith.constant 8 : i32
        %mul3A_832 = vector.broadcast %mul3A_831 : i32 to vector<16xi32>
        %mul3A_833 = arith.muli %iota3A, %mul3A_832 : vector<16xi32>
        %add3A_834 = arith.constant 0 : i32
        %add3A_835 = vector.broadcast %add3A_834 : i32 to vector<16xi32>
        %add3A_836 = arith.addi %mul3A_833, %add3A_835 : vector<16xi32>
        %mul3A_837 = arith.constant 224 : i32
        %mul3A_838 = arith.muli %scan3A_828, %mul3A_837 : i32
        %add3A_839 = arith.constant 0 : i32
        %add3A_840 = arith.addi %add3A_839, %mul3A_838 : i32
        %add3A_841 = arith.constant 0 : i32
        %add3A_842 = arith.addi %add3A_840, %add3A_841 : i32
        %get3A = arith.index_cast %add3A_842 : i32 to index
        %get3A_843 = tpu.vector_load %arg4[%get3A] {strides = array<i32>} : memref<57344xf32, #tpu.memory_space<vmem>>, vector<16xf32>,
        %add3A_844 = arith.constant 0 : i32
        %add3A_845 = arith.addi %mul3A_830, %add3A_844 : i32
        %add3A_846 = vector.broadcast %add3A_845 : i32 to vector<16xi32>
        %add3A_847 = arith.addi %add3A_836, %add3A_846 : vector<16xi32>
        tpu.vector_store_idx %arg5[%add3A_847], %get3A_843 : memref<57344xf32, #tpu.memory_space<vmem>>[vector<16xi32>], vector<16xf32>,
        %add3A_848 = arith.constant 16 : i32
        %add3A_849 = arith.addi %add3A_840, %add3A_848 : i32
        %get3A_850 = arith.index_cast %add3A_849 : i32 to index
        %get3A_851 = tpu.vector_load %arg4[%get3A_850] {strides = array<i32>} : memref<57344xf32, #tpu.memory_space<vmem>>, vector<16xf32>,
        %add3A_852 = arith.constant 128 : i32
        %add3A_853 = arith.addi %mul3A_830, %add3A_852 : i32
        %add3A_854 = vector.broadcast %add3A_853 : i32 to vector<16xi32>
        %add3A_855 = arith.addi %add3A_836, %add3A_854 : vector<16xi32>
        tpu.vector_store_idx %arg5[%add3A_855], %get3A_851 : memref<57344xf32, #tpu.memory_space<vmem>>[vector<16xi32>], vector<16xf32>,
        %add3A_856 = arith.constant 32 : i32
        %add3A_857 = arith.addi %add3A_840, %add3A_856 : i32
        %get3A_858 = arith.index_cast %add3A_857 : i32 to index
        %get3A_859 = tpu.vector_load %arg4[%get3A_858] {strides = array<i32>} : memref<57344xf32, #tpu.memory_space<vmem>>, vector<16xf32>,
        %add3A_860 = arith.constant 256 : i32
        %add3A_861 = arith.addi %mul3A_830, %add3A_860 : i32
        %add3A_862 = vector.broadcast %add3A_861 : i32 to vector<16xi32>
        %add3A_863 = arith.addi %add3A_836, %add3A_862 : vector<16xi32>
        tpu.vector_store_idx %arg5[%add3A_863], %get3A_859 : memref<57344xf32, #tpu.memory_space<vmem>>[vector<16xi32>], vector<16xf32>,
        %add3A_864 = arith.constant 48 : i32
        %add3A_865 = arith.addi %add3A_840, %add3A_864 : i32
        %get3A_866 = arith.index_cast %add3A_865 : i32 to index
        %get3A_867 = tpu.vector_load %arg4[%get3A_866] {strides = array<i32>} : memref<57344xf32, #tpu.memory_space<vmem>>, vector<16xf32>,
        %add3A_868 = arith.constant 384 : i32
        %add3A_869 = arith.addi %mul3A_830, %add3A_868 : i32
        %add3A_870 = vector.broadcast %add3A_869 : i32 to vector<16xi32>
        %add3A_871 = arith.addi %add3A_836, %add3A_870 : vector<16xi32>
        tpu.vector_store_idx %arg5[%add3A_871], %get3A_867 : memref<57344xf32, #tpu.memory_space<vmem>>[vector<16xi32>], vector<16xf32>,
        %add3A_872 = arith.constant 64 : i32
        %add3A_873 = arith.addi %add3A_840, %add3A_872 : i32
        %get3A_874 = arith.index_cast %add3A_873 : i32 to index
        %get3A_875 = tpu.vector_load %arg4[%get3A_874] {strides = array<i32>} : memref<57344xf32, #tpu.memory_space<vmem>>, vector<16xf32>,
        %add3A_876 = arith.constant 512 : i32
        %add3A_877 = arith.addi %mul3A_830, %add3A_876 : i32
        %add3A_878 = vector.broadcast %add3A_877 : i32 to vector<16xi32>
        %add3A_879 = arith.addi %add3A_836, %add3A_878 : vector<16xi32>
        tpu.vector_store_idx %arg5[%add3A_879], %get3A_875 : memref<57344xf32, #tpu.memory_space<vmem>>[vector<16xi32>], vector<16xf32>,
        %add3A_880 = arith.constant 80 : i32
        %add3A_881 = arith.addi %add3A_840, %add3A_880 : i32
        %get3A_882 = arith.index_cast %add3A_881 : i32 to index
        %get3A_883 = tpu.vector_load %arg4[%get3A_882] {strides = array<i32>} : memref<57344xf32, #tpu.memory_space<vmem>>, vector<16xf32>,
        %add3A_884 = arith.constant 640 : i32
        %add3A_885 = arith.addi %mul3A_830, %add3A_884 : i32
        %add3A_886 = vector.broadcast %add3A_885 : i32 to vector<16xi32>
        %add3A_887 = arith.addi %add3A_836, %add3A_886 : vector<16xi32>
        tpu.vector_store_idx %arg5[%add3A_887], %get3A_883 : memref<57344xf32, #tpu.memory_space<vmem>>[vector<16xi32>], vector<16xf32>,
        %add3A_888 = arith.constant 96 : i32
        %add3A_889 = arith.addi %add3A_840, %add3A_888 : i32
        %get3A_890 = arith.index_cast %add3A_889 : i32 to index
        %get3A_891 = tpu.vector_load %arg4[%get3A_890] {strides = array<i32>} : memref<57344xf32, #tpu.memory_space<vmem>>, vector<16xf32>,
        %add3A_892 = arith.constant 768 : i32
        %add3A_893 = arith.addi %mul3A_830, %add3A_892 : i32
        %add3A_894 = vector.broadcast %add3A_893 : i32 to vector<16xi32>
        %add3A_895 = arith.addi %add3A_836, %add3A_894 : vector<16xi32>
        tpu.vector_store_idx %arg5[%add3A_895], %get3A_891 : memref<57344xf32, #tpu.memory_space<vmem>>[vector<16xi32>], vector<16xf32>,
        %add3A_896 = arith.constant 112 : i32
        %add3A_897 = arith.addi %add3A_840, %add3A_896 : i32
        %get3A_898 = arith.index_cast %add3A_897 : i32 to index
        %get3A_899 = tpu.vector_load %arg4[%get3A_898] {strides = array<i32>} : memref<57344xf32, #tpu.memory_space<vmem>>, vector<16xf32>,
        %add3A_900 = arith.constant 896 : i32
        %add3A_901 = arith.addi %mul3A_830, %add3A_900 : i32
        %add3A_902 = vector.broadcast %add3A_901 : i32 to vector<16xi32>
        %add3A_903 = arith.addi %add3A_836, %add3A_902 : vector<16xi32>
        tpu.vector_store_idx %arg5[%add3A_903], %get3A_899 : memref<57344xf32, #tpu.memory_space<vmem>>[vector<16xi32>], vector<16xf32>,
        %add3A_904 = arith.constant 128 : i32
        %add3A_905 = arith.addi %add3A_840, %add3A_904 : i32
        %get3A_906 = arith.index_cast %add3A_905 : i32 to index
        %get3A_907 = tpu.vector_load %arg4[%get3A_906] {strides = array<i32>} : memref<57344xf32, #tpu.memory_space<vmem>>, vector<16xf32>,
        %add3A_908 = arith.constant 1024 : i32
        %add3A_909 = arith.addi %mul3A_830, %add3A_908 : i32
        %add3A_910 = vector.broadcast %add3A_909 : i32 to vector<16xi32>
        %add3A_911 = arith.addi %add3A_836, %add3A_910 : vector<16xi32>
        tpu.vector_store_idx %arg5[%add3A_911], %get3A_907 : memref<57344xf32, #tpu.memory_space<vmem>>[vector<16xi32>], vector<16xf32>,
        %add3A_912 = arith.constant 144 : i32
        %add3A_913 = arith.addi %add3A_840, %add3A_912 : i32
        %get3A_914 = arith.index_cast %add3A_913 : i32 to index
        %get3A_915 = tpu.vector_load %arg4[%get3A_914] {strides = array<i32>} : memref<57344xf32, #tpu.memory_space<vmem>>, vector<16xf32>,
        %add3A_916 = arith.constant 1152 : i32
        %add3A_917 = arith.addi %mul3A_830, %add3A_916 : i32
        %add3A_918 = vector.broadcast %add3A_917 : i32 to vector<16xi32>
        %add3A_919 = arith.addi %add3A_836, %add3A_918 : vector<16xi32>
        tpu.vector_store_idx %arg5[%add3A_919], %get3A_915 : memref<57344xf32, #tpu.memory_space<vmem>>[vector<16xi32>], vector<16xf32>,
        %add3A_920 = arith.constant 160 : i32
        %add3A_921 = arith.addi %add3A_840, %add3A_920 : i32
        %get3A_922 = arith.index_cast %add3A_921 : i32 to index
        %get3A_923 = tpu.vector_load %arg4[%get3A_922] {strides = array<i32>} : memref<57344xf32, #tpu.memory_space<vmem>>, vector<16xf32>,
        %add3A_924 = arith.constant 1280 : i32
        %add3A_925 = arith.addi %mul3A_830, %add3A_924 : i32
        %add3A_926 = vector.broadcast %add3A_925 : i32 to vector<16xi32>
        %add3A_927 = arith.addi %add3A_836, %add3A_926 : vector<16xi32>
        tpu.vector_store_idx %arg5[%add3A_927], %get3A_923 : memref<57344xf32, #tpu.memory_space<vmem>>[vector<16xi32>], vector<16xf32>,
        %add3A_928 = arith.constant 176 : i32
        %add3A_929 = arith.addi %add3A_840, %add3A_928 : i32
        %get3A_930 = arith.index_cast %add3A_929 : i32 to index
        %get3A_931 = tpu.vector_load %arg4[%get3A_930] {strides = array<i32>} : memref<57344xf32, #tpu.memory_space<vmem>>, vector<16xf32>,
        %add3A_932 = arith.constant 1408 : i32
        %add3A_933 = arith.addi %mul3A_830, %add3A_932 : i32
        %add3A_934 = vector.broadcast %add3A_933 : i32 to vector<16xi32>
        %add3A_935 = arith.addi %add3A_836, %add3A_934 : vector<16xi32>
        tpu.vector_store_idx %arg5[%add3A_935], %get3A_931 : memref<57344xf32, #tpu.memory_space<vmem>>[vector<16xi32>], vector<16xf32>,
        %add3A_936 = arith.constant 192 : i32
        %add3A_937 = arith.addi %add3A_840, %add3A_936 : i32
        %get3A_938 = arith.index_cast %add3A_937 : i32 to index
        %get3A_939 = tpu.vector_load %arg4[%get3A_938] {strides = array<i32>} : memref<57344xf32, #tpu.memory_space<vmem>>, vector<16xf32>,
        %add3A_940 = arith.constant 1536 : i32
        %add3A_941 = arith.addi %mul3A_830, %add3A_940 : i32
        %add3A_942 = vector.broadcast %add3A_941 : i32 to vector<16xi32>
        %add3A_943 = arith.addi %add3A_836, %add3A_942 : vector<16xi32>
        tpu.vector_store_idx %arg5[%add3A_943], %get3A_939 : memref<57344xf32, #tpu.memory_space<vmem>>[vector<16xi32>], vector<16xf32>,
        %add3A_944 = arith.constant 208 : i32
        %add3A_945 = arith.addi %add3A_840, %add3A_944 : i32
        %get3A_946 = arith.index_cast %add3A_945 : i32 to index
        %get3A_947 = tpu.vector_load %arg4[%get3A_946] {strides = array<i32>} : memref<57344xf32, #tpu.memory_space<vmem>>, vector<16xf32>,
        %add3A_948 = arith.constant 1664 : i32
        %add3A_949 = arith.addi %mul3A_830, %add3A_948 : i32
        %add3A_950 = vector.broadcast %add3A_949 : i32 to vector<16xi32>
        %add3A_951 = arith.addi %add3A_836, %add3A_950 : vector<16xi32>
        tpu.vector_store_idx %arg5[%add3A_951], %get3A_947 : memref<57344xf32, #tpu.memory_space<vmem>>[vector<16xi32>], vector<16xf32>,
        %mul3A_952 = arith.constant 8 : i32
        %mul3A_953 = vector.broadcast %mul3A_952 : i32 to vector<16xi32>
        %mul3A_954 = arith.muli %iota3A, %mul3A_953 : vector<16xi32>
        %add3A_955 = arith.constant 1 : i32
        %add3A_956 = vector.broadcast %add3A_955 : i32 to vector<16xi32>
        %add3A_957 = arith.addi %mul3A_954, %add3A_956 : vector<16xi32>
        %mul3A_958 = arith.constant 224 : i32
        %mul3A_959 = arith.muli %scan3A_828, %mul3A_958 : i32
        %add3A_960 = arith.constant 7168 : i32
        %add3A_961 = arith.addi %add3A_960, %mul3A_959 : i32
        %add3A_962 = arith.constant 0 : i32
        %add3A_963 = arith.addi %add3A_961, %add3A_962 : i32
        %get3A_964 = arith.index_cast %add3A_963 : i32 to index
        %get3A_965 = tpu.vector_load %arg4[%get3A_964] {strides = array<i32>} : memref<57344xf32, #tpu.memory_space<vmem>>, vector<16xf32>,
        %add3A_966 = arith.constant 0 : i32
        %add3A_967 = arith.addi %mul3A_830, %add3A_966 : i32
        %add3A_968 = vector.broadcast %add3A_967 : i32 to vector<16xi32>
        %add3A_969 = arith.addi %add3A_957, %add3A_968 : vector<16xi32>
        tpu.vector_store_idx %arg5[%add3A_969], %get3A_965 : memref<57344xf32, #tpu.memory_space<vmem>>[vector<16xi32>], vector<16xf32>,
        %add3A_970 = arith.constant 16 : i32
        %add3A_971 = arith.addi %add3A_961, %add3A_970 : i32
        %get3A_972 = arith.index_cast %add3A_971 : i32 to index
        %get3A_973 = tpu.vector_load %arg4[%get3A_972] {strides = array<i32>} : memref<57344xf32, #tpu.memory_space<vmem>>, vector<16xf32>,
        %add3A_974 = arith.constant 128 : i32
        %add3A_975 = arith.addi %mul3A_830, %add3A_974 : i32
        %add3A_976 = vector.broadcast %add3A_975 : i32 to vector<16xi32>
        %add3A_977 = arith.addi %add3A_957, %add3A_976 : vector<16xi32>
        tpu.vector_store_idx %arg5[%add3A_977], %get3A_973 : memref<57344xf32, #tpu.memory_space<vmem>>[vector<16xi32>], vector<16xf32>,
        %add3A_978 = arith.constant 32 : i32
        %add3A_979 = arith.addi %add3A_961, %add3A_978 : i32
        %get3A_980 = arith.index_cast %add3A_979 : i32 to index
        %get3A_981 = tpu.vector_load %arg4[%get3A_980] {strides = array<i32>} : memref<57344xf32, #tpu.memory_space<vmem>>, vector<16xf32>,
        %add3A_982 = arith.constant 256 : i32
        %add3A_983 = arith.addi %mul3A_830, %add3A_982 : i32
        %add3A_984 = vector.broadcast %add3A_983 : i32 to vector<16xi32>
        %add3A_985 = arith.addi %add3A_957, %add3A_984 : vector<16xi32>
        tpu.vector_store_idx %arg5[%add3A_985], %get3A_981 : memref<57344xf32, #tpu.memory_space<vmem>>[vector<16xi32>], vector<16xf32>,
        %add3A_986 = arith.constant 48 : i32
        %add3A_987 = arith.addi %add3A_961, %add3A_986 : i32
        %get3A_988 = arith.index_cast %add3A_987 : i32 to index
        %get3A_989 = tpu.vector_load %arg4[%get3A_988] {strides = array<i32>} : memref<57344xf32, #tpu.memory_space<vmem>>, vector<16xf32>,
        %add3A_990 = arith.constant 384 : i32
        %add3A_991 = arith.addi %mul3A_830, %add3A_990 : i32
        %add3A_992 = vector.broadcast %add3A_991 : i32 to vector<16xi32>
        %add3A_993 = arith.addi %add3A_957, %add3A_992 : vector<16xi32>
        tpu.vector_store_idx %arg5[%add3A_993], %get3A_989 : memref<57344xf32, #tpu.memory_space<vmem>>[vector<16xi32>], vector<16xf32>,
        %add3A_994 = arith.constant 64 : i32
        %add3A_995 = arith.addi %add3A_961, %add3A_994 : i32
        %get3A_996 = arith.index_cast %add3A_995 : i32 to index
        %get3A_997 = tpu.vector_load %arg4[%get3A_996] {strides = array<i32>} : memref<57344xf32, #tpu.memory_space<vmem>>, vector<16xf32>,
        %add3A_998 = arith.constant 512 : i32
        %add3A_999 = arith.addi %mul3A_830, %add3A_998 : i32
        %add3A_1000 = vector.broadcast %add3A_999 : i32 to vector<16xi32>
        %add3A_1001 = arith.addi %add3A_957, %add3A_1000 : vector<16xi32>
        tpu.vector_store_idx %arg5[%add3A_1001], %get3A_997 : memref<57344xf32, #tpu.memory_space<vmem>>[vector<16xi32>], vector<16xf32>,
        %add3A_1002 = arith.constant 80 : i32
        %add3A_1003 = arith.addi %add3A_961, %add3A_1002 : i32
        %get3A_1004 = arith.index_cast %add3A_1003 : i32 to index
        %get3A_1005 = tpu.vector_load %arg4[%get3A_1004] {strides = array<i32>} : memref<57344xf32, #tpu.memory_space<vmem>>, vector<16xf32>,
        %add3A_1006 = arith.constant 640 : i32
        %add3A_1007 = arith.addi %mul3A_830, %add3A_1006 : i32
        %add3A_1008 = vector.broadcast %add3A_1007 : i32 to vector<16xi32>
        %add3A_1009 = arith.addi %add3A_957, %add3A_1008 : vector<16xi32>
        tpu.vector_store_idx %arg5[%add3A_1009], %get3A_1005 : memref<57344xf32, #tpu.memory_space<vmem>>[vector<16xi32>], vector<16xf32>,
        %add3A_1010 = arith.constant 96 : i32
        %add3A_1011 = arith.addi %add3A_961, %add3A_1010 : i32
        %get3A_1012 = arith.index_cast %add3A_1011 : i32 to index
        %get3A_1013 = tpu.vector_load %arg4[%get3A_1012] {strides = array<i32>} : memref<57344xf32, #tpu.memory_space<vmem>>, vector<16xf32>,
        %add3A_1014 = arith.constant 768 : i32
        %add3A_1015 = arith.addi %mul3A_830, %add3A_1014 : i32
        %add3A_1016 = vector.broadcast %add3A_1015 : i32 to vector<16xi32>
        %add3A_1017 = arith.addi %add3A_957, %add3A_1016 : vector<16xi32>
        tpu.vector_store_idx %arg5[%add3A_1017], %get3A_1013 : memref<57344xf32, #tpu.memory_space<vmem>>[vector<16xi32>], vector<16xf32>,
        %add3A_1018 = arith.constant 112 : i32
        %add3A_1019 = arith.addi %add3A_961, %add3A_1018 : i32
        %get3A_1020 = arith.index_cast %add3A_1019 : i32 to index
        %get3A_1021 = tpu.vector_load %arg4[%get3A_1020] {strides = array<i32>} : memref<57344xf32, #tpu.memory_space<vmem>>, vector<16xf32>,
        %add3A_1022 = arith.constant 896 : i32
        %add3A_1023 = arith.addi %mul3A_830, %add3A_1022 : i32
        %add3A_1024 = vector.broadcast %add3A_1023 : i32 to vector<16xi32>
        %add3A_1025 = arith.addi %add3A_957, %add3A_1024 : vector<16xi32>
        tpu.vector_store_idx %arg5[%add3A_1025], %get3A_1021 : memref<57344xf32, #tpu.memory_space<vmem>>[vector<16xi32>], vector<16xf32>,
        %add3A_1026 = arith.constant 128 : i32
        %add3A_1027 = arith.addi %add3A_961, %add3A_1026 : i32
        %get3A_1028 = arith.index_cast %add3A_1027 : i32 to index
        %get3A_1029 = tpu.vector_load %arg4[%get3A_1028] {strides = array<i32>} : memref<57344xf32, #tpu.memory_space<vmem>>, vector<16xf32>,
        %add3A_1030 = arith.constant 1024 : i32
        %add3A_1031 = arith.addi %mul3A_830, %add3A_1030 : i32
        %add3A_1032 = vector.broadcast %add3A_1031 : i32 to vector<16xi32>
        %add3A_1033 = arith.addi %add3A_957, %add3A_1032 : vector<16xi32>
        tpu.vector_store_idx %arg5[%add3A_1033], %get3A_1029 : memref<57344xf32, #tpu.memory_space<vmem>>[vector<16xi32>], vector<16xf32>,
        %add3A_1034 = arith.constant 144 : i32
        %add3A_1035 = arith.addi %add3A_961, %add3A_1034 : i32
        %get3A_1036 = arith.index_cast %add3A_1035 : i32 to index
        %get3A_1037 = tpu.vector_load %arg4[%get3A_1036] {strides = array<i32>} : memref<57344xf32, #tpu.memory_space<vmem>>, vector<16xf32>,
        %add3A_1038 = arith.constant 1152 : i32
        %add3A_1039 = arith.addi %mul3A_830, %add3A_1038 : i32
        %add3A_1040 = vector.broadcast %add3A_1039 : i32 to vector<16xi32>
        %add3A_1041 = arith.addi %add3A_957, %add3A_1040 : vector<16xi32>
        tpu.vector_store_idx %arg5[%add3A_1041], %get3A_1037 : memref<57344xf32, #tpu.memory_space<vmem>>[vector<16xi32>], vector<16xf32>,
        %add3A_1042 = arith.constant 160 : i32
        %add3A_1043 = arith.addi %add3A_961, %add3A_1042 : i32
        %get3A_1044 = arith.index_cast %add3A_1043 : i32 to index
        %get3A_1045 = tpu.vector_load %arg4[%get3A_1044] {strides = array<i32>} : memref<57344xf32, #tpu.memory_space<vmem>>, vector<16xf32>,
        %add3A_1046 = arith.constant 1280 : i32
        %add3A_1047 = arith.addi %mul3A_830, %add3A_1046 : i32
        %add3A_1048 = vector.broadcast %add3A_1047 : i32 to vector<16xi32>
        %add3A_1049 = arith.addi %add3A_957, %add3A_1048 : vector<16xi32>
        tpu.vector_store_idx %arg5[%add3A_1049], %get3A_1045 : memref<57344xf32, #tpu.memory_space<vmem>>[vector<16xi32>], vector<16xf32>,
        %add3A_1050 = arith.constant 176 : i32
        %add3A_1051 = arith.addi %add3A_961, %add3A_1050 : i32
        %get3A_1052 = arith.index_cast %add3A_1051 : i32 to index
        %get3A_1053 = tpu.vector_load %arg4[%get3A_1052] {strides = array<i32>} : memref<57344xf32, #tpu.memory_space<vmem>>, vector<16xf32>,
        %add3A_1054 = arith.constant 1408 : i32
        %add3A_1055 = arith.addi %mul3A_830, %add3A_1054 : i32
        %add3A_1056 = vector.broadcast %add3A_1055 : i32 to vector<16xi32>
        %add3A_1057 = arith.addi %add3A_957, %add3A_1056 : vector<16xi32>
        tpu.vector_store_idx %arg5[%add3A_1057], %get3A_1053 : memref<57344xf32, #tpu.memory_space<vmem>>[vector<16xi32>], vector<16xf32>,
        %add3A_1058 = arith.constant 192 : i32
        %add3A_1059 = arith.addi %add3A_961, %add3A_1058 : i32
        %get3A_1060 = arith.index_cast %add3A_1059 : i32 to index
        %get3A_1061 = tpu.vector_load %arg4[%get3A_1060] {strides = array<i32>} : memref<57344xf32, #tpu.memory_space<vmem>>, vector<16xf32>,
        %add3A_1062 = arith.constant 1536 : i32
        %add3A_1063 = arith.addi %mul3A_830, %add3A_1062 : i32
        %add3A_1064 = vector.broadcast %add3A_1063 : i32 to vector<16xi32>
        %add3A_1065 = arith.addi %add3A_957, %add3A_1064 : vector<16xi32>
        tpu.vector_store_idx %arg5[%add3A_1065], %get3A_1061 : memref<57344xf32, #tpu.memory_space<vmem>>[vector<16xi32>], vector<16xf32>,
        %add3A_1066 = arith.constant 208 : i32
        %add3A_1067 = arith.addi %add3A_961, %add3A_1066 : i32
        %get3A_1068 = arith.index_cast %add3A_1067 : i32 to index
        %get3A_1069 = tpu.vector_load %arg4[%get3A_1068] {strides = array<i32>} : memref<57344xf32, #tpu.memory_space<vmem>>, vector<16xf32>,
        %add3A_1070 = arith.constant 1664 : i32
        %add3A_1071 = arith.addi %mul3A_830, %add3A_1070 : i32
        %add3A_1072 = vector.broadcast %add3A_1071 : i32 to vector<16xi32>
        %add3A_1073 = arith.addi %add3A_957, %add3A_1072 : vector<16xi32>
        tpu.vector_store_idx %arg5[%add3A_1073], %get3A_1069 : memref<57344xf32, #tpu.memory_space<vmem>>[vector<16xi32>], vector<16xf32>,
        %mul3A_1074 = arith.constant 8 : i32
        %mul3A_1075 = vector.broadcast %mul3A_1074 : i32 to vector<16xi32>
        %mul3A_1076 = arith.muli %iota3A, %mul3A_1075 : vector<16xi32>
        %add3A_1077 = arith.constant 2 : i32
        %add3A_1078 = vector.broadcast %add3A_1077 : i32 to vector<16xi32>
        %add3A_1079 = arith.addi %mul3A_1076, %add3A_1078 : vector<16xi32>
        %mul3A_1080 = arith.constant 224 : i32
        %mul3A_1081 = arith.muli %scan3A_828, %mul3A_1080 : i32
        %add3A_1082 = arith.constant 14336 : i32
        %add3A_1083 = arith.addi %add3A_1082, %mul3A_1081 : i32
        %add3A_1084 = arith.constant 0 : i32
        %add3A_1085 = arith.addi %add3A_1083, %add3A_1084 : i32
        %get3A_1086 = arith.index_cast %add3A_1085 : i32 to index
        %get3A_1087 = tpu.vector_load %arg4[%get3A_1086] {strides = array<i32>} : memref<57344xf32, #tpu.memory_space<vmem>>, vector<16xf32>,
        %add3A_1088 = arith.constant 0 : i32
        %add3A_1089 = arith.addi %mul3A_830, %add3A_1088 : i32
        %add3A_1090 = vector.broadcast %add3A_1089 : i32 to vector<16xi32>
        %add3A_1091 = arith.addi %add3A_1079, %add3A_1090 : vector<16xi32>
        tpu.vector_store_idx %arg5[%add3A_1091], %get3A_1087 : memref<57344xf32, #tpu.memory_space<vmem>>[vector<16xi32>], vector<16xf32>,
        %add3A_1092 = arith.constant 16 : i32
        %add3A_1093 = arith.addi %add3A_1083, %add3A_1092 : i32
        %get3A_1094 = arith.index_cast %add3A_1093 : i32 to index
        %get3A_1095 = tpu.vector_load %arg4[%get3A_1094] {strides = array<i32>} : memref<57344xf32, #tpu.memory_space<vmem>>, vector<16xf32>,
        %add3A_1096 = arith.constant 128 : i32
        %add3A_1097 = arith.addi %mul3A_830, %add3A_1096 : i32
        %add3A_1098 = vector.broadcast %add3A_1097 : i32 to vector<16xi32>
        %add3A_1099 = arith.addi %add3A_1079, %add3A_1098 : vector<16xi32>
        tpu.vector_store_idx %arg5[%add3A_1099], %get3A_1095 : memref<57344xf32, #tpu.memory_space<vmem>>[vector<16xi32>], vector<16xf32>,
        %add3A_1100 = arith.constant 32 : i32
        %add3A_1101 = arith.addi %add3A_1083, %add3A_1100 : i32
        %get3A_1102 = arith.index_cast %add3A_1101 : i32 to index
        %get3A_1103 = tpu.vector_load %arg4[%get3A_1102] {strides = array<i32>} : memref<57344xf32, #tpu.memory_space<vmem>>, vector<16xf32>,
        %add3A_1104 = arith.constant 256 : i32
        %add3A_1105 = arith.addi %mul3A_830, %add3A_1104 : i32
        %add3A_1106 = vector.broadcast %add3A_1105 : i32 to vector<16xi32>
        %add3A_1107 = arith.addi %add3A_1079, %add3A_1106 : vector<16xi32>
        tpu.vector_store_idx %arg5[%add3A_1107], %get3A_1103 : memref<57344xf32, #tpu.memory_space<vmem>>[vector<16xi32>], vector<16xf32>,
        %add3A_1108 = arith.constant 48 : i32
        %add3A_1109 = arith.addi %add3A_1083, %add3A_1108 : i32
        %get3A_1110 = arith.index_cast %add3A_1109 : i32 to index
        %get3A_1111 = tpu.vector_load %arg4[%get3A_1110] {strides = array<i32>} : memref<57344xf32, #tpu.memory_space<vmem>>, vector<16xf32>,
        %add3A_1112 = arith.constant 384 : i32
        %add3A_1113 = arith.addi %mul3A_830, %add3A_1112 : i32
        %add3A_1114 = vector.broadcast %add3A_1113 : i32 to vector<16xi32>
        %add3A_1115 = arith.addi %add3A_1079, %add3A_1114 : vector<16xi32>
        tpu.vector_store_idx %arg5[%add3A_1115], %get3A_1111 : memref<57344xf32, #tpu.memory_space<vmem>>[vector<16xi32>], vector<16xf32>,
        %add3A_1116 = arith.constant 64 : i32
        %add3A_1117 = arith.addi %add3A_1083, %add3A_1116 : i32
        %get3A_1118 = arith.index_cast %add3A_1117 : i32 to index
        %get3A_1119 = tpu.vector_load %arg4[%get3A_1118] {strides = array<i32>} : memref<57344xf32, #tpu.memory_space<vmem>>, vector<16xf32>,
        %add3A_1120 = arith.constant 512 : i32
        %add3A_1121 = arith.addi %mul3A_830, %add3A_1120 : i32
        %add3A_1122 = vector.broadcast %add3A_1121 : i32 to vector<16xi32>
        %add3A_1123 = arith.addi %add3A_1079, %add3A_1122 : vector<16xi32>
        tpu.vector_store_idx %arg5[%add3A_1123], %get3A_1119 : memref<57344xf32, #tpu.memory_space<vmem>>[vector<16xi32>], vector<16xf32>,
        %add3A_1124 = arith.constant 80 : i32
        %add3A_1125 = arith.addi %add3A_1083, %add3A_1124 : i32
        %get3A_1126 = arith.index_cast %add3A_1125 : i32 to index
        %get3A_1127 = tpu.vector_load %arg4[%get3A_1126] {strides = array<i32>} : memref<57344xf32, #tpu.memory_space<vmem>>, vector<16xf32>,
        %add3A_1128 = arith.constant 640 : i32
        %add3A_1129 = arith.addi %mul3A_830, %add3A_1128 : i32
        %add3A_1130 = vector.broadcast %add3A_1129 : i32 to vector<16xi32>
        %add3A_1131 = arith.addi %add3A_1079, %add3A_1130 : vector<16xi32>
        tpu.vector_store_idx %arg5[%add3A_1131], %get3A_1127 : memref<57344xf32, #tpu.memory_space<vmem>>[vector<16xi32>], vector<16xf32>,
        %add3A_1132 = arith.constant 96 : i32
        %add3A_1133 = arith.addi %add3A_1083, %add3A_1132 : i32
        %get3A_1134 = arith.index_cast %add3A_1133 : i32 to index
        %get3A_1135 = tpu.vector_load %arg4[%get3A_1134] {strides = array<i32>} : memref<57344xf32, #tpu.memory_space<vmem>>, vector<16xf32>,
        %add3A_1136 = arith.constant 768 : i32
        %add3A_1137 = arith.addi %mul3A_830, %add3A_1136 : i32
        %add3A_1138 = vector.broadcast %add3A_1137 : i32 to vector<16xi32>
        %add3A_1139 = arith.addi %add3A_1079, %add3A_1138 : vector<16xi32>
        tpu.vector_store_idx %arg5[%add3A_1139], %get3A_1135 : memref<57344xf32, #tpu.memory_space<vmem>>[vector<16xi32>], vector<16xf32>,
        %add3A_1140 = arith.constant 112 : i32
        %add3A_1141 = arith.addi %add3A_1083, %add3A_1140 : i32
        %get3A_1142 = arith.index_cast %add3A_1141 : i32 to index
        %get3A_1143 = tpu.vector_load %arg4[%get3A_1142] {strides = array<i32>} : memref<57344xf32, #tpu.memory_space<vmem>>, vector<16xf32>,
        %add3A_1144 = arith.constant 896 : i32
        %add3A_1145 = arith.addi %mul3A_830, %add3A_1144 : i32
        %add3A_1146 = vector.broadcast %add3A_1145 : i32 to vector<16xi32>
        %add3A_1147 = arith.addi %add3A_1079, %add3A_1146 : vector<16xi32>
        tpu.vector_store_idx %arg5[%add3A_1147], %get3A_1143 : memref<57344xf32, #tpu.memory_space<vmem>>[vector<16xi32>], vector<16xf32>,
        %add3A_1148 = arith.constant 128 : i32
        %add3A_1149 = arith.addi %add3A_1083, %add3A_1148 : i32
        %get3A_1150 = arith.index_cast %add3A_1149 : i32 to index
        %get3A_1151 = tpu.vector_load %arg4[%get3A_1150] {strides = array<i32>} : memref<57344xf32, #tpu.memory_space<vmem>>, vector<16xf32>,
        %add3A_1152 = arith.constant 1024 : i32
        %add3A_1153 = arith.addi %mul3A_830, %add3A_1152 : i32
        %add3A_1154 = vector.broadcast %add3A_1153 : i32 to vector<16xi32>
        %add3A_1155 = arith.addi %add3A_1079, %add3A_1154 : vector<16xi32>
        tpu.vector_store_idx %arg5[%add3A_1155], %get3A_1151 : memref<57344xf32, #tpu.memory_space<vmem>>[vector<16xi32>], vector<16xf32>,
        %add3A_1156 = arith.constant 144 : i32
        %add3A_1157 = arith.addi %add3A_1083, %add3A_1156 : i32
        %get3A_1158 = arith.index_cast %add3A_1157 : i32 to index
        %get3A_1159 = tpu.vector_load %arg4[%get3A_1158] {strides = array<i32>} : memref<57344xf32, #tpu.memory_space<vmem>>, vector<16xf32>,
        %add3A_1160 = arith.constant 1152 : i32
        %add3A_1161 = arith.addi %mul3A_830, %add3A_1160 : i32
        %add3A_1162 = vector.broadcast %add3A_1161 : i32 to vector<16xi32>
        %add3A_1163 = arith.addi %add3A_1079, %add3A_1162 : vector<16xi32>
        tpu.vector_store_idx %arg5[%add3A_1163], %get3A_1159 : memref<57344xf32, #tpu.memory_space<vmem>>[vector<16xi32>], vector<16xf32>,
        %add3A_1164 = arith.constant 160 : i32
        %add3A_1165 = arith.addi %add3A_1083, %add3A_1164 : i32
        %get3A_1166 = arith.index_cast %add3A_1165 : i32 to index
        %get3A_1167 = tpu.vector_load %arg4[%get3A_1166] {strides = array<i32>} : memref<57344xf32, #tpu.memory_space<vmem>>, vector<16xf32>,
        %add3A_1168 = arith.constant 1280 : i32
        %add3A_1169 = arith.addi %mul3A_830, %add3A_1168 : i32
        %add3A_1170 = vector.broadcast %add3A_1169 : i32 to vector<16xi32>
        %add3A_1171 = arith.addi %add3A_1079, %add3A_1170 : vector<16xi32>
        tpu.vector_store_idx %arg5[%add3A_1171], %get3A_1167 : memref<57344xf32, #tpu.memory_space<vmem>>[vector<16xi32>], vector<16xf32>,
        %add3A_1172 = arith.constant 176 : i32
        %add3A_1173 = arith.addi %add3A_1083, %add3A_1172 : i32
        %get3A_1174 = arith.index_cast %add3A_1173 : i32 to index
        %get3A_1175 = tpu.vector_load %arg4[%get3A_1174] {strides = array<i32>} : memref<57344xf32, #tpu.memory_space<vmem>>, vector<16xf32>,
        %add3A_1176 = arith.constant 1408 : i32
        %add3A_1177 = arith.addi %mul3A_830, %add3A_1176 : i32
        %add3A_1178 = vector.broadcast %add3A_1177 : i32 to vector<16xi32>
        %add3A_1179 = arith.addi %add3A_1079, %add3A_1178 : vector<16xi32>
        tpu.vector_store_idx %arg5[%add3A_1179], %get3A_1175 : memref<57344xf32, #tpu.memory_space<vmem>>[vector<16xi32>], vector<16xf32>,
        %add3A_1180 = arith.constant 192 : i32
        %add3A_1181 = arith.addi %add3A_1083, %add3A_1180 : i32
        %get3A_1182 = arith.index_cast %add3A_1181 : i32 to index
        %get3A_1183 = tpu.vector_load %arg4[%get3A_1182] {strides = array<i32>} : memref<57344xf32, #tpu.memory_space<vmem>>, vector<16xf32>,
        %add3A_1184 = arith.constant 1536 : i32
        %add3A_1185 = arith.addi %mul3A_830, %add3A_1184 : i32
        %add3A_1186 = vector.broadcast %add3A_1185 : i32 to vector<16xi32>
        %add3A_1187 = arith.addi %add3A_1079, %add3A_1186 : vector<16xi32>
        tpu.vector_store_idx %arg5[%add3A_1187], %get3A_1183 : memref<57344xf32, #tpu.memory_space<vmem>>[vector<16xi32>], vector<16xf32>,
        %add3A_1188 = arith.constant 208 : i32
        %add3A_1189 = arith.addi %add3A_1083, %add3A_1188 : i32
        %get3A_1190 = arith.index_cast %add3A_1189 : i32 to index
        %get3A_1191 = tpu.vector_load %arg4[%get3A_1190] {strides = array<i32>} : memref<57344xf32, #tpu.memory_space<vmem>>, vector<16xf32>,
        %add3A_1192 = arith.constant 1664 : i32
        %add3A_1193 = arith.addi %mul3A_830, %add3A_1192 : i32
        %add3A_1194 = vector.broadcast %add3A_1193 : i32 to vector<16xi32>
        %add3A_1195 = arith.addi %add3A_1079, %add3A_1194 : vector<16xi32>
        tpu.vector_store_idx %arg5[%add3A_1195], %get3A_1191 : memref<57344xf32, #tpu.memory_space<vmem>>[vector<16xi32>], vector<16xf32>,
        %mul3A_1196 = arith.constant 8 : i32
        %mul3A_1197 = vector.broadcast %mul3A_1196 : i32 to vector<16xi32>
        %mul3A_1198 = arith.muli %iota3A, %mul3A_1197 : vector<16xi32>
        %add3A_1199 = arith.constant 3 : i32
        %add3A_1200 = vector.broadcast %add3A_1199 : i32 to vector<16xi32>
        %add3A_1201 = arith.addi %mul3A_1198, %add3A_1200 : vector<16xi32>
        %mul3A_1202 = arith.constant 224 : i32
        %mul3A_1203 = arith.muli %scan3A_828, %mul3A_1202 : i32
        %add3A_1204 = arith.constant 21504 : i32
        %add3A_1205 = arith.addi %add3A_1204, %mul3A_1203 : i32
        %add3A_1206 = arith.constant 0 : i32
        %add3A_1207 = arith.addi %add3A_1205, %add3A_1206 : i32
        %get3A_1208 = arith.index_cast %add3A_1207 : i32 to index
        %get3A_1209 = tpu.vector_load %arg4[%get3A_1208] {strides = array<i32>} : memref<57344xf32, #tpu.memory_space<vmem>>, vector<16xf32>,
        %add3A_1210 = arith.constant 0 : i32
        %add3A_1211 = arith.addi %mul3A_830, %add3A_1210 : i32
        %add3A_1212 = vector.broadcast %add3A_1211 : i32 to vector<16xi32>
        %add3A_1213 = arith.addi %add3A_1201, %add3A_1212 : vector<16xi32>
        tpu.vector_store_idx %arg5[%add3A_1213], %get3A_1209 : memref<57344xf32, #tpu.memory_space<vmem>>[vector<16xi32>], vector<16xf32>,
        %add3A_1214 = arith.constant 16 : i32
        %add3A_1215 = arith.addi %add3A_1205, %add3A_1214 : i32
        %get3A_1216 = arith.index_cast %add3A_1215 : i32 to index
        %get3A_1217 = tpu.vector_load %arg4[%get3A_1216] {strides = array<i32>} : memref<57344xf32, #tpu.memory_space<vmem>>, vector<16xf32>,
        %add3A_1218 = arith.constant 128 : i32
        %add3A_1219 = arith.addi %mul3A_830, %add3A_1218 : i32
        %add3A_1220 = vector.broadcast %add3A_1219 : i32 to vector<16xi32>
        %add3A_1221 = arith.addi %add3A_1201, %add3A_1220 : vector<16xi32>
        tpu.vector_store_idx %arg5[%add3A_1221], %get3A_1217 : memref<57344xf32, #tpu.memory_space<vmem>>[vector<16xi32>], vector<16xf32>,
        %add3A_1222 = arith.constant 32 : i32
        %add3A_1223 = arith.addi %add3A_1205, %add3A_1222 : i32
        %get3A_1224 = arith.index_cast %add3A_1223 : i32 to index
        %get3A_1225 = tpu.vector_load %arg4[%get3A_1224] {strides = array<i32>} : memref<57344xf32, #tpu.memory_space<vmem>>, vector<16xf32>,
        %add3A_1226 = arith.constant 256 : i32
        %add3A_1227 = arith.addi %mul3A_830, %add3A_1226 : i32
        %add3A_1228 = vector.broadcast %add3A_1227 : i32 to vector<16xi32>
        %add3A_1229 = arith.addi %add3A_1201, %add3A_1228 : vector<16xi32>
        tpu.vector_store_idx %arg5[%add3A_1229], %get3A_1225 : memref<57344xf32, #tpu.memory_space<vmem>>[vector<16xi32>], vector<16xf32>,
        %add3A_1230 = arith.constant 48 : i32
        %add3A_1231 = arith.addi %add3A_1205, %add3A_1230 : i32
        %get3A_1232 = arith.index_cast %add3A_1231 : i32 to index
        %get3A_1233 = tpu.vector_load %arg4[%get3A_1232] {strides = array<i32>} : memref<57344xf32, #tpu.memory_space<vmem>>, vector<16xf32>,
        %add3A_1234 = arith.constant 384 : i32
        %add3A_1235 = arith.addi %mul3A_830, %add3A_1234 : i32
        %add3A_1236 = vector.broadcast %add3A_1235 : i32 to vector<16xi32>
        %add3A_1237 = arith.addi %add3A_1201, %add3A_1236 : vector<16xi32>
        tpu.vector_store_idx %arg5[%add3A_1237], %get3A_1233 : memref<57344xf32, #tpu.memory_space<vmem>>[vector<16xi32>], vector<16xf32>,
        %add3A_1238 = arith.constant 64 : i32
        %add3A_1239 = arith.addi %add3A_1205, %add3A_1238 : i32
        %get3A_1240 = arith.index_cast %add3A_1239 : i32 to index
        %get3A_1241 = tpu.vector_load %arg4[%get3A_1240] {strides = array<i32>} : memref<57344xf32, #tpu.memory_space<vmem>>, vector<16xf32>,
        %add3A_1242 = arith.constant 512 : i32
        %add3A_1243 = arith.addi %mul3A_830, %add3A_1242 : i32
        %add3A_1244 = vector.broadcast %add3A_1243 : i32 to vector<16xi32>
        %add3A_1245 = arith.addi %add3A_1201, %add3A_1244 : vector<16xi32>
        tpu.vector_store_idx %arg5[%add3A_1245], %get3A_1241 : memref<57344xf32, #tpu.memory_space<vmem>>[vector<16xi32>], vector<16xf32>,
        %add3A_1246 = arith.constant 80 : i32
        %add3A_1247 = arith.addi %add3A_1205, %add3A_1246 : i32
        %get3A_1248 = arith.index_cast %add3A_1247 : i32 to index
        %get3A_1249 = tpu.vector_load %arg4[%get3A_1248] {strides = array<i32>} : memref<57344xf32, #tpu.memory_space<vmem>>, vector<16xf32>,
        %add3A_1250 = arith.constant 640 : i32
        %add3A_1251 = arith.addi %mul3A_830, %add3A_1250 : i32
        %add3A_1252 = vector.broadcast %add3A_1251 : i32 to vector<16xi32>
        %add3A_1253 = arith.addi %add3A_1201, %add3A_1252 : vector<16xi32>
        tpu.vector_store_idx %arg5[%add3A_1253], %get3A_1249 : memref<57344xf32, #tpu.memory_space<vmem>>[vector<16xi32>], vector<16xf32>,
        %add3A_1254 = arith.constant 96 : i32
        %add3A_1255 = arith.addi %add3A_1205, %add3A_1254 : i32
        %get3A_1256 = arith.index_cast %add3A_1255 : i32 to index
        %get3A_1257 = tpu.vector_load %arg4[%get3A_1256] {strides = array<i32>} : memref<57344xf32, #tpu.memory_space<vmem>>, vector<16xf32>,
        %add3A_1258 = arith.constant 768 : i32
        %add3A_1259 = arith.addi %mul3A_830, %add3A_1258 : i32
        %add3A_1260 = vector.broadcast %add3A_1259 : i32 to vector<16xi32>
        %add3A_1261 = arith.addi %add3A_1201, %add3A_1260 : vector<16xi32>
        tpu.vector_store_idx %arg5[%add3A_1261], %get3A_1257 : memref<57344xf32, #tpu.memory_space<vmem>>[vector<16xi32>], vector<16xf32>,
        %add3A_1262 = arith.constant 112 : i32
        %add3A_1263 = arith.addi %add3A_1205, %add3A_1262 : i32
        %get3A_1264 = arith.index_cast %add3A_1263 : i32 to index
        %get3A_1265 = tpu.vector_load %arg4[%get3A_1264] {strides = array<i32>} : memref<57344xf32, #tpu.memory_space<vmem>>, vector<16xf32>,
        %add3A_1266 = arith.constant 896 : i32
        %add3A_1267 = arith.addi %mul3A_830, %add3A_1266 : i32
        %add3A_1268 = vector.broadcast %add3A_1267 : i32 to vector<16xi32>
        %add3A_1269 = arith.addi %add3A_1201, %add3A_1268 : vector<16xi32>
        tpu.vector_store_idx %arg5[%add3A_1269], %get3A_1265 : memref<57344xf32, #tpu.memory_space<vmem>>[vector<16xi32>], vector<16xf32>,
        %add3A_1270 = arith.constant 128 : i32
        %add3A_1271 = arith.addi %add3A_1205, %add3A_1270 : i32
        %get3A_1272 = arith.index_cast %add3A_1271 : i32 to index
        %get3A_1273 = tpu.vector_load %arg4[%get3A_1272] {strides = array<i32>} : memref<57344xf32, #tpu.memory_space<vmem>>, vector<16xf32>,
        %add3A_1274 = arith.constant 1024 : i32
        %add3A_1275 = arith.addi %mul3A_830, %add3A_1274 : i32
        %add3A_1276 = vector.broadcast %add3A_1275 : i32 to vector<16xi32>
        %add3A_1277 = arith.addi %add3A_1201, %add3A_1276 : vector<16xi32>
        tpu.vector_store_idx %arg5[%add3A_1277], %get3A_1273 : memref<57344xf32, #tpu.memory_space<vmem>>[vector<16xi32>], vector<16xf32>,
        %add3A_1278 = arith.constant 144 : i32
        %add3A_1279 = arith.addi %add3A_1205, %add3A_1278 : i32
        %get3A_1280 = arith.index_cast %add3A_1279 : i32 to index
        %get3A_1281 = tpu.vector_load %arg4[%get3A_1280] {strides = array<i32>} : memref<57344xf32, #tpu.memory_space<vmem>>, vector<16xf32>,
        %add3A_1282 = arith.constant 1152 : i32
        %add3A_1283 = arith.addi %mul3A_830, %add3A_1282 : i32
        %add3A_1284 = vector.broadcast %add3A_1283 : i32 to vector<16xi32>
        %add3A_1285 = arith.addi %add3A_1201, %add3A_1284 : vector<16xi32>
        tpu.vector_store_idx %arg5[%add3A_1285], %get3A_1281 : memref<57344xf32, #tpu.memory_space<vmem>>[vector<16xi32>], vector<16xf32>,
        %add3A_1286 = arith.constant 160 : i32
        %add3A_1287 = arith.addi %add3A_1205, %add3A_1286 : i32
        %get3A_1288 = arith.index_cast %add3A_1287 : i32 to index
        %get3A_1289 = tpu.vector_load %arg4[%get3A_1288] {strides = array<i32>} : memref<57344xf32, #tpu.memory_space<vmem>>, vector<16xf32>,
        %add3A_1290 = arith.constant 1280 : i32
        %add3A_1291 = arith.addi %mul3A_830, %add3A_1290 : i32
        %add3A_1292 = vector.broadcast %add3A_1291 : i32 to vector<16xi32>
        %add3A_1293 = arith.addi %add3A_1201, %add3A_1292 : vector<16xi32>
        tpu.vector_store_idx %arg5[%add3A_1293], %get3A_1289 : memref<57344xf32, #tpu.memory_space<vmem>>[vector<16xi32>], vector<16xf32>,
        %add3A_1294 = arith.constant 176 : i32
        %add3A_1295 = arith.addi %add3A_1205, %add3A_1294 : i32
        %get3A_1296 = arith.index_cast %add3A_1295 : i32 to index
        %get3A_1297 = tpu.vector_load %arg4[%get3A_1296] {strides = array<i32>} : memref<57344xf32, #tpu.memory_space<vmem>>, vector<16xf32>,
        %add3A_1298 = arith.constant 1408 : i32
        %add3A_1299 = arith.addi %mul3A_830, %add3A_1298 : i32
        %add3A_1300 = vector.broadcast %add3A_1299 : i32 to vector<16xi32>
        %add3A_1301 = arith.addi %add3A_1201, %add3A_1300 : vector<16xi32>
        tpu.vector_store_idx %arg5[%add3A_1301], %get3A_1297 : memref<57344xf32, #tpu.memory_space<vmem>>[vector<16xi32>], vector<16xf32>,
        %add3A_1302 = arith.constant 192 : i32
        %add3A_1303 = arith.addi %add3A_1205, %add3A_1302 : i32
        %get3A_1304 = arith.index_cast %add3A_1303 : i32 to index
        %get3A_1305 = tpu.vector_load %arg4[%get3A_1304] {strides = array<i32>} : memref<57344xf32, #tpu.memory_space<vmem>>, vector<16xf32>,
        %add3A_1306 = arith.constant 1536 : i32
        %add3A_1307 = arith.addi %mul3A_830, %add3A_1306 : i32
        %add3A_1308 = vector.broadcast %add3A_1307 : i32 to vector<16xi32>
        %add3A_1309 = arith.addi %add3A_1201, %add3A_1308 : vector<16xi32>
        tpu.vector_store_idx %arg5[%add3A_1309], %get3A_1305 : memref<57344xf32, #tpu.memory_space<vmem>>[vector<16xi32>], vector<16xf32>,
        %add3A_1310 = arith.constant 208 : i32
        %add3A_1311 = arith.addi %add3A_1205, %add3A_1310 : i32
        %get3A_1312 = arith.index_cast %add3A_1311 : i32 to index
        %get3A_1313 = tpu.vector_load %arg4[%get3A_1312] {strides = array<i32>} : memref<57344xf32, #tpu.memory_space<vmem>>, vector<16xf32>,
        %add3A_1314 = arith.constant 1664 : i32
        %add3A_1315 = arith.addi %mul3A_830, %add3A_1314 : i32
        %add3A_1316 = vector.broadcast %add3A_1315 : i32 to vector<16xi32>
        %add3A_1317 = arith.addi %add3A_1201, %add3A_1316 : vector<16xi32>
        tpu.vector_store_idx %arg5[%add3A_1317], %get3A_1313 : memref<57344xf32, #tpu.memory_space<vmem>>[vector<16xi32>], vector<16xf32>,
        %mul3A_1318 = arith.constant 8 : i32
        %mul3A_1319 = vector.broadcast %mul3A_1318 : i32 to vector<16xi32>
        %mul3A_1320 = arith.muli %iota3A, %mul3A_1319 : vector<16xi32>
        %add3A_1321 = arith.constant 4 : i32
        %add3A_1322 = vector.broadcast %add3A_1321 : i32 to vector<16xi32>
        %add3A_1323 = arith.addi %mul3A_1320, %add3A_1322 : vector<16xi32>
        %mul3A_1324 = arith.constant 224 : i32
        %mul3A_1325 = arith.muli %scan3A_828, %mul3A_1324 : i32
        %add3A_1326 = arith.constant 28672 : i32
        %add3A_1327 = arith.addi %add3A_1326, %mul3A_1325 : i32
        %add3A_1328 = arith.constant 0 : i32
        %add3A_1329 = arith.addi %add3A_1327, %add3A_1328 : i32
        %get3A_1330 = arith.index_cast %add3A_1329 : i32 to index
        %get3A_1331 = tpu.vector_load %arg4[%get3A_1330] {strides = array<i32>} : memref<57344xf32, #tpu.memory_space<vmem>>, vector<16xf32>,
        %add3A_1332 = arith.constant 0 : i32
        %add3A_1333 = arith.addi %mul3A_830, %add3A_1332 : i32
        %add3A_1334 = vector.broadcast %add3A_1333 : i32 to vector<16xi32>
        %add3A_1335 = arith.addi %add3A_1323, %add3A_1334 : vector<16xi32>
        tpu.vector_store_idx %arg5[%add3A_1335], %get3A_1331 : memref<57344xf32, #tpu.memory_space<vmem>>[vector<16xi32>], vector<16xf32>,
        %add3A_1336 = arith.constant 16 : i32
        %add3A_1337 = arith.addi %add3A_1327, %add3A_1336 : i32
        %get3A_1338 = arith.index_cast %add3A_1337 : i32 to index
        %get3A_1339 = tpu.vector_load %arg4[%get3A_1338] {strides = array<i32>} : memref<57344xf32, #tpu.memory_space<vmem>>, vector<16xf32>,
        %add3A_1340 = arith.constant 128 : i32
        %add3A_1341 = arith.addi %mul3A_830, %add3A_1340 : i32
        %add3A_1342 = vector.broadcast %add3A_1341 : i32 to vector<16xi32>
        %add3A_1343 = arith.addi %add3A_1323, %add3A_1342 : vector<16xi32>
        tpu.vector_store_idx %arg5[%add3A_1343], %get3A_1339 : memref<57344xf32, #tpu.memory_space<vmem>>[vector<16xi32>], vector<16xf32>,
        %add3A_1344 = arith.constant 32 : i32
        %add3A_1345 = arith.addi %add3A_1327, %add3A_1344 : i32
        %get3A_1346 = arith.index_cast %add3A_1345 : i32 to index
        %get3A_1347 = tpu.vector_load %arg4[%get3A_1346] {strides = array<i32>} : memref<57344xf32, #tpu.memory_space<vmem>>, vector<16xf32>,
        %add3A_1348 = arith.constant 256 : i32
        %add3A_1349 = arith.addi %mul3A_830, %add3A_1348 : i32
        %add3A_1350 = vector.broadcast %add3A_1349 : i32 to vector<16xi32>
        %add3A_1351 = arith.addi %add3A_1323, %add3A_1350 : vector<16xi32>
        tpu.vector_store_idx %arg5[%add3A_1351], %get3A_1347 : memref<57344xf32, #tpu.memory_space<vmem>>[vector<16xi32>], vector<16xf32>,
        %add3A_1352 = arith.constant 48 : i32
        %add3A_1353 = arith.addi %add3A_1327, %add3A_1352 : i32
        %get3A_1354 = arith.index_cast %add3A_1353 : i32 to index
        %get3A_1355 = tpu.vector_load %arg4[%get3A_1354] {strides = array<i32>} : memref<57344xf32, #tpu.memory_space<vmem>>, vector<16xf32>,
        %add3A_1356 = arith.constant 384 : i32
        %add3A_1357 = arith.addi %mul3A_830, %add3A_1356 : i32
        %add3A_1358 = vector.broadcast %add3A_1357 : i32 to vector<16xi32>
        %add3A_1359 = arith.addi %add3A_1323, %add3A_1358 : vector<16xi32>
        tpu.vector_store_idx %arg5[%add3A_1359], %get3A_1355 : memref<57344xf32, #tpu.memory_space<vmem>>[vector<16xi32>], vector<16xf32>,
        %add3A_1360 = arith.constant 64 : i32
        %add3A_1361 = arith.addi %add3A_1327, %add3A_1360 : i32
        %get3A_1362 = arith.index_cast %add3A_1361 : i32 to index
        %get3A_1363 = tpu.vector_load %arg4[%get3A_1362] {strides = array<i32>} : memref<57344xf32, #tpu.memory_space<vmem>>, vector<16xf32>,
        %add3A_1364 = arith.constant 512 : i32
        %add3A_1365 = arith.addi %mul3A_830, %add3A_1364 : i32
        %add3A_1366 = vector.broadcast %add3A_1365 : i32 to vector<16xi32>
        %add3A_1367 = arith.addi %add3A_1323, %add3A_1366 : vector<16xi32>
        tpu.vector_store_idx %arg5[%add3A_1367], %get3A_1363 : memref<57344xf32, #tpu.memory_space<vmem>>[vector<16xi32>], vector<16xf32>,
        %add3A_1368 = arith.constant 80 : i32
        %add3A_1369 = arith.addi %add3A_1327, %add3A_1368 : i32
        %get3A_1370 = arith.index_cast %add3A_1369 : i32 to index
        %get3A_1371 = tpu.vector_load %arg4[%get3A_1370] {strides = array<i32>} : memref<57344xf32, #tpu.memory_space<vmem>>, vector<16xf32>,
        %add3A_1372 = arith.constant 640 : i32
        %add3A_1373 = arith.addi %mul3A_830, %add3A_1372 : i32
        %add3A_1374 = vector.broadcast %add3A_1373 : i32 to vector<16xi32>
        %add3A_1375 = arith.addi %add3A_1323, %add3A_1374 : vector<16xi32>
        tpu.vector_store_idx %arg5[%add3A_1375], %get3A_1371 : memref<57344xf32, #tpu.memory_space<vmem>>[vector<16xi32>], vector<16xf32>,
        %add3A_1376 = arith.constant 96 : i32
        %add3A_1377 = arith.addi %add3A_1327, %add3A_1376 : i32
        %get3A_1378 = arith.index_cast %add3A_1377 : i32 to index
        %get3A_1379 = tpu.vector_load %arg4[%get3A_1378] {strides = array<i32>} : memref<57344xf32, #tpu.memory_space<vmem>>, vector<16xf32>,
        %add3A_1380 = arith.constant 768 : i32
        %add3A_1381 = arith.addi %mul3A_830, %add3A_1380 : i32
        %add3A_1382 = vector.broadcast %add3A_1381 : i32 to vector<16xi32>
        %add3A_1383 = arith.addi %add3A_1323, %add3A_1382 : vector<16xi32>
        tpu.vector_store_idx %arg5[%add3A_1383], %get3A_1379 : memref<57344xf32, #tpu.memory_space<vmem>>[vector<16xi32>], vector<16xf32>,
        %add3A_1384 = arith.constant 112 : i32
        %add3A_1385 = arith.addi %add3A_1327, %add3A_1384 : i32
        %get3A_1386 = arith.index_cast %add3A_1385 : i32 to index
        %get3A_1387 = tpu.vector_load %arg4[%get3A_1386] {strides = array<i32>} : memref<57344xf32, #tpu.memory_space<vmem>>, vector<16xf32>,
        %add3A_1388 = arith.constant 896 : i32
        %add3A_1389 = arith.addi %mul3A_830, %add3A_1388 : i32
        %add3A_1390 = vector.broadcast %add3A_1389 : i32 to vector<16xi32>
        %add3A_1391 = arith.addi %add3A_1323, %add3A_1390 : vector<16xi32>
        tpu.vector_store_idx %arg5[%add3A_1391], %get3A_1387 : memref<57344xf32, #tpu.memory_space<vmem>>[vector<16xi32>], vector<16xf32>,
        %add3A_1392 = arith.constant 128 : i32
        %add3A_1393 = arith.addi %add3A_1327, %add3A_1392 : i32
        %get3A_1394 = arith.index_cast %add3A_1393 : i32 to index
        %get3A_1395 = tpu.vector_load %arg4[%get3A_1394] {strides = array<i32>} : memref<57344xf32, #tpu.memory_space<vmem>>, vector<16xf32>,
        %add3A_1396 = arith.constant 1024 : i32
        %add3A_1397 = arith.addi %mul3A_830, %add3A_1396 : i32
        %add3A_1398 = vector.broadcast %add3A_1397 : i32 to vector<16xi32>
        %add3A_1399 = arith.addi %add3A_1323, %add3A_1398 : vector<16xi32>
        tpu.vector_store_idx %arg5[%add3A_1399], %get3A_1395 : memref<57344xf32, #tpu.memory_space<vmem>>[vector<16xi32>], vector<16xf32>,
        %add3A_1400 = arith.constant 144 : i32
        %add3A_1401 = arith.addi %add3A_1327, %add3A_1400 : i32
        %get3A_1402 = arith.index_cast %add3A_1401 : i32 to index
        %get3A_1403 = tpu.vector_load %arg4[%get3A_1402] {strides = array<i32>} : memref<57344xf32, #tpu.memory_space<vmem>>, vector<16xf32>,
        %add3A_1404 = arith.constant 1152 : i32
        %add3A_1405 = arith.addi %mul3A_830, %add3A_1404 : i32
        %add3A_1406 = vector.broadcast %add3A_1405 : i32 to vector<16xi32>
        %add3A_1407 = arith.addi %add3A_1323, %add3A_1406 : vector<16xi32>
        tpu.vector_store_idx %arg5[%add3A_1407], %get3A_1403 : memref<57344xf32, #tpu.memory_space<vmem>>[vector<16xi32>], vector<16xf32>,
        %add3A_1408 = arith.constant 160 : i32
        %add3A_1409 = arith.addi %add3A_1327, %add3A_1408 : i32
        %get3A_1410 = arith.index_cast %add3A_1409 : i32 to index
        %get3A_1411 = tpu.vector_load %arg4[%get3A_1410] {strides = array<i32>} : memref<57344xf32, #tpu.memory_space<vmem>>, vector<16xf32>,
        %add3A_1412 = arith.constant 1280 : i32
        %add3A_1413 = arith.addi %mul3A_830, %add3A_1412 : i32
        %add3A_1414 = vector.broadcast %add3A_1413 : i32 to vector<16xi32>
        %add3A_1415 = arith.addi %add3A_1323, %add3A_1414 : vector<16xi32>
        tpu.vector_store_idx %arg5[%add3A_1415], %get3A_1411 : memref<57344xf32, #tpu.memory_space<vmem>>[vector<16xi32>], vector<16xf32>,
        %add3A_1416 = arith.constant 176 : i32
        %add3A_1417 = arith.addi %add3A_1327, %add3A_1416 : i32
        %get3A_1418 = arith.index_cast %add3A_1417 : i32 to index
        %get3A_1419 = tpu.vector_load %arg4[%get3A_1418] {strides = array<i32>} : memref<57344xf32, #tpu.memory_space<vmem>>, vector<16xf32>,
        %add3A_1420 = arith.constant 1408 : i32
        %add3A_1421 = arith.addi %mul3A_830, %add3A_1420 : i32
        %add3A_1422 = vector.broadcast %add3A_1421 : i32 to vector<16xi32>
        %add3A_1423 = arith.addi %add3A_1323, %add3A_1422 : vector<16xi32>
        tpu.vector_store_idx %arg5[%add3A_1423], %get3A_1419 : memref<57344xf32, #tpu.memory_space<vmem>>[vector<16xi32>], vector<16xf32>,
        %add3A_1424 = arith.constant 192 : i32
        %add3A_1425 = arith.addi %add3A_1327, %add3A_1424 : i32
        %get3A_1426 = arith.index_cast %add3A_1425 : i32 to index
        %get3A_1427 = tpu.vector_load %arg4[%get3A_1426] {strides = array<i32>} : memref<57344xf32, #tpu.memory_space<vmem>>, vector<16xf32>,
        %add3A_1428 = arith.constant 1536 : i32
        %add3A_1429 = arith.addi %mul3A_830, %add3A_1428 : i32
        %add3A_1430 = vector.broadcast %add3A_1429 : i32 to vector<16xi32>
        %add3A_1431 = arith.addi %add3A_1323, %add3A_1430 : vector<16xi32>
        tpu.vector_store_idx %arg5[%add3A_1431], %get3A_1427 : memref<57344xf32, #tpu.memory_space<vmem>>[vector<16xi32>], vector<16xf32>,
        %add3A_1432 = arith.constant 208 : i32
        %add3A_1433 = arith.addi %add3A_1327, %add3A_1432 : i32
        %get3A_1434 = arith.index_cast %add3A_1433 : i32 to index
        %get3A_1435 = tpu.vector_load %arg4[%get3A_1434] {strides = array<i32>} : memref<57344xf32, #tpu.memory_space<vmem>>, vector<16xf32>,
        %add3A_1436 = arith.constant 1664 : i32
        %add3A_1437 = arith.addi %mul3A_830, %add3A_1436 : i32
        %add3A_1438 = vector.broadcast %add3A_1437 : i32 to vector<16xi32>
        %add3A_1439 = arith.addi %add3A_1323, %add3A_1438 : vector<16xi32>
        tpu.vector_store_idx %arg5[%add3A_1439], %get3A_1435 : memref<57344xf32, #tpu.memory_space<vmem>>[vector<16xi32>], vector<16xf32>,
        %mul3A_1440 = arith.constant 8 : i32
        %mul3A_1441 = vector.broadcast %mul3A_1440 : i32 to vector<16xi32>
        %mul3A_1442 = arith.muli %iota3A, %mul3A_1441 : vector<16xi32>
        %add3A_1443 = arith.constant 5 : i32
        %add3A_1444 = vector.broadcast %add3A_1443 : i32 to vector<16xi32>
        %add3A_1445 = arith.addi %mul3A_1442, %add3A_1444 : vector<16xi32>
        %mul3A_1446 = arith.constant 224 : i32
        %mul3A_1447 = arith.muli %scan3A_828, %mul3A_1446 : i32
        %add3A_1448 = arith.constant 35840 : i32
        %add3A_1449 = arith.addi %add3A_1448, %mul3A_1447 : i32
        %add3A_1450 = arith.constant 0 : i32
        %add3A_1451 = arith.addi %add3A_1449, %add3A_1450 : i32
        %get3A_1452 = arith.index_cast %add3A_1451 : i32 to index
        %get3A_1453 = tpu.vector_load %arg4[%get3A_1452] {strides = array<i32>} : memref<57344xf32, #tpu.memory_space<vmem>>, vector<16xf32>,
        %add3A_1454 = arith.constant 0 : i32
        %add3A_1455 = arith.addi %mul3A_830, %add3A_1454 : i32
        %add3A_1456 = vector.broadcast %add3A_1455 : i32 to vector<16xi32>
        %add3A_1457 = arith.addi %add3A_1445, %add3A_1456 : vector<16xi32>
        tpu.vector_store_idx %arg5[%add3A_1457], %get3A_1453 : memref<57344xf32, #tpu.memory_space<vmem>>[vector<16xi32>], vector<16xf32>,
        %add3A_1458 = arith.constant 16 : i32
        %add3A_1459 = arith.addi %add3A_1449, %add3A_1458 : i32
        %get3A_1460 = arith.index_cast %add3A_1459 : i32 to index
        %get3A_1461 = tpu.vector_load %arg4[%get3A_1460] {strides = array<i32>} : memref<57344xf32, #tpu.memory_space<vmem>>, vector<16xf32>,
        %add3A_1462 = arith.constant 128 : i32
        %add3A_1463 = arith.addi %mul3A_830, %add3A_1462 : i32
        %add3A_1464 = vector.broadcast %add3A_1463 : i32 to vector<16xi32>
        %add3A_1465 = arith.addi %add3A_1445, %add3A_1464 : vector<16xi32>
        tpu.vector_store_idx %arg5[%add3A_1465], %get3A_1461 : memref<57344xf32, #tpu.memory_space<vmem>>[vector<16xi32>], vector<16xf32>,
        %add3A_1466 = arith.constant 32 : i32
        %add3A_1467 = arith.addi %add3A_1449, %add3A_1466 : i32
        %get3A_1468 = arith.index_cast %add3A_1467 : i32 to index
        %get3A_1469 = tpu.vector_load %arg4[%get3A_1468] {strides = array<i32>} : memref<57344xf32, #tpu.memory_space<vmem>>, vector<16xf32>,
        %add3A_1470 = arith.constant 256 : i32
        %add3A_1471 = arith.addi %mul3A_830, %add3A_1470 : i32
        %add3A_1472 = vector.broadcast %add3A_1471 : i32 to vector<16xi32>
        %add3A_1473 = arith.addi %add3A_1445, %add3A_1472 : vector<16xi32>
        tpu.vector_store_idx %arg5[%add3A_1473], %get3A_1469 : memref<57344xf32, #tpu.memory_space<vmem>>[vector<16xi32>], vector<16xf32>,
        %add3A_1474 = arith.constant 48 : i32
        %add3A_1475 = arith.addi %add3A_1449, %add3A_1474 : i32
        %get3A_1476 = arith.index_cast %add3A_1475 : i32 to index
        %get3A_1477 = tpu.vector_load %arg4[%get3A_1476] {strides = array<i32>} : memref<57344xf32, #tpu.memory_space<vmem>>, vector<16xf32>,
        %add3A_1478 = arith.constant 384 : i32
        %add3A_1479 = arith.addi %mul3A_830, %add3A_1478 : i32
        %add3A_1480 = vector.broadcast %add3A_1479 : i32 to vector<16xi32>
        %add3A_1481 = arith.addi %add3A_1445, %add3A_1480 : vector<16xi32>
        tpu.vector_store_idx %arg5[%add3A_1481], %get3A_1477 : memref<57344xf32, #tpu.memory_space<vmem>>[vector<16xi32>], vector<16xf32>,
        %add3A_1482 = arith.constant 64 : i32
        %add3A_1483 = arith.addi %add3A_1449, %add3A_1482 : i32
        %get3A_1484 = arith.index_cast %add3A_1483 : i32 to index
        %get3A_1485 = tpu.vector_load %arg4[%get3A_1484] {strides = array<i32>} : memref<57344xf32, #tpu.memory_space<vmem>>, vector<16xf32>,
        %add3A_1486 = arith.constant 512 : i32
        %add3A_1487 = arith.addi %mul3A_830, %add3A_1486 : i32
        %add3A_1488 = vector.broadcast %add3A_1487 : i32 to vector<16xi32>
        %add3A_1489 = arith.addi %add3A_1445, %add3A_1488 : vector<16xi32>
        tpu.vector_store_idx %arg5[%add3A_1489], %get3A_1485 : memref<57344xf32, #tpu.memory_space<vmem>>[vector<16xi32>], vector<16xf32>,
        %add3A_1490 = arith.constant 80 : i32
        %add3A_1491 = arith.addi %add3A_1449, %add3A_1490 : i32
        %get3A_1492 = arith.index_cast %add3A_1491 : i32 to index
        %get3A_1493 = tpu.vector_load %arg4[%get3A_1492] {strides = array<i32>} : memref<57344xf32, #tpu.memory_space<vmem>>, vector<16xf32>,
        %add3A_1494 = arith.constant 640 : i32
        %add3A_1495 = arith.addi %mul3A_830, %add3A_1494 : i32
        %add3A_1496 = vector.broadcast %add3A_1495 : i32 to vector<16xi32>
        %add3A_1497 = arith.addi %add3A_1445, %add3A_1496 : vector<16xi32>
        tpu.vector_store_idx %arg5[%add3A_1497], %get3A_1493 : memref<57344xf32, #tpu.memory_space<vmem>>[vector<16xi32>], vector<16xf32>,
        %add3A_1498 = arith.constant 96 : i32
        %add3A_1499 = arith.addi %add3A_1449, %add3A_1498 : i32
        %get3A_1500 = arith.index_cast %add3A_1499 : i32 to index
        %get3A_1501 = tpu.vector_load %arg4[%get3A_1500] {strides = array<i32>} : memref<57344xf32, #tpu.memory_space<vmem>>, vector<16xf32>,
        %add3A_1502 = arith.constant 768 : i32
        %add3A_1503 = arith.addi %mul3A_830, %add3A_1502 : i32
        %add3A_1504 = vector.broadcast %add3A_1503 : i32 to vector<16xi32>
        %add3A_1505 = arith.addi %add3A_1445, %add3A_1504 : vector<16xi32>
        tpu.vector_store_idx %arg5[%add3A_1505], %get3A_1501 : memref<57344xf32, #tpu.memory_space<vmem>>[vector<16xi32>], vector<16xf32>,
        %add3A_1506 = arith.constant 112 : i32
        %add3A_1507 = arith.addi %add3A_1449, %add3A_1506 : i32
        %get3A_1508 = arith.index_cast %add3A_1507 : i32 to index
        %get3A_1509 = tpu.vector_load %arg4[%get3A_1508] {strides = array<i32>} : memref<57344xf32, #tpu.memory_space<vmem>>, vector<16xf32>,
        %add3A_1510 = arith.constant 896 : i32
        %add3A_1511 = arith.addi %mul3A_830, %add3A_1510 : i32
        %add3A_1512 = vector.broadcast %add3A_1511 : i32 to vector<16xi32>
        %add3A_1513 = arith.addi %add3A_1445, %add3A_1512 : vector<16xi32>
        tpu.vector_store_idx %arg5[%add3A_1513], %get3A_1509 : memref<57344xf32, #tpu.memory_space<vmem>>[vector<16xi32>], vector<16xf32>,
        %add3A_1514 = arith.constant 128 : i32
        %add3A_1515 = arith.addi %add3A_1449, %add3A_1514 : i32
        %get3A_1516 = arith.index_cast %add3A_1515 : i32 to index
        %get3A_1517 = tpu.vector_load %arg4[%get3A_1516] {strides = array<i32>} : memref<57344xf32, #tpu.memory_space<vmem>>, vector<16xf32>,
        %add3A_1518 = arith.constant 1024 : i32
        %add3A_1519 = arith.addi %mul3A_830, %add3A_1518 : i32
        %add3A_1520 = vector.broadcast %add3A_1519 : i32 to vector<16xi32>
        %add3A_1521 = arith.addi %add3A_1445, %add3A_1520 : vector<16xi32>
        tpu.vector_store_idx %arg5[%add3A_1521], %get3A_1517 : memref<57344xf32, #tpu.memory_space<vmem>>[vector<16xi32>], vector<16xf32>,
        %add3A_1522 = arith.constant 144 : i32
        %add3A_1523 = arith.addi %add3A_1449, %add3A_1522 : i32
        %get3A_1524 = arith.index_cast %add3A_1523 : i32 to index
        %get3A_1525 = tpu.vector_load %arg4[%get3A_1524] {strides = array<i32>} : memref<57344xf32, #tpu.memory_space<vmem>>, vector<16xf32>,
        %add3A_1526 = arith.constant 1152 : i32
        %add3A_1527 = arith.addi %mul3A_830, %add3A_1526 : i32
        %add3A_1528 = vector.broadcast %add3A_1527 : i32 to vector<16xi32>
        %add3A_1529 = arith.addi %add3A_1445, %add3A_1528 : vector<16xi32>
        tpu.vector_store_idx %arg5[%add3A_1529], %get3A_1525 : memref<57344xf32, #tpu.memory_space<vmem>>[vector<16xi32>], vector<16xf32>,
        %add3A_1530 = arith.constant 160 : i32
        %add3A_1531 = arith.addi %add3A_1449, %add3A_1530 : i32
        %get3A_1532 = arith.index_cast %add3A_1531 : i32 to index
        %get3A_1533 = tpu.vector_load %arg4[%get3A_1532] {strides = array<i32>} : memref<57344xf32, #tpu.memory_space<vmem>>, vector<16xf32>,
        %add3A_1534 = arith.constant 1280 : i32
        %add3A_1535 = arith.addi %mul3A_830, %add3A_1534 : i32
        %add3A_1536 = vector.broadcast %add3A_1535 : i32 to vector<16xi32>
        %add3A_1537 = arith.addi %add3A_1445, %add3A_1536 : vector<16xi32>
        tpu.vector_store_idx %arg5[%add3A_1537], %get3A_1533 : memref<57344xf32, #tpu.memory_space<vmem>>[vector<16xi32>], vector<16xf32>,
        %add3A_1538 = arith.constant 176 : i32
        %add3A_1539 = arith.addi %add3A_1449, %add3A_1538 : i32
        %get3A_1540 = arith.index_cast %add3A_1539 : i32 to index
        %get3A_1541 = tpu.vector_load %arg4[%get3A_1540] {strides = array<i32>} : memref<57344xf32, #tpu.memory_space<vmem>>, vector<16xf32>,
        %add3A_1542 = arith.constant 1408 : i32
        %add3A_1543 = arith.addi %mul3A_830, %add3A_1542 : i32
        %add3A_1544 = vector.broadcast %add3A_1543 : i32 to vector<16xi32>
        %add3A_1545 = arith.addi %add3A_1445, %add3A_1544 : vector<16xi32>
        tpu.vector_store_idx %arg5[%add3A_1545], %get3A_1541 : memref<57344xf32, #tpu.memory_space<vmem>>[vector<16xi32>], vector<16xf32>,
        %add3A_1546 = arith.constant 192 : i32
        %add3A_1547 = arith.addi %add3A_1449, %add3A_1546 : i32
        %get3A_1548 = arith.index_cast %add3A_1547 : i32 to index
        %get3A_1549 = tpu.vector_load %arg4[%get3A_1548] {strides = array<i32>} : memref<57344xf32, #tpu.memory_space<vmem>>, vector<16xf32>,
        %add3A_1550 = arith.constant 1536 : i32
        %add3A_1551 = arith.addi %mul3A_830, %add3A_1550 : i32
        %add3A_1552 = vector.broadcast %add3A_1551 : i32 to vector<16xi32>
        %add3A_1553 = arith.addi %add3A_1445, %add3A_1552 : vector<16xi32>
        tpu.vector_store_idx %arg5[%add3A_1553], %get3A_1549 : memref<57344xf32, #tpu.memory_space<vmem>>[vector<16xi32>], vector<16xf32>,
        %add3A_1554 = arith.constant 208 : i32
        %add3A_1555 = arith.addi %add3A_1449, %add3A_1554 : i32
        %get3A_1556 = arith.index_cast %add3A_1555 : i32 to index
        %get3A_1557 = tpu.vector_load %arg4[%get3A_1556] {strides = array<i32>} : memref<57344xf32, #tpu.memory_space<vmem>>, vector<16xf32>,
        %add3A_1558 = arith.constant 1664 : i32
        %add3A_1559 = arith.addi %mul3A_830, %add3A_1558 : i32
        %add3A_1560 = vector.broadcast %add3A_1559 : i32 to vector<16xi32>
        %add3A_1561 = arith.addi %add3A_1445, %add3A_1560 : vector<16xi32>
        tpu.vector_store_idx %arg5[%add3A_1561], %get3A_1557 : memref<57344xf32, #tpu.memory_space<vmem>>[vector<16xi32>], vector<16xf32>,
        %mul3A_1562 = arith.constant 8 : i32
        %mul3A_1563 = vector.broadcast %mul3A_1562 : i32 to vector<16xi32>
        %mul3A_1564 = arith.muli %iota3A, %mul3A_1563 : vector<16xi32>
        %add3A_1565 = arith.constant 6 : i32
        %add3A_1566 = vector.broadcast %add3A_1565 : i32 to vector<16xi32>
        %add3A_1567 = arith.addi %mul3A_1564, %add3A_1566 : vector<16xi32>
        %mul3A_1568 = arith.constant 224 : i32
        %mul3A_1569 = arith.muli %scan3A_828, %mul3A_1568 : i32
        %add3A_1570 = arith.constant 43008 : i32
        %add3A_1571 = arith.addi %add3A_1570, %mul3A_1569 : i32
        %add3A_1572 = arith.constant 0 : i32
        %add3A_1573 = arith.addi %add3A_1571, %add3A_1572 : i32
        %get3A_1574 = arith.index_cast %add3A_1573 : i32 to index
        %get3A_1575 = tpu.vector_load %arg4[%get3A_1574] {strides = array<i32>} : memref<57344xf32, #tpu.memory_space<vmem>>, vector<16xf32>,
        %add3A_1576 = arith.constant 0 : i32
        %add3A_1577 = arith.addi %mul3A_830, %add3A_1576 : i32
        %add3A_1578 = vector.broadcast %add3A_1577 : i32 to vector<16xi32>
        %add3A_1579 = arith.addi %add3A_1567, %add3A_1578 : vector<16xi32>
        tpu.vector_store_idx %arg5[%add3A_1579], %get3A_1575 : memref<57344xf32, #tpu.memory_space<vmem>>[vector<16xi32>], vector<16xf32>,
        %add3A_1580 = arith.constant 16 : i32
        %add3A_1581 = arith.addi %add3A_1571, %add3A_1580 : i32
        %get3A_1582 = arith.index_cast %add3A_1581 : i32 to index
        %get3A_1583 = tpu.vector_load %arg4[%get3A_1582] {strides = array<i32>} : memref<57344xf32, #tpu.memory_space<vmem>>, vector<16xf32>,
        %add3A_1584 = arith.constant 128 : i32
        %add3A_1585 = arith.addi %mul3A_830, %add3A_1584 : i32
        %add3A_1586 = vector.broadcast %add3A_1585 : i32 to vector<16xi32>
        %add3A_1587 = arith.addi %add3A_1567, %add3A_1586 : vector<16xi32>
        tpu.vector_store_idx %arg5[%add3A_1587], %get3A_1583 : memref<57344xf32, #tpu.memory_space<vmem>>[vector<16xi32>], vector<16xf32>,
        %add3A_1588 = arith.constant 32 : i32
        %add3A_1589 = arith.addi %add3A_1571, %add3A_1588 : i32
        %get3A_1590 = arith.index_cast %add3A_1589 : i32 to index
        %get3A_1591 = tpu.vector_load %arg4[%get3A_1590] {strides = array<i32>} : memref<57344xf32, #tpu.memory_space<vmem>>, vector<16xf32>,
        %add3A_1592 = arith.constant 256 : i32
        %add3A_1593 = arith.addi %mul3A_830, %add3A_1592 : i32
        %add3A_1594 = vector.broadcast %add3A_1593 : i32 to vector<16xi32>
        %add3A_1595 = arith.addi %add3A_1567, %add3A_1594 : vector<16xi32>
        tpu.vector_store_idx %arg5[%add3A_1595], %get3A_1591 : memref<57344xf32, #tpu.memory_space<vmem>>[vector<16xi32>], vector<16xf32>,
        %add3A_1596 = arith.constant 48 : i32
        %add3A_1597 = arith.addi %add3A_1571, %add3A_1596 : i32
        %get3A_1598 = arith.index_cast %add3A_1597 : i32 to index
        %get3A_1599 = tpu.vector_load %arg4[%get3A_1598] {strides = array<i32>} : memref<57344xf32, #tpu.memory_space<vmem>>, vector<16xf32>,
        %add3A_1600 = arith.constant 384 : i32
        %add3A_1601 = arith.addi %mul3A_830, %add3A_1600 : i32
        %add3A_1602 = vector.broadcast %add3A_1601 : i32 to vector<16xi32>
        %add3A_1603 = arith.addi %add3A_1567, %add3A_1602 : vector<16xi32>
        tpu.vector_store_idx %arg5[%add3A_1603], %get3A_1599 : memref<57344xf32, #tpu.memory_space<vmem>>[vector<16xi32>], vector<16xf32>,
        %add3A_1604 = arith.constant 64 : i32
        %add3A_1605 = arith.addi %add3A_1571, %add3A_1604 : i32
        %get3A_1606 = arith.index_cast %add3A_1605 : i32 to index
        %get3A_1607 = tpu.vector_load %arg4[%get3A_1606] {strides = array<i32>} : memref<57344xf32, #tpu.memory_space<vmem>>, vector<16xf32>,
        %add3A_1608 = arith.constant 512 : i32
        %add3A_1609 = arith.addi %mul3A_830, %add3A_1608 : i32
        %add3A_1610 = vector.broadcast %add3A_1609 : i32 to vector<16xi32>
        %add3A_1611 = arith.addi %add3A_1567, %add3A_1610 : vector<16xi32>
        tpu.vector_store_idx %arg5[%add3A_1611], %get3A_1607 : memref<57344xf32, #tpu.memory_space<vmem>>[vector<16xi32>], vector<16xf32>,
        %add3A_1612 = arith.constant 80 : i32
        %add3A_1613 = arith.addi %add3A_1571, %add3A_1612 : i32
        %get3A_1614 = arith.index_cast %add3A_1613 : i32 to index
        %get3A_1615 = tpu.vector_load %arg4[%get3A_1614] {strides = array<i32>} : memref<57344xf32, #tpu.memory_space<vmem>>, vector<16xf32>,
        %add3A_1616 = arith.constant 640 : i32
        %add3A_1617 = arith.addi %mul3A_830, %add3A_1616 : i32
        %add3A_1618 = vector.broadcast %add3A_1617 : i32 to vector<16xi32>
        %add3A_1619 = arith.addi %add3A_1567, %add3A_1618 : vector<16xi32>
        tpu.vector_store_idx %arg5[%add3A_1619], %get3A_1615 : memref<57344xf32, #tpu.memory_space<vmem>>[vector<16xi32>], vector<16xf32>,
        %add3A_1620 = arith.constant 96 : i32
        %add3A_1621 = arith.addi %add3A_1571, %add3A_1620 : i32
        %get3A_1622 = arith.index_cast %add3A_1621 : i32 to index
        %get3A_1623 = tpu.vector_load %arg4[%get3A_1622] {strides = array<i32>} : memref<57344xf32, #tpu.memory_space<vmem>>, vector<16xf32>,
        %add3A_1624 = arith.constant 768 : i32
        %add3A_1625 = arith.addi %mul3A_830, %add3A_1624 : i32
        %add3A_1626 = vector.broadcast %add3A_1625 : i32 to vector<16xi32>
        %add3A_1627 = arith.addi %add3A_1567, %add3A_1626 : vector<16xi32>
        tpu.vector_store_idx %arg5[%add3A_1627], %get3A_1623 : memref<57344xf32, #tpu.memory_space<vmem>>[vector<16xi32>], vector<16xf32>,
        %add3A_1628 = arith.constant 112 : i32
        %add3A_1629 = arith.addi %add3A_1571, %add3A_1628 : i32
        %get3A_1630 = arith.index_cast %add3A_1629 : i32 to index
        %get3A_1631 = tpu.vector_load %arg4[%get3A_1630] {strides = array<i32>} : memref<57344xf32, #tpu.memory_space<vmem>>, vector<16xf32>,
        %add3A_1632 = arith.constant 896 : i32
        %add3A_1633 = arith.addi %mul3A_830, %add3A_1632 : i32
        %add3A_1634 = vector.broadcast %add3A_1633 : i32 to vector<16xi32>
        %add3A_1635 = arith.addi %add3A_1567, %add3A_1634 : vector<16xi32>
        tpu.vector_store_idx %arg5[%add3A_1635], %get3A_1631 : memref<57344xf32, #tpu.memory_space<vmem>>[vector<16xi32>], vector<16xf32>,
        %add3A_1636 = arith.constant 128 : i32
        %add3A_1637 = arith.addi %add3A_1571, %add3A_1636 : i32
        %get3A_1638 = arith.index_cast %add3A_1637 : i32 to index
        %get3A_1639 = tpu.vector_load %arg4[%get3A_1638] {strides = array<i32>} : memref<57344xf32, #tpu.memory_space<vmem>>, vector<16xf32>,
        %add3A_1640 = arith.constant 1024 : i32
        %add3A_1641 = arith.addi %mul3A_830, %add3A_1640 : i32
        %add3A_1642 = vector.broadcast %add3A_1641 : i32 to vector<16xi32>
        %add3A_1643 = arith.addi %add3A_1567, %add3A_1642 : vector<16xi32>
        tpu.vector_store_idx %arg5[%add3A_1643], %get3A_1639 : memref<57344xf32, #tpu.memory_space<vmem>>[vector<16xi32>], vector<16xf32>,
        %add3A_1644 = arith.constant 144 : i32
        %add3A_1645 = arith.addi %add3A_1571, %add3A_1644 : i32
        %get3A_1646 = arith.index_cast %add3A_1645 : i32 to index
        %get3A_1647 = tpu.vector_load %arg4[%get3A_1646] {strides = array<i32>} : memref<57344xf32, #tpu.memory_space<vmem>>, vector<16xf32>,
        %add3A_1648 = arith.constant 1152 : i32
        %add3A_1649 = arith.addi %mul3A_830, %add3A_1648 : i32
        %add3A_1650 = vector.broadcast %add3A_1649 : i32 to vector<16xi32>
        %add3A_1651 = arith.addi %add3A_1567, %add3A_1650 : vector<16xi32>
        tpu.vector_store_idx %arg5[%add3A_1651], %get3A_1647 : memref<57344xf32, #tpu.memory_space<vmem>>[vector<16xi32>], vector<16xf32>,
        %add3A_1652 = arith.constant 160 : i32
        %add3A_1653 = arith.addi %add3A_1571, %add3A_1652 : i32
        %get3A_1654 = arith.index_cast %add3A_1653 : i32 to index
        %get3A_1655 = tpu.vector_load %arg4[%get3A_1654] {strides = array<i32>} : memref<57344xf32, #tpu.memory_space<vmem>>, vector<16xf32>,
        %add3A_1656 = arith.constant 1280 : i32
        %add3A_1657 = arith.addi %mul3A_830, %add3A_1656 : i32
        %add3A_1658 = vector.broadcast %add3A_1657 : i32 to vector<16xi32>
        %add3A_1659 = arith.addi %add3A_1567, %add3A_1658 : vector<16xi32>
        tpu.vector_store_idx %arg5[%add3A_1659], %get3A_1655 : memref<57344xf32, #tpu.memory_space<vmem>>[vector<16xi32>], vector<16xf32>,
        %add3A_1660 = arith.constant 176 : i32
        %add3A_1661 = arith.addi %add3A_1571, %add3A_1660 : i32
        %get3A_1662 = arith.index_cast %add3A_1661 : i32 to index
        %get3A_1663 = tpu.vector_load %arg4[%get3A_1662] {strides = array<i32>} : memref<57344xf32, #tpu.memory_space<vmem>>, vector<16xf32>,
        %add3A_1664 = arith.constant 1408 : i32
        %add3A_1665 = arith.addi %mul3A_830, %add3A_1664 : i32
        %add3A_1666 = vector.broadcast %add3A_1665 : i32 to vector<16xi32>
        %add3A_1667 = arith.addi %add3A_1567, %add3A_1666 : vector<16xi32>
        tpu.vector_store_idx %arg5[%add3A_1667], %get3A_1663 : memref<57344xf32, #tpu.memory_space<vmem>>[vector<16xi32>], vector<16xf32>,
        %add3A_1668 = arith.constant 192 : i32
        %add3A_1669 = arith.addi %add3A_1571, %add3A_1668 : i32
        %get3A_1670 = arith.index_cast %add3A_1669 : i32 to index
        %get3A_1671 = tpu.vector_load %arg4[%get3A_1670] {strides = array<i32>} : memref<57344xf32, #tpu.memory_space<vmem>>, vector<16xf32>,
        %add3A_1672 = arith.constant 1536 : i32
        %add3A_1673 = arith.addi %mul3A_830, %add3A_1672 : i32
        %add3A_1674 = vector.broadcast %add3A_1673 : i32 to vector<16xi32>
        %add3A_1675 = arith.addi %add3A_1567, %add3A_1674 : vector<16xi32>
        tpu.vector_store_idx %arg5[%add3A_1675], %get3A_1671 : memref<57344xf32, #tpu.memory_space<vmem>>[vector<16xi32>], vector<16xf32>,
        %add3A_1676 = arith.constant 208 : i32
        %add3A_1677 = arith.addi %add3A_1571, %add3A_1676 : i32
        %get3A_1678 = arith.index_cast %add3A_1677 : i32 to index
        %get3A_1679 = tpu.vector_load %arg4[%get3A_1678] {strides = array<i32>} : memref<57344xf32, #tpu.memory_space<vmem>>, vector<16xf32>,
        %add3A_1680 = arith.constant 1664 : i32
        %add3A_1681 = arith.addi %mul3A_830, %add3A_1680 : i32
        %add3A_1682 = vector.broadcast %add3A_1681 : i32 to vector<16xi32>
        %add3A_1683 = arith.addi %add3A_1567, %add3A_1682 : vector<16xi32>
        tpu.vector_store_idx %arg5[%add3A_1683], %get3A_1679 : memref<57344xf32, #tpu.memory_space<vmem>>[vector<16xi32>], vector<16xf32>,
        %mul3A_1684 = arith.constant 8 : i32
        %mul3A_1685 = vector.broadcast %mul3A_1684 : i32 to vector<16xi32>
        %mul3A_1686 = arith.muli %iota3A, %mul3A_1685 : vector<16xi32>
        %add3A_1687 = arith.constant 7 : i32
        %add3A_1688 = vector.broadcast %add3A_1687 : i32 to vector<16xi32>
        %add3A_1689 = arith.addi %mul3A_1686, %add3A_1688 : vector<16xi32>
        %mul3A_1690 = arith.constant 224 : i32
        %mul3A_1691 = arith.muli %scan3A_828, %mul3A_1690 : i32
        %add3A_1692 = arith.constant 50176 : i32
        %add3A_1693 = arith.addi %add3A_1692, %mul3A_1691 : i32
        %add3A_1694 = arith.constant 0 : i32
        %add3A_1695 = arith.addi %add3A_1693, %add3A_1694 : i32
        %get3A_1696 = arith.index_cast %add3A_1695 : i32 to index
        %get3A_1697 = tpu.vector_load %arg4[%get3A_1696] {strides = array<i32>} : memref<57344xf32, #tpu.memory_space<vmem>>, vector<16xf32>,
        %add3A_1698 = arith.constant 0 : i32
        %add3A_1699 = arith.addi %mul3A_830, %add3A_1698 : i32
        %add3A_1700 = vector.broadcast %add3A_1699 : i32 to vector<16xi32>
        %add3A_1701 = arith.addi %add3A_1689, %add3A_1700 : vector<16xi32>
        tpu.vector_store_idx %arg5[%add3A_1701], %get3A_1697 : memref<57344xf32, #tpu.memory_space<vmem>>[vector<16xi32>], vector<16xf32>,
        %add3A_1702 = arith.constant 16 : i32
        %add3A_1703 = arith.addi %add3A_1693, %add3A_1702 : i32
        %get3A_1704 = arith.index_cast %add3A_1703 : i32 to index
        %get3A_1705 = tpu.vector_load %arg4[%get3A_1704] {strides = array<i32>} : memref<57344xf32, #tpu.memory_space<vmem>>, vector<16xf32>,
        %add3A_1706 = arith.constant 128 : i32
        %add3A_1707 = arith.addi %mul3A_830, %add3A_1706 : i32
        %add3A_1708 = vector.broadcast %add3A_1707 : i32 to vector<16xi32>
        %add3A_1709 = arith.addi %add3A_1689, %add3A_1708 : vector<16xi32>
        tpu.vector_store_idx %arg5[%add3A_1709], %get3A_1705 : memref<57344xf32, #tpu.memory_space<vmem>>[vector<16xi32>], vector<16xf32>,
        %add3A_1710 = arith.constant 32 : i32
        %add3A_1711 = arith.addi %add3A_1693, %add3A_1710 : i32
        %get3A_1712 = arith.index_cast %add3A_1711 : i32 to index
        %get3A_1713 = tpu.vector_load %arg4[%get3A_1712] {strides = array<i32>} : memref<57344xf32, #tpu.memory_space<vmem>>, vector<16xf32>,
        %add3A_1714 = arith.constant 256 : i32
        %add3A_1715 = arith.addi %mul3A_830, %add3A_1714 : i32
        %add3A_1716 = vector.broadcast %add3A_1715 : i32 to vector<16xi32>
        %add3A_1717 = arith.addi %add3A_1689, %add3A_1716 : vector<16xi32>
        tpu.vector_store_idx %arg5[%add3A_1717], %get3A_1713 : memref<57344xf32, #tpu.memory_space<vmem>>[vector<16xi32>], vector<16xf32>,
        %add3A_1718 = arith.constant 48 : i32
        %add3A_1719 = arith.addi %add3A_1693, %add3A_1718 : i32
        %get3A_1720 = arith.index_cast %add3A_1719 : i32 to index
        %get3A_1721 = tpu.vector_load %arg4[%get3A_1720] {strides = array<i32>} : memref<57344xf32, #tpu.memory_space<vmem>>, vector<16xf32>,
        %add3A_1722 = arith.constant 384 : i32
        %add3A_1723 = arith.addi %mul3A_830, %add3A_1722 : i32
        %add3A_1724 = vector.broadcast %add3A_1723 : i32 to vector<16xi32>
        %add3A_1725 = arith.addi %add3A_1689, %add3A_1724 : vector<16xi32>
        tpu.vector_store_idx %arg5[%add3A_1725], %get3A_1721 : memref<57344xf32, #tpu.memory_space<vmem>>[vector<16xi32>], vector<16xf32>,
        %add3A_1726 = arith.constant 64 : i32
        %add3A_1727 = arith.addi %add3A_1693, %add3A_1726 : i32
        %get3A_1728 = arith.index_cast %add3A_1727 : i32 to index
        %get3A_1729 = tpu.vector_load %arg4[%get3A_1728] {strides = array<i32>} : memref<57344xf32, #tpu.memory_space<vmem>>, vector<16xf32>,
        %add3A_1730 = arith.constant 512 : i32
        %add3A_1731 = arith.addi %mul3A_830, %add3A_1730 : i32
        %add3A_1732 = vector.broadcast %add3A_1731 : i32 to vector<16xi32>
        %add3A_1733 = arith.addi %add3A_1689, %add3A_1732 : vector<16xi32>
        tpu.vector_store_idx %arg5[%add3A_1733], %get3A_1729 : memref<57344xf32, #tpu.memory_space<vmem>>[vector<16xi32>], vector<16xf32>,
        %add3A_1734 = arith.constant 80 : i32
        %add3A_1735 = arith.addi %add3A_1693, %add3A_1734 : i32
        %get3A_1736 = arith.index_cast %add3A_1735 : i32 to index
        %get3A_1737 = tpu.vector_load %arg4[%get3A_1736] {strides = array<i32>} : memref<57344xf32, #tpu.memory_space<vmem>>, vector<16xf32>,
        %add3A_1738 = arith.constant 640 : i32
        %add3A_1739 = arith.addi %mul3A_830, %add3A_1738 : i32
        %add3A_1740 = vector.broadcast %add3A_1739 : i32 to vector<16xi32>
        %add3A_1741 = arith.addi %add3A_1689, %add3A_1740 : vector<16xi32>
        tpu.vector_store_idx %arg5[%add3A_1741], %get3A_1737 : memref<57344xf32, #tpu.memory_space<vmem>>[vector<16xi32>], vector<16xf32>,
        %add3A_1742 = arith.constant 96 : i32
        %add3A_1743 = arith.addi %add3A_1693, %add3A_1742 : i32
        %get3A_1744 = arith.index_cast %add3A_1743 : i32 to index
        %get3A_1745 = tpu.vector_load %arg4[%get3A_1744] {strides = array<i32>} : memref<57344xf32, #tpu.memory_space<vmem>>, vector<16xf32>,
        %add3A_1746 = arith.constant 768 : i32
        %add3A_1747 = arith.addi %mul3A_830, %add3A_1746 : i32
        %add3A_1748 = vector.broadcast %add3A_1747 : i32 to vector<16xi32>
        %add3A_1749 = arith.addi %add3A_1689, %add3A_1748 : vector<16xi32>
        tpu.vector_store_idx %arg5[%add3A_1749], %get3A_1745 : memref<57344xf32, #tpu.memory_space<vmem>>[vector<16xi32>], vector<16xf32>,
        %add3A_1750 = arith.constant 112 : i32
        %add3A_1751 = arith.addi %add3A_1693, %add3A_1750 : i32
        %get3A_1752 = arith.index_cast %add3A_1751 : i32 to index
        %get3A_1753 = tpu.vector_load %arg4[%get3A_1752] {strides = array<i32>} : memref<57344xf32, #tpu.memory_space<vmem>>, vector<16xf32>,
        %add3A_1754 = arith.constant 896 : i32
        %add3A_1755 = arith.addi %mul3A_830, %add3A_1754 : i32
        %add3A_1756 = vector.broadcast %add3A_1755 : i32 to vector<16xi32>
        %add3A_1757 = arith.addi %add3A_1689, %add3A_1756 : vector<16xi32>
        tpu.vector_store_idx %arg5[%add3A_1757], %get3A_1753 : memref<57344xf32, #tpu.memory_space<vmem>>[vector<16xi32>], vector<16xf32>,
        %add3A_1758 = arith.constant 128 : i32
        %add3A_1759 = arith.addi %add3A_1693, %add3A_1758 : i32
        %get3A_1760 = arith.index_cast %add3A_1759 : i32 to index
        %get3A_1761 = tpu.vector_load %arg4[%get3A_1760] {strides = array<i32>} : memref<57344xf32, #tpu.memory_space<vmem>>, vector<16xf32>,
        %add3A_1762 = arith.constant 1024 : i32
        %add3A_1763 = arith.addi %mul3A_830, %add3A_1762 : i32
        %add3A_1764 = vector.broadcast %add3A_1763 : i32 to vector<16xi32>
        %add3A_1765 = arith.addi %add3A_1689, %add3A_1764 : vector<16xi32>
        tpu.vector_store_idx %arg5[%add3A_1765], %get3A_1761 : memref<57344xf32, #tpu.memory_space<vmem>>[vector<16xi32>], vector<16xf32>,
        %add3A_1766 = arith.constant 144 : i32
        %add3A_1767 = arith.addi %add3A_1693, %add3A_1766 : i32
        %get3A_1768 = arith.index_cast %add3A_1767 : i32 to index
        %get3A_1769 = tpu.vector_load %arg4[%get3A_1768] {strides = array<i32>} : memref<57344xf32, #tpu.memory_space<vmem>>, vector<16xf32>,
        %add3A_1770 = arith.constant 1152 : i32
        %add3A_1771 = arith.addi %mul3A_830, %add3A_1770 : i32
        %add3A_1772 = vector.broadcast %add3A_1771 : i32 to vector<16xi32>
        %add3A_1773 = arith.addi %add3A_1689, %add3A_1772 : vector<16xi32>
        tpu.vector_store_idx %arg5[%add3A_1773], %get3A_1769 : memref<57344xf32, #tpu.memory_space<vmem>>[vector<16xi32>], vector<16xf32>,
        %add3A_1774 = arith.constant 160 : i32
        %add3A_1775 = arith.addi %add3A_1693, %add3A_1774 : i32
        %get3A_1776 = arith.index_cast %add3A_1775 : i32 to index
        %get3A_1777 = tpu.vector_load %arg4[%get3A_1776] {strides = array<i32>} : memref<57344xf32, #tpu.memory_space<vmem>>, vector<16xf32>,
        %add3A_1778 = arith.constant 1280 : i32
        %add3A_1779 = arith.addi %mul3A_830, %add3A_1778 : i32
        %add3A_1780 = vector.broadcast %add3A_1779 : i32 to vector<16xi32>
        %add3A_1781 = arith.addi %add3A_1689, %add3A_1780 : vector<16xi32>
        tpu.vector_store_idx %arg5[%add3A_1781], %get3A_1777 : memref<57344xf32, #tpu.memory_space<vmem>>[vector<16xi32>], vector<16xf32>,
        %add3A_1782 = arith.constant 176 : i32
        %add3A_1783 = arith.addi %add3A_1693, %add3A_1782 : i32
        %get3A_1784 = arith.index_cast %add3A_1783 : i32 to index
        %get3A_1785 = tpu.vector_load %arg4[%get3A_1784] {strides = array<i32>} : memref<57344xf32, #tpu.memory_space<vmem>>, vector<16xf32>,
        %add3A_1786 = arith.constant 1408 : i32
        %add3A_1787 = arith.addi %mul3A_830, %add3A_1786 : i32
        %add3A_1788 = vector.broadcast %add3A_1787 : i32 to vector<16xi32>
        %add3A_1789 = arith.addi %add3A_1689, %add3A_1788 : vector<16xi32>
        tpu.vector_store_idx %arg5[%add3A_1789], %get3A_1785 : memref<57344xf32, #tpu.memory_space<vmem>>[vector<16xi32>], vector<16xf32>,
        %add3A_1790 = arith.constant 192 : i32
        %add3A_1791 = arith.addi %add3A_1693, %add3A_1790 : i32
        %get3A_1792 = arith.index_cast %add3A_1791 : i32 to index
        %get3A_1793 = tpu.vector_load %arg4[%get3A_1792] {strides = array<i32>} : memref<57344xf32, #tpu.memory_space<vmem>>, vector<16xf32>,
        %add3A_1794 = arith.constant 1536 : i32
        %add3A_1795 = arith.addi %mul3A_830, %add3A_1794 : i32
        %add3A_1796 = vector.broadcast %add3A_1795 : i32 to vector<16xi32>
        %add3A_1797 = arith.addi %add3A_1689, %add3A_1796 : vector<16xi32>
        tpu.vector_store_idx %arg5[%add3A_1797], %get3A_1793 : memref<57344xf32, #tpu.memory_space<vmem>>[vector<16xi32>], vector<16xf32>,
        %add3A_1798 = arith.constant 208 : i32
        %add3A_1799 = arith.addi %add3A_1693, %add3A_1798 : i32
        %get3A_1800 = arith.index_cast %add3A_1799 : i32 to index
        %get3A_1801 = tpu.vector_load %arg4[%get3A_1800] {strides = array<i32>} : memref<57344xf32, #tpu.memory_space<vmem>>, vector<16xf32>,
        %add3A_1802 = arith.constant 1664 : i32
        %add3A_1803 = arith.addi %mul3A_830, %add3A_1802 : i32
        %add3A_1804 = vector.broadcast %add3A_1803 : i32 to vector<16xi32>
        %add3A_1805 = arith.addi %add3A_1689, %add3A_1804 : vector<16xi32>
        tpu.vector_store_idx %arg5[%add3A_1805], %get3A_1801 : memref<57344xf32, #tpu.memory_space<vmem>>[vector<16xi32>], vector<16xf32>,
      }
      %scan3A_309 = arith.constant 32 : i32
      %mul3A_310 = arith.constant 224 : i32
      %mul3A_311 = arith.muli %add3A_122, %mul3A_310 : i32
      %add3A_312 = arith.addi %mul3A_311, %mul3A_129 : i32
      %mul3A_313 = arith.constant 8 : i32
      %mul3A_314 = arith.muli %add3A_312, %mul3A_313 : i32
      %add3A_315 = arith.addi %mul3A_314, %select_n3A_119 : i32
      %add3A_316 = arith.constant 0 : i32
      %add3A_317 = arith.addi %add3A_315, %add3A_316 : i32
      %mul3A_318 = arith.constant 1792 : i32
      %mul3A_319 = arith.muli %add3A_317, %mul3A_318 : i32
      %dma_start3A_320 = arith.constant 0 : i32
      %dma_start3A_321 = tpu.memref_slice %arg5[%dma_start3A_320] : memref<57344xf32, #tpu.memory_space<vmem>> -> memref<1792xf32, #tpu.memory_space<vmem>>
      %dma_start3A_322 = tpu.memref_slice %arg3[%mul3A_319] : memref<38535168xf32, #tpu.memory_space<hbm>> -> memref<1792xf32, #tpu.memory_space<hbm>>
      %dma_start3A_323 = tpu.memref_slice %arg3[%mul3A_319] : memref<38535168xf32, #tpu.memory_space<hbm>> -> memref<1792xf32, #tpu.memory_space<hbm>>
      %dma_start3A_324 = arith.constant 0 : i32
      %dma_start3A_325 = tpu.memref_slice %arg5[%dma_start3A_324] : memref<57344xf32, #tpu.memory_space<vmem>> -> memref<1792xf32, #tpu.memory_space<vmem>>
      tpu.enqueue_dma source(%dma_start3A_325 : memref<1792xf32, #tpu.memory_space<vmem>>) target(%dma_start3A_323 : memref<1792xf32, #tpu.memory_space<hbm>>) target_semaphore(%arg6 : memref<!tpu.dma_semaphore, #tpu.memory_space<semaphore_mem>>)
      %add3A_326 = arith.constant 8 : i32
      %add3A_327 = arith.addi %add3A_315, %add3A_326 : i32
      %mul3A_328 = arith.constant 1792 : i32
      %mul3A_329 = arith.muli %add3A_327, %mul3A_328 : i32
      %dma_start3A_330 = arith.constant 1792 : i32
      %dma_start3A_331 = tpu.memref_slice %arg5[%dma_start3A_330] : memref<57344xf32, #tpu.memory_space<vmem>> -> memref<1792xf32, #tpu.memory_space<vmem>>
      %dma_start3A_332 = tpu.memref_slice %arg3[%mul3A_329] : memref<38535168xf32, #tpu.memory_space<hbm>> -> memref<1792xf32, #tpu.memory_space<hbm>>
      %dma_start3A_333 = tpu.memref_slice %arg3[%mul3A_329] : memref<38535168xf32, #tpu.memory_space<hbm>> -> memref<1792xf32, #tpu.memory_space<hbm>>
      %dma_start3A_334 = arith.constant 1792 : i32
      %dma_start3A_335 = tpu.memref_slice %arg5[%dma_start3A_334] : memref<57344xf32, #tpu.memory_space<vmem>> -> memref<1792xf32, #tpu.memory_space<vmem>>
      tpu.enqueue_dma source(%dma_start3A_335 : memref<1792xf32, #tpu.memory_space<vmem>>) target(%dma_start3A_333 : memref<1792xf32, #tpu.memory_space<hbm>>) target_semaphore(%arg6 : memref<!tpu.dma_semaphore, #tpu.memory_space<semaphore_mem>>)
      %add3A_336 = arith.constant 16 : i32
      %add3A_337 = arith.addi %add3A_315, %add3A_336 : i32
      %mul3A_338 = arith.constant 1792 : i32
      %mul3A_339 = arith.muli %add3A_337, %mul3A_338 : i32
      %dma_start3A_340 = arith.constant 3584 : i32
      %dma_start3A_341 = tpu.memref_slice %arg5[%dma_start3A_340] : memref<57344xf32, #tpu.memory_space<vmem>> -> memref<1792xf32, #tpu.memory_space<vmem>>
      %dma_start3A_342 = tpu.memref_slice %arg3[%mul3A_339] : memref<38535168xf32, #tpu.memory_space<hbm>> -> memref<1792xf32, #tpu.memory_space<hbm>>
      %dma_start3A_343 = tpu.memref_slice %arg3[%mul3A_339] : memref<38535168xf32, #tpu.memory_space<hbm>> -> memref<1792xf32, #tpu.memory_space<hbm>>
      %dma_start3A_344 = arith.constant 3584 : i32
      %dma_start3A_345 = tpu.memref_slice %arg5[%dma_start3A_344] : memref<57344xf32, #tpu.memory_space<vmem>> -> memref<1792xf32, #tpu.memory_space<vmem>>
      tpu.enqueue_dma source(%dma_start3A_345 : memref<1792xf32, #tpu.memory_space<vmem>>) target(%dma_start3A_343 : memref<1792xf32, #tpu.memory_space<hbm>>) target_semaphore(%arg6 : memref<!tpu.dma_semaphore, #tpu.memory_space<semaphore_mem>>)
      %add3A_346 = arith.constant 24 : i32
      %add3A_347 = arith.addi %add3A_315, %add3A_346 : i32
      %mul3A_348 = arith.constant 1792 : i32
      %mul3A_349 = arith.muli %add3A_347, %mul3A_348 : i32
      %dma_start3A_350 = arith.constant 5376 : i32
      %dma_start3A_351 = tpu.memref_slice %arg5[%dma_start3A_350] : memref<57344xf32, #tpu.memory_space<vmem>> -> memref<1792xf32, #tpu.memory_space<vmem>>
      %dma_start3A_352 = tpu.memref_slice %arg3[%mul3A_349] : memref<38535168xf32, #tpu.memory_space<hbm>> -> memref<1792xf32, #tpu.memory_space<hbm>>
      %dma_start3A_353 = tpu.memref_slice %arg3[%mul3A_349] : memref<38535168xf32, #tpu.memory_space<hbm>> -> memref<1792xf32, #tpu.memory_space<hbm>>
      %dma_start3A_354 = arith.constant 5376 : i32
      %dma_start3A_355 = tpu.memref_slice %arg5[%dma_start3A_354] : memref<57344xf32, #tpu.memory_space<vmem>> -> memref<1792xf32, #tpu.memory_space<vmem>>
      tpu.enqueue_dma source(%dma_start3A_355 : memref<1792xf32, #tpu.memory_space<vmem>>) target(%dma_start3A_353 : memref<1792xf32, #tpu.memory_space<hbm>>) target_semaphore(%arg6 : memref<!tpu.dma_semaphore, #tpu.memory_space<semaphore_mem>>)
      %add3A_356 = arith.constant 32 : i32
      %add3A_357 = arith.addi %add3A_315, %add3A_356 : i32
      %mul3A_358 = arith.constant 1792 : i32
      %mul3A_359 = arith.muli %add3A_357, %mul3A_358 : i32
      %dma_start3A_360 = arith.constant 7168 : i32
      %dma_start3A_361 = tpu.memref_slice %arg5[%dma_start3A_360] : memref<57344xf32, #tpu.memory_space<vmem>> -> memref<1792xf32, #tpu.memory_space<vmem>>
      %dma_start3A_362 = tpu.memref_slice %arg3[%mul3A_359] : memref<38535168xf32, #tpu.memory_space<hbm>> -> memref<1792xf32, #tpu.memory_space<hbm>>
      %dma_start3A_363 = tpu.memref_slice %arg3[%mul3A_359] : memref<38535168xf32, #tpu.memory_space<hbm>> -> memref<1792xf32, #tpu.memory_space<hbm>>
      %dma_start3A_364 = arith.constant 7168 : i32
      %dma_start3A_365 = tpu.memref_slice %arg5[%dma_start3A_364] : memref<57344xf32, #tpu.memory_space<vmem>> -> memref<1792xf32, #tpu.memory_space<vmem>>
      tpu.enqueue_dma source(%dma_start3A_365 : memref<1792xf32, #tpu.memory_space<vmem>>) target(%dma_start3A_363 : memref<1792xf32, #tpu.memory_space<hbm>>) target_semaphore(%arg6 : memref<!tpu.dma_semaphore, #tpu.memory_space<semaphore_mem>>)
      %add3A_366 = arith.constant 40 : i32
      %add3A_367 = arith.addi %add3A_315, %add3A_366 : i32
      %mul3A_368 = arith.constant 1792 : i32
      %mul3A_369 = arith.muli %add3A_367, %mul3A_368 : i32
      %dma_start3A_370 = arith.constant 8960 : i32
      %dma_start3A_371 = tpu.memref_slice %arg5[%dma_start3A_370] : memref<57344xf32, #tpu.memory_space<vmem>> -> memref<1792xf32, #tpu.memory_space<vmem>>
      %dma_start3A_372 = tpu.memref_slice %arg3[%mul3A_369] : memref<38535168xf32, #tpu.memory_space<hbm>> -> memref<1792xf32, #tpu.memory_space<hbm>>
      %dma_start3A_373 = tpu.memref_slice %arg3[%mul3A_369] : memref<38535168xf32, #tpu.memory_space<hbm>> -> memref<1792xf32, #tpu.memory_space<hbm>>
      %dma_start3A_374 = arith.constant 8960 : i32
      %dma_start3A_375 = tpu.memref_slice %arg5[%dma_start3A_374] : memref<57344xf32, #tpu.memory_space<vmem>> -> memref<1792xf32, #tpu.memory_space<vmem>>
      tpu.enqueue_dma source(%dma_start3A_375 : memref<1792xf32, #tpu.memory_space<vmem>>) target(%dma_start3A_373 : memref<1792xf32, #tpu.memory_space<hbm>>) target_semaphore(%arg6 : memref<!tpu.dma_semaphore, #tpu.memory_space<semaphore_mem>>)
      %add3A_376 = arith.constant 48 : i32
      %add3A_377 = arith.addi %add3A_315, %add3A_376 : i32
      %mul3A_378 = arith.constant 1792 : i32
      %mul3A_379 = arith.muli %add3A_377, %mul3A_378 : i32
      %dma_start3A_380 = arith.constant 10752 : i32
      %dma_start3A_381 = tpu.memref_slice %arg5[%dma_start3A_380] : memref<57344xf32, #tpu.memory_space<vmem>> -> memref<1792xf32, #tpu.memory_space<vmem>>
      %dma_start3A_382 = tpu.memref_slice %arg3[%mul3A_379] : memref<38535168xf32, #tpu.memory_space<hbm>> -> memref<1792xf32, #tpu.memory_space<hbm>>
      %dma_start3A_383 = tpu.memref_slice %arg3[%mul3A_379] : memref<38535168xf32, #tpu.memory_space<hbm>> -> memref<1792xf32, #tpu.memory_space<hbm>>
      %dma_start3A_384 = arith.constant 10752 : i32
      %dma_start3A_385 = tpu.memref_slice %arg5[%dma_start3A_384] : memref<57344xf32, #tpu.memory_space<vmem>> -> memref<1792xf32, #tpu.memory_space<vmem>>
      tpu.enqueue_dma source(%dma_start3A_385 : memref<1792xf32, #tpu.memory_space<vmem>>) target(%dma_start3A_383 : memref<1792xf32, #tpu.memory_space<hbm>>) target_semaphore(%arg6 : memref<!tpu.dma_semaphore, #tpu.memory_space<semaphore_mem>>)
      %add3A_386 = arith.constant 56 : i32
      %add3A_387 = arith.addi %add3A_315, %add3A_386 : i32
      %mul3A_388 = arith.constant 1792 : i32
      %mul3A_389 = arith.muli %add3A_387, %mul3A_388 : i32
      %dma_start3A_390 = arith.constant 12544 : i32
      %dma_start3A_391 = tpu.memref_slice %arg5[%dma_start3A_390] : memref<57344xf32, #tpu.memory_space<vmem>> -> memref<1792xf32, #tpu.memory_space<vmem>>
      %dma_start3A_392 = tpu.memref_slice %arg3[%mul3A_389] : memref<38535168xf32, #tpu.memory_space<hbm>> -> memref<1792xf32, #tpu.memory_space<hbm>>
      %dma_start3A_393 = tpu.memref_slice %arg3[%mul3A_389] : memref<38535168xf32, #tpu.memory_space<hbm>> -> memref<1792xf32, #tpu.memory_space<hbm>>
      %dma_start3A_394 = arith.constant 12544 : i32
      %dma_start3A_395 = tpu.memref_slice %arg5[%dma_start3A_394] : memref<57344xf32, #tpu.memory_space<vmem>> -> memref<1792xf32, #tpu.memory_space<vmem>>
      tpu.enqueue_dma source(%dma_start3A_395 : memref<1792xf32, #tpu.memory_space<vmem>>) target(%dma_start3A_393 : memref<1792xf32, #tpu.memory_space<hbm>>) target_semaphore(%arg6 : memref<!tpu.dma_semaphore, #tpu.memory_space<semaphore_mem>>)
      %add3A_396 = arith.constant 64 : i32
      %add3A_397 = arith.addi %add3A_315, %add3A_396 : i32
      %mul3A_398 = arith.constant 1792 : i32
      %mul3A_399 = arith.muli %add3A_397, %mul3A_398 : i32
      %dma_start3A_400 = arith.constant 14336 : i32
      %dma_start3A_401 = tpu.memref_slice %arg5[%dma_start3A_400] : memref<57344xf32, #tpu.memory_space<vmem>> -> memref<1792xf32, #tpu.memory_space<vmem>>
      %dma_start3A_402 = tpu.memref_slice %arg3[%mul3A_399] : memref<38535168xf32, #tpu.memory_space<hbm>> -> memref<1792xf32, #tpu.memory_space<hbm>>
      %dma_start3A_403 = tpu.memref_slice %arg3[%mul3A_399] : memref<38535168xf32, #tpu.memory_space<hbm>> -> memref<1792xf32, #tpu.memory_space<hbm>>
      %dma_start3A_404 = arith.constant 14336 : i32
      %dma_start3A_405 = tpu.memref_slice %arg5[%dma_start3A_404] : memref<57344xf32, #tpu.memory_space<vmem>> -> memref<1792xf32, #tpu.memory_space<vmem>>
      tpu.enqueue_dma source(%dma_start3A_405 : memref<1792xf32, #tpu.memory_space<vmem>>) target(%dma_start3A_403 : memref<1792xf32, #tpu.memory_space<hbm>>) target_semaphore(%arg6 : memref<!tpu.dma_semaphore, #tpu.memory_space<semaphore_mem>>)
      %add3A_406 = arith.constant 72 : i32
      %add3A_407 = arith.addi %add3A_315, %add3A_406 : i32
      %mul3A_408 = arith.constant 1792 : i32
      %mul3A_409 = arith.muli %add3A_407, %mul3A_408 : i32
      %dma_start3A_410 = arith.constant 16128 : i32
      %dma_start3A_411 = tpu.memref_slice %arg5[%dma_start3A_410] : memref<57344xf32, #tpu.memory_space<vmem>> -> memref<1792xf32, #tpu.memory_space<vmem>>
      %dma_start3A_412 = tpu.memref_slice %arg3[%mul3A_409] : memref<38535168xf32, #tpu.memory_space<hbm>> -> memref<1792xf32, #tpu.memory_space<hbm>>
      %dma_start3A_413 = tpu.memref_slice %arg3[%mul3A_409] : memref<38535168xf32, #tpu.memory_space<hbm>> -> memref<1792xf32, #tpu.memory_space<hbm>>
      %dma_start3A_414 = arith.constant 16128 : i32
      %dma_start3A_415 = tpu.memref_slice %arg5[%dma_start3A_414] : memref<57344xf32, #tpu.memory_space<vmem>> -> memref<1792xf32, #tpu.memory_space<vmem>>
      tpu.enqueue_dma source(%dma_start3A_415 : memref<1792xf32, #tpu.memory_space<vmem>>) target(%dma_start3A_413 : memref<1792xf32, #tpu.memory_space<hbm>>) target_semaphore(%arg6 : memref<!tpu.dma_semaphore, #tpu.memory_space<semaphore_mem>>)
      %add3A_416 = arith.constant 80 : i32
      %add3A_417 = arith.addi %add3A_315, %add3A_416 : i32
      %mul3A_418 = arith.constant 1792 : i32
      %mul3A_419 = arith.muli %add3A_417, %mul3A_418 : i32
      %dma_start3A_420 = arith.constant 17920 : i32
      %dma_start3A_421 = tpu.memref_slice %arg5[%dma_start3A_420] : memref<57344xf32, #tpu.memory_space<vmem>> -> memref<1792xf32, #tpu.memory_space<vmem>>
      %dma_start3A_422 = tpu.memref_slice %arg3[%mul3A_419] : memref<38535168xf32, #tpu.memory_space<hbm>> -> memref<1792xf32, #tpu.memory_space<hbm>>
      %dma_start3A_423 = tpu.memref_slice %arg3[%mul3A_419] : memref<38535168xf32, #tpu.memory_space<hbm>> -> memref<1792xf32, #tpu.memory_space<hbm>>
      %dma_start3A_424 = arith.constant 17920 : i32
      %dma_start3A_425 = tpu.memref_slice %arg5[%dma_start3A_424] : memref<57344xf32, #tpu.memory_space<vmem>> -> memref<1792xf32, #tpu.memory_space<vmem>>
      tpu.enqueue_dma source(%dma_start3A_425 : memref<1792xf32, #tpu.memory_space<vmem>>) target(%dma_start3A_423 : memref<1792xf32, #tpu.memory_space<hbm>>) target_semaphore(%arg6 : memref<!tpu.dma_semaphore, #tpu.memory_space<semaphore_mem>>)
      %add3A_426 = arith.constant 88 : i32
      %add3A_427 = arith.addi %add3A_315, %add3A_426 : i32
      %mul3A_428 = arith.constant 1792 : i32
      %mul3A_429 = arith.muli %add3A_427, %mul3A_428 : i32
      %dma_start3A_430 = arith.constant 19712 : i32
      %dma_start3A_431 = tpu.memref_slice %arg5[%dma_start3A_430] : memref<57344xf32, #tpu.memory_space<vmem>> -> memref<1792xf32, #tpu.memory_space<vmem>>
      %dma_start3A_432 = tpu.memref_slice %arg3[%mul3A_429] : memref<38535168xf32, #tpu.memory_space<hbm>> -> memref<1792xf32, #tpu.memory_space<hbm>>
      %dma_start3A_433 = tpu.memref_slice %arg3[%mul3A_429] : memref<38535168xf32, #tpu.memory_space<hbm>> -> memref<1792xf32, #tpu.memory_space<hbm>>
      %dma_start3A_434 = arith.constant 19712 : i32
      %dma_start3A_435 = tpu.memref_slice %arg5[%dma_start3A_434] : memref<57344xf32, #tpu.memory_space<vmem>> -> memref<1792xf32, #tpu.memory_space<vmem>>
      tpu.enqueue_dma source(%dma_start3A_435 : memref<1792xf32, #tpu.memory_space<vmem>>) target(%dma_start3A_433 : memref<1792xf32, #tpu.memory_space<hbm>>) target_semaphore(%arg6 : memref<!tpu.dma_semaphore, #tpu.memory_space<semaphore_mem>>)
      %add3A_436 = arith.constant 96 : i32
      %add3A_437 = arith.addi %add3A_315, %add3A_436 : i32
      %mul3A_438 = arith.constant 1792 : i32
      %mul3A_439 = arith.muli %add3A_437, %mul3A_438 : i32
      %dma_start3A_440 = arith.constant 21504 : i32
      %dma_start3A_441 = tpu.memref_slice %arg5[%dma_start3A_440] : memref<57344xf32, #tpu.memory_space<vmem>> -> memref<1792xf32, #tpu.memory_space<vmem>>
      %dma_start3A_442 = tpu.memref_slice %arg3[%mul3A_439] : memref<38535168xf32, #tpu.memory_space<hbm>> -> memref<1792xf32, #tpu.memory_space<hbm>>
      %dma_start3A_443 = tpu.memref_slice %arg3[%mul3A_439] : memref<38535168xf32, #tpu.memory_space<hbm>> -> memref<1792xf32, #tpu.memory_space<hbm>>
      %dma_start3A_444 = arith.constant 21504 : i32
      %dma_start3A_445 = tpu.memref_slice %arg5[%dma_start3A_444] : memref<57344xf32, #tpu.memory_space<vmem>> -> memref<1792xf32, #tpu.memory_space<vmem>>
      tpu.enqueue_dma source(%dma_start3A_445 : memref<1792xf32, #tpu.memory_space<vmem>>) target(%dma_start3A_443 : memref<1792xf32, #tpu.memory_space<hbm>>) target_semaphore(%arg6 : memref<!tpu.dma_semaphore, #tpu.memory_space<semaphore_mem>>)
      %add3A_446 = arith.constant 104 : i32
      %add3A_447 = arith.addi %add3A_315, %add3A_446 : i32
      %mul3A_448 = arith.constant 1792 : i32
      %mul3A_449 = arith.muli %add3A_447, %mul3A_448 : i32
      %dma_start3A_450 = arith.constant 23296 : i32
      %dma_start3A_451 = tpu.memref_slice %arg5[%dma_start3A_450] : memref<57344xf32, #tpu.memory_space<vmem>> -> memref<1792xf32, #tpu.memory_space<vmem>>
      %dma_start3A_452 = tpu.memref_slice %arg3[%mul3A_449] : memref<38535168xf32, #tpu.memory_space<hbm>> -> memref<1792xf32, #tpu.memory_space<hbm>>
      %dma_start3A_453 = tpu.memref_slice %arg3[%mul3A_449] : memref<38535168xf32, #tpu.memory_space<hbm>> -> memref<1792xf32, #tpu.memory_space<hbm>>
      %dma_start3A_454 = arith.constant 23296 : i32
      %dma_start3A_455 = tpu.memref_slice %arg5[%dma_start3A_454] : memref<57344xf32, #tpu.memory_space<vmem>> -> memref<1792xf32, #tpu.memory_space<vmem>>
      tpu.enqueue_dma source(%dma_start3A_455 : memref<1792xf32, #tpu.memory_space<vmem>>) target(%dma_start3A_453 : memref<1792xf32, #tpu.memory_space<hbm>>) target_semaphore(%arg6 : memref<!tpu.dma_semaphore, #tpu.memory_space<semaphore_mem>>)
      %add3A_456 = arith.constant 112 : i32
      %add3A_457 = arith.addi %add3A_315, %add3A_456 : i32
      %mul3A_458 = arith.constant 1792 : i32
      %mul3A_459 = arith.muli %add3A_457, %mul3A_458 : i32
      %dma_start3A_460 = arith.constant 25088 : i32
      %dma_start3A_461 = tpu.memref_slice %arg5[%dma_start3A_460] : memref<57344xf32, #tpu.memory_space<vmem>> -> memref<1792xf32, #tpu.memory_space<vmem>>
      %dma_start3A_462 = tpu.memref_slice %arg3[%mul3A_459] : memref<38535168xf32, #tpu.memory_space<hbm>> -> memref<1792xf32, #tpu.memory_space<hbm>>
      %dma_start3A_463 = tpu.memref_slice %arg3[%mul3A_459] : memref<38535168xf32, #tpu.memory_space<hbm>> -> memref<1792xf32, #tpu.memory_space<hbm>>
      %dma_start3A_464 = arith.constant 25088 : i32
      %dma_start3A_465 = tpu.memref_slice %arg5[%dma_start3A_464] : memref<57344xf32, #tpu.memory_space<vmem>> -> memref<1792xf32, #tpu.memory_space<vmem>>
      tpu.enqueue_dma source(%dma_start3A_465 : memref<1792xf32, #tpu.memory_space<vmem>>) target(%dma_start3A_463 : memref<1792xf32, #tpu.memory_space<hbm>>) target_semaphore(%arg6 : memref<!tpu.dma_semaphore, #tpu.memory_space<semaphore_mem>>)
      %add3A_466 = arith.constant 120 : i32
      %add3A_467 = arith.addi %add3A_315, %add3A_466 : i32
      %mul3A_468 = arith.constant 1792 : i32
      %mul3A_469 = arith.muli %add3A_467, %mul3A_468 : i32
      %dma_start3A_470 = arith.constant 26880 : i32
      %dma_start3A_471 = tpu.memref_slice %arg5[%dma_start3A_470] : memref<57344xf32, #tpu.memory_space<vmem>> -> memref<1792xf32, #tpu.memory_space<vmem>>
      %dma_start3A_472 = tpu.memref_slice %arg3[%mul3A_469] : memref<38535168xf32, #tpu.memory_space<hbm>> -> memref<1792xf32, #tpu.memory_space<hbm>>
      %dma_start3A_473 = tpu.memref_slice %arg3[%mul3A_469] : memref<38535168xf32, #tpu.memory_space<hbm>> -> memref<1792xf32, #tpu.memory_space<hbm>>
      %dma_start3A_474 = arith.constant 26880 : i32
      %dma_start3A_475 = tpu.memref_slice %arg5[%dma_start3A_474] : memref<57344xf32, #tpu.memory_space<vmem>> -> memref<1792xf32, #tpu.memory_space<vmem>>
      tpu.enqueue_dma source(%dma_start3A_475 : memref<1792xf32, #tpu.memory_space<vmem>>) target(%dma_start3A_473 : memref<1792xf32, #tpu.memory_space<hbm>>) target_semaphore(%arg6 : memref<!tpu.dma_semaphore, #tpu.memory_space<semaphore_mem>>)
      %add3A_476 = arith.constant 128 : i32
      %add3A_477 = arith.addi %add3A_315, %add3A_476 : i32
      %mul3A_478 = arith.constant 1792 : i32
      %mul3A_479 = arith.muli %add3A_477, %mul3A_478 : i32
      %dma_start3A_480 = arith.constant 28672 : i32
      %dma_start3A_481 = tpu.memref_slice %arg5[%dma_start3A_480] : memref<57344xf32, #tpu.memory_space<vmem>> -> memref<1792xf32, #tpu.memory_space<vmem>>
      %dma_start3A_482 = tpu.memref_slice %arg3[%mul3A_479] : memref<38535168xf32, #tpu.memory_space<hbm>> -> memref<1792xf32, #tpu.memory_space<hbm>>
      %dma_start3A_483 = tpu.memref_slice %arg3[%mul3A_479] : memref<38535168xf32, #tpu.memory_space<hbm>> -> memref<1792xf32, #tpu.memory_space<hbm>>
      %dma_start3A_484 = arith.constant 28672 : i32
      %dma_start3A_485 = tpu.memref_slice %arg5[%dma_start3A_484] : memref<57344xf32, #tpu.memory_space<vmem>> -> memref<1792xf32, #tpu.memory_space<vmem>>
      tpu.enqueue_dma source(%dma_start3A_485 : memref<1792xf32, #tpu.memory_space<vmem>>) target(%dma_start3A_483 : memref<1792xf32, #tpu.memory_space<hbm>>) target_semaphore(%arg6 : memref<!tpu.dma_semaphore, #tpu.memory_space<semaphore_mem>>)
      %add3A_486 = arith.constant 136 : i32
      %add3A_487 = arith.addi %add3A_315, %add3A_486 : i32
      %mul3A_488 = arith.constant 1792 : i32
      %mul3A_489 = arith.muli %add3A_487, %mul3A_488 : i32
      %dma_start3A_490 = arith.constant 30464 : i32
      %dma_start3A_491 = tpu.memref_slice %arg5[%dma_start3A_490] : memref<57344xf32, #tpu.memory_space<vmem>> -> memref<1792xf32, #tpu.memory_space<vmem>>
      %dma_start3A_492 = tpu.memref_slice %arg3[%mul3A_489] : memref<38535168xf32, #tpu.memory_space<hbm>> -> memref<1792xf32, #tpu.memory_space<hbm>>
      %dma_start3A_493 = tpu.memref_slice %arg3[%mul3A_489] : memref<38535168xf32, #tpu.memory_space<hbm>> -> memref<1792xf32, #tpu.memory_space<hbm>>
      %dma_start3A_494 = arith.constant 30464 : i32
      %dma_start3A_495 = tpu.memref_slice %arg5[%dma_start3A_494] : memref<57344xf32, #tpu.memory_space<vmem>> -> memref<1792xf32, #tpu.memory_space<vmem>>
      tpu.enqueue_dma source(%dma_start3A_495 : memref<1792xf32, #tpu.memory_space<vmem>>) target(%dma_start3A_493 : memref<1792xf32, #tpu.memory_space<hbm>>) target_semaphore(%arg6 : memref<!tpu.dma_semaphore, #tpu.memory_space<semaphore_mem>>)
      %add3A_496 = arith.constant 144 : i32
      %add3A_497 = arith.addi %add3A_315, %add3A_496 : i32
      %mul3A_498 = arith.constant 1792 : i32
      %mul3A_499 = arith.muli %add3A_497, %mul3A_498 : i32
      %dma_start3A_500 = arith.constant 32256 : i32
      %dma_start3A_501 = tpu.memref_slice %arg5[%dma_start3A_500] : memref<57344xf32, #tpu.memory_space<vmem>> -> memref<1792xf32, #tpu.memory_space<vmem>>
      %dma_start3A_502 = tpu.memref_slice %arg3[%mul3A_499] : memref<38535168xf32, #tpu.memory_space<hbm>> -> memref<1792xf32, #tpu.memory_space<hbm>>
      %dma_start3A_503 = tpu.memref_slice %arg3[%mul3A_499] : memref<38535168xf32, #tpu.memory_space<hbm>> -> memref<1792xf32, #tpu.memory_space<hbm>>
      %dma_start3A_504 = arith.constant 32256 : i32
      %dma_start3A_505 = tpu.memref_slice %arg5[%dma_start3A_504] : memref<57344xf32, #tpu.memory_space<vmem>> -> memref<1792xf32, #tpu.memory_space<vmem>>
      tpu.enqueue_dma source(%dma_start3A_505 : memref<1792xf32, #tpu.memory_space<vmem>>) target(%dma_start3A_503 : memref<1792xf32, #tpu.memory_space<hbm>>) target_semaphore(%arg6 : memref<!tpu.dma_semaphore, #tpu.memory_space<semaphore_mem>>)
      %add3A_506 = arith.constant 152 : i32
      %add3A_507 = arith.addi %add3A_315, %add3A_506 : i32
      %mul3A_508 = arith.constant 1792 : i32
      %mul3A_509 = arith.muli %add3A_507, %mul3A_508 : i32
      %dma_start3A_510 = arith.constant 34048 : i32
      %dma_start3A_511 = tpu.memref_slice %arg5[%dma_start3A_510] : memref<57344xf32, #tpu.memory_space<vmem>> -> memref<1792xf32, #tpu.memory_space<vmem>>
      %dma_start3A_512 = tpu.memref_slice %arg3[%mul3A_509] : memref<38535168xf32, #tpu.memory_space<hbm>> -> memref<1792xf32, #tpu.memory_space<hbm>>
      %dma_start3A_513 = tpu.memref_slice %arg3[%mul3A_509] : memref<38535168xf32, #tpu.memory_space<hbm>> -> memref<1792xf32, #tpu.memory_space<hbm>>
      %dma_start3A_514 = arith.constant 34048 : i32
      %dma_start3A_515 = tpu.memref_slice %arg5[%dma_start3A_514] : memref<57344xf32, #tpu.memory_space<vmem>> -> memref<1792xf32, #tpu.memory_space<vmem>>
      tpu.enqueue_dma source(%dma_start3A_515 : memref<1792xf32, #tpu.memory_space<vmem>>) target(%dma_start3A_513 : memref<1792xf32, #tpu.memory_space<hbm>>) target_semaphore(%arg6 : memref<!tpu.dma_semaphore, #tpu.memory_space<semaphore_mem>>)
      %add3A_516 = arith.constant 160 : i32
      %add3A_517 = arith.addi %add3A_315, %add3A_516 : i32
      %mul3A_518 = arith.constant 1792 : i32
      %mul3A_519 = arith.muli %add3A_517, %mul3A_518 : i32
      %dma_start3A_520 = arith.constant 35840 : i32
      %dma_start3A_521 = tpu.memref_slice %arg5[%dma_start3A_520] : memref<57344xf32, #tpu.memory_space<vmem>> -> memref<1792xf32, #tpu.memory_space<vmem>>
      %dma_start3A_522 = tpu.memref_slice %arg3[%mul3A_519] : memref<38535168xf32, #tpu.memory_space<hbm>> -> memref<1792xf32, #tpu.memory_space<hbm>>
      %dma_start3A_523 = tpu.memref_slice %arg3[%mul3A_519] : memref<38535168xf32, #tpu.memory_space<hbm>> -> memref<1792xf32, #tpu.memory_space<hbm>>
      %dma_start3A_524 = arith.constant 35840 : i32
      %dma_start3A_525 = tpu.memref_slice %arg5[%dma_start3A_524] : memref<57344xf32, #tpu.memory_space<vmem>> -> memref<1792xf32, #tpu.memory_space<vmem>>
      tpu.enqueue_dma source(%dma_start3A_525 : memref<1792xf32, #tpu.memory_space<vmem>>) target(%dma_start3A_523 : memref<1792xf32, #tpu.memory_space<hbm>>) target_semaphore(%arg6 : memref<!tpu.dma_semaphore, #tpu.memory_space<semaphore_mem>>)
      %add3A_526 = arith.constant 168 : i32
      %add3A_527 = arith.addi %add3A_315, %add3A_526 : i32
      %mul3A_528 = arith.constant 1792 : i32
      %mul3A_529 = arith.muli %add3A_527, %mul3A_528 : i32
      %dma_start3A_530 = arith.constant 37632 : i32
      %dma_start3A_531 = tpu.memref_slice %arg5[%dma_start3A_530] : memref<57344xf32, #tpu.memory_space<vmem>> -> memref<1792xf32, #tpu.memory_space<vmem>>
      %dma_start3A_532 = tpu.memref_slice %arg3[%mul3A_529] : memref<38535168xf32, #tpu.memory_space<hbm>> -> memref<1792xf32, #tpu.memory_space<hbm>>
      %dma_start3A_533 = tpu.memref_slice %arg3[%mul3A_529] : memref<38535168xf32, #tpu.memory_space<hbm>> -> memref<1792xf32, #tpu.memory_space<hbm>>
      %dma_start3A_534 = arith.constant 37632 : i32
      %dma_start3A_535 = tpu.memref_slice %arg5[%dma_start3A_534] : memref<57344xf32, #tpu.memory_space<vmem>> -> memref<1792xf32, #tpu.memory_space<vmem>>
      tpu.enqueue_dma source(%dma_start3A_535 : memref<1792xf32, #tpu.memory_space<vmem>>) target(%dma_start3A_533 : memref<1792xf32, #tpu.memory_space<hbm>>) target_semaphore(%arg6 : memref<!tpu.dma_semaphore, #tpu.memory_space<semaphore_mem>>)
      %add3A_536 = arith.constant 176 : i32
      %add3A_537 = arith.addi %add3A_315, %add3A_536 : i32
      %mul3A_538 = arith.constant 1792 : i32
      %mul3A_539 = arith.muli %add3A_537, %mul3A_538 : i32
      %dma_start3A_540 = arith.constant 39424 : i32
      %dma_start3A_541 = tpu.memref_slice %arg5[%dma_start3A_540] : memref<57344xf32, #tpu.memory_space<vmem>> -> memref<1792xf32, #tpu.memory_space<vmem>>
      %dma_start3A_542 = tpu.memref_slice %arg3[%mul3A_539] : memref<38535168xf32, #tpu.memory_space<hbm>> -> memref<1792xf32, #tpu.memory_space<hbm>>
      %dma_start3A_543 = tpu.memref_slice %arg3[%mul3A_539] : memref<38535168xf32, #tpu.memory_space<hbm>> -> memref<1792xf32, #tpu.memory_space<hbm>>
      %dma_start3A_544 = arith.constant 39424 : i32
      %dma_start3A_545 = tpu.memref_slice %arg5[%dma_start3A_544] : memref<57344xf32, #tpu.memory_space<vmem>> -> memref<1792xf32, #tpu.memory_space<vmem>>
      tpu.enqueue_dma source(%dma_start3A_545 : memref<1792xf32, #tpu.memory_space<vmem>>) target(%dma_start3A_543 : memref<1792xf32, #tpu.memory_space<hbm>>) target_semaphore(%arg6 : memref<!tpu.dma_semaphore, #tpu.memory_space<semaphore_mem>>)
      %add3A_546 = arith.constant 184 : i32
      %add3A_547 = arith.addi %add3A_315, %add3A_546 : i32
      %mul3A_548 = arith.constant 1792 : i32
      %mul3A_549 = arith.muli %add3A_547, %mul3A_548 : i32
      %dma_start3A_550 = arith.constant 41216 : i32
      %dma_start3A_551 = tpu.memref_slice %arg5[%dma_start3A_550] : memref<57344xf32, #tpu.memory_space<vmem>> -> memref<1792xf32, #tpu.memory_space<vmem>>
      %dma_start3A_552 = tpu.memref_slice %arg3[%mul3A_549] : memref<38535168xf32, #tpu.memory_space<hbm>> -> memref<1792xf32, #tpu.memory_space<hbm>>
      %dma_start3A_553 = tpu.memref_slice %arg3[%mul3A_549] : memref<38535168xf32, #tpu.memory_space<hbm>> -> memref<1792xf32, #tpu.memory_space<hbm>>
      %dma_start3A_554 = arith.constant 41216 : i32
      %dma_start3A_555 = tpu.memref_slice %arg5[%dma_start3A_554] : memref<57344xf32, #tpu.memory_space<vmem>> -> memref<1792xf32, #tpu.memory_space<vmem>>
      tpu.enqueue_dma source(%dma_start3A_555 : memref<1792xf32, #tpu.memory_space<vmem>>) target(%dma_start3A_553 : memref<1792xf32, #tpu.memory_space<hbm>>) target_semaphore(%arg6 : memref<!tpu.dma_semaphore, #tpu.memory_space<semaphore_mem>>)
      %add3A_556 = arith.constant 192 : i32
      %add3A_557 = arith.addi %add3A_315, %add3A_556 : i32
      %mul3A_558 = arith.constant 1792 : i32
      %mul3A_559 = arith.muli %add3A_557, %mul3A_558 : i32
      %dma_start3A_560 = arith.constant 43008 : i32
      %dma_start3A_561 = tpu.memref_slice %arg5[%dma_start3A_560] : memref<57344xf32, #tpu.memory_space<vmem>> -> memref<1792xf32, #tpu.memory_space<vmem>>
      %dma_start3A_562 = tpu.memref_slice %arg3[%mul3A_559] : memref<38535168xf32, #tpu.memory_space<hbm>> -> memref<1792xf32, #tpu.memory_space<hbm>>
      %dma_start3A_563 = tpu.memref_slice %arg3[%mul3A_559] : memref<38535168xf32, #tpu.memory_space<hbm>> -> memref<1792xf32, #tpu.memory_space<hbm>>
      %dma_start3A_564 = arith.constant 43008 : i32
      %dma_start3A_565 = tpu.memref_slice %arg5[%dma_start3A_564] : memref<57344xf32, #tpu.memory_space<vmem>> -> memref<1792xf32, #tpu.memory_space<vmem>>
      tpu.enqueue_dma source(%dma_start3A_565 : memref<1792xf32, #tpu.memory_space<vmem>>) target(%dma_start3A_563 : memref<1792xf32, #tpu.memory_space<hbm>>) target_semaphore(%arg6 : memref<!tpu.dma_semaphore, #tpu.memory_space<semaphore_mem>>)
      %add3A_566 = arith.constant 200 : i32
      %add3A_567 = arith.addi %add3A_315, %add3A_566 : i32
      %mul3A_568 = arith.constant 1792 : i32
      %mul3A_569 = arith.muli %add3A_567, %mul3A_568 : i32
      %dma_start3A_570 = arith.constant 44800 : i32
      %dma_start3A_571 = tpu.memref_slice %arg5[%dma_start3A_570] : memref<57344xf32, #tpu.memory_space<vmem>> -> memref<1792xf32, #tpu.memory_space<vmem>>
      %dma_start3A_572 = tpu.memref_slice %arg3[%mul3A_569] : memref<38535168xf32, #tpu.memory_space<hbm>> -> memref<1792xf32, #tpu.memory_space<hbm>>
      %dma_start3A_573 = tpu.memref_slice %arg3[%mul3A_569] : memref<38535168xf32, #tpu.memory_space<hbm>> -> memref<1792xf32, #tpu.memory_space<hbm>>
      %dma_start3A_574 = arith.constant 44800 : i32
      %dma_start3A_575 = tpu.memref_slice %arg5[%dma_start3A_574] : memref<57344xf32, #tpu.memory_space<vmem>> -> memref<1792xf32, #tpu.memory_space<vmem>>
      tpu.enqueue_dma source(%dma_start3A_575 : memref<1792xf32, #tpu.memory_space<vmem>>) target(%dma_start3A_573 : memref<1792xf32, #tpu.memory_space<hbm>>) target_semaphore(%arg6 : memref<!tpu.dma_semaphore, #tpu.memory_space<semaphore_mem>>)
      %add3A_576 = arith.constant 208 : i32
      %add3A_577 = arith.addi %add3A_315, %add3A_576 : i32
      %mul3A_578 = arith.constant 1792 : i32
      %mul3A_579 = arith.muli %add3A_577, %mul3A_578 : i32
      %dma_start3A_580 = arith.constant 46592 : i32
      %dma_start3A_581 = tpu.memref_slice %arg5[%dma_start3A_580] : memref<57344xf32, #tpu.memory_space<vmem>> -> memref<1792xf32, #tpu.memory_space<vmem>>
      %dma_start3A_582 = tpu.memref_slice %arg3[%mul3A_579] : memref<38535168xf32, #tpu.memory_space<hbm>> -> memref<1792xf32, #tpu.memory_space<hbm>>
      %dma_start3A_583 = tpu.memref_slice %arg3[%mul3A_579] : memref<38535168xf32, #tpu.memory_space<hbm>> -> memref<1792xf32, #tpu.memory_space<hbm>>
      %dma_start3A_584 = arith.constant 46592 : i32
      %dma_start3A_585 = tpu.memref_slice %arg5[%dma_start3A_584] : memref<57344xf32, #tpu.memory_space<vmem>> -> memref<1792xf32, #tpu.memory_space<vmem>>
      tpu.enqueue_dma source(%dma_start3A_585 : memref<1792xf32, #tpu.memory_space<vmem>>) target(%dma_start3A_583 : memref<1792xf32, #tpu.memory_space<hbm>>) target_semaphore(%arg6 : memref<!tpu.dma_semaphore, #tpu.memory_space<semaphore_mem>>)
      %add3A_586 = arith.constant 216 : i32
      %add3A_587 = arith.addi %add3A_315, %add3A_586 : i32
      %mul3A_588 = arith.constant 1792 : i32
      %mul3A_589 = arith.muli %add3A_587, %mul3A_588 : i32
      %dma_start3A_590 = arith.constant 48384 : i32
      %dma_start3A_591 = tpu.memref_slice %arg5[%dma_start3A_590] : memref<57344xf32, #tpu.memory_space<vmem>> -> memref<1792xf32, #tpu.memory_space<vmem>>
      %dma_start3A_592 = tpu.memref_slice %arg3[%mul3A_589] : memref<38535168xf32, #tpu.memory_space<hbm>> -> memref<1792xf32, #tpu.memory_space<hbm>>
      %dma_start3A_593 = tpu.memref_slice %arg3[%mul3A_589] : memref<38535168xf32, #tpu.memory_space<hbm>> -> memref<1792xf32, #tpu.memory_space<hbm>>
      %dma_start3A_594 = arith.constant 48384 : i32
      %dma_start3A_595 = tpu.memref_slice %arg5[%dma_start3A_594] : memref<57344xf32, #tpu.memory_space<vmem>> -> memref<1792xf32, #tpu.memory_space<vmem>>
      tpu.enqueue_dma source(%dma_start3A_595 : memref<1792xf32, #tpu.memory_space<vmem>>) target(%dma_start3A_593 : memref<1792xf32, #tpu.memory_space<hbm>>) target_semaphore(%arg6 : memref<!tpu.dma_semaphore, #tpu.memory_space<semaphore_mem>>)
      %add3A_596 = arith.constant 224 : i32
      %add3A_597 = arith.addi %add3A_315, %add3A_596 : i32
      %mul3A_598 = arith.constant 1792 : i32
      %mul3A_599 = arith.muli %add3A_597, %mul3A_598 : i32
      %dma_start3A_600 = arith.constant 50176 : i32
      %dma_start3A_601 = tpu.memref_slice %arg5[%dma_start3A_600] : memref<57344xf32, #tpu.memory_space<vmem>> -> memref<1792xf32, #tpu.memory_space<vmem>>
      %dma_start3A_602 = tpu.memref_slice %arg3[%mul3A_599] : memref<38535168xf32, #tpu.memory_space<hbm>> -> memref<1792xf32, #tpu.memory_space<hbm>>
      %dma_start3A_603 = tpu.memref_slice %arg3[%mul3A_599] : memref<38535168xf32, #tpu.memory_space<hbm>> -> memref<1792xf32, #tpu.memory_space<hbm>>
      %dma_start3A_604 = arith.constant 50176 : i32
      %dma_start3A_605 = tpu.memref_slice %arg5[%dma_start3A_604] : memref<57344xf32, #tpu.memory_space<vmem>> -> memref<1792xf32, #tpu.memory_space<vmem>>
      tpu.enqueue_dma source(%dma_start3A_605 : memref<1792xf32, #tpu.memory_space<vmem>>) target(%dma_start3A_603 : memref<1792xf32, #tpu.memory_space<hbm>>) target_semaphore(%arg6 : memref<!tpu.dma_semaphore, #tpu.memory_space<semaphore_mem>>)
      %add3A_606 = arith.constant 232 : i32
      %add3A_607 = arith.addi %add3A_315, %add3A_606 : i32
      %mul3A_608 = arith.constant 1792 : i32
      %mul3A_609 = arith.muli %add3A_607, %mul3A_608 : i32
      %dma_start3A_610 = arith.constant 51968 : i32
      %dma_start3A_611 = tpu.memref_slice %arg5[%dma_start3A_610] : memref<57344xf32, #tpu.memory_space<vmem>> -> memref<1792xf32, #tpu.memory_space<vmem>>
      %dma_start3A_612 = tpu.memref_slice %arg3[%mul3A_609] : memref<38535168xf32, #tpu.memory_space<hbm>> -> memref<1792xf32, #tpu.memory_space<hbm>>
      %dma_start3A_613 = tpu.memref_slice %arg3[%mul3A_609] : memref<38535168xf32, #tpu.memory_space<hbm>> -> memref<1792xf32, #tpu.memory_space<hbm>>
      %dma_start3A_614 = arith.constant 51968 : i32
      %dma_start3A_615 = tpu.memref_slice %arg5[%dma_start3A_614] : memref<57344xf32, #tpu.memory_space<vmem>> -> memref<1792xf32, #tpu.memory_space<vmem>>
      tpu.enqueue_dma source(%dma_start3A_615 : memref<1792xf32, #tpu.memory_space<vmem>>) target(%dma_start3A_613 : memref<1792xf32, #tpu.memory_space<hbm>>) target_semaphore(%arg6 : memref<!tpu.dma_semaphore, #tpu.memory_space<semaphore_mem>>)
      %add3A_616 = arith.constant 240 : i32
      %add3A_617 = arith.addi %add3A_315, %add3A_616 : i32
      %mul3A_618 = arith.constant 1792 : i32
      %mul3A_619 = arith.muli %add3A_617, %mul3A_618 : i32
      %dma_start3A_620 = arith.constant 53760 : i32
      %dma_start3A_621 = tpu.memref_slice %arg5[%dma_start3A_620] : memref<57344xf32, #tpu.memory_space<vmem>> -> memref<1792xf32, #tpu.memory_space<vmem>>
      %dma_start3A_622 = tpu.memref_slice %arg3[%mul3A_619] : memref<38535168xf32, #tpu.memory_space<hbm>> -> memref<1792xf32, #tpu.memory_space<hbm>>
      %dma_start3A_623 = tpu.memref_slice %arg3[%mul3A_619] : memref<38535168xf32, #tpu.memory_space<hbm>> -> memref<1792xf32, #tpu.memory_space<hbm>>
      %dma_start3A_624 = arith.constant 53760 : i32
      %dma_start3A_625 = tpu.memref_slice %arg5[%dma_start3A_624] : memref<57344xf32, #tpu.memory_space<vmem>> -> memref<1792xf32, #tpu.memory_space<vmem>>
      tpu.enqueue_dma source(%dma_start3A_625 : memref<1792xf32, #tpu.memory_space<vmem>>) target(%dma_start3A_623 : memref<1792xf32, #tpu.memory_space<hbm>>) target_semaphore(%arg6 : memref<!tpu.dma_semaphore, #tpu.memory_space<semaphore_mem>>)
      %add3A_626 = arith.constant 248 : i32
      %add3A_627 = arith.addi %add3A_315, %add3A_626 : i32
      %mul3A_628 = arith.constant 1792 : i32
      %mul3A_629 = arith.muli %add3A_627, %mul3A_628 : i32
      %dma_start3A_630 = arith.constant 55552 : i32
      %dma_start3A_631 = tpu.memref_slice %arg5[%dma_start3A_630] : memref<57344xf32, #tpu.memory_space<vmem>> -> memref<1792xf32, #tpu.memory_space<vmem>>
      %dma_start3A_632 = tpu.memref_slice %arg3[%mul3A_629] : memref<38535168xf32, #tpu.memory_space<hbm>> -> memref<1792xf32, #tpu.memory_space<hbm>>
      %dma_start3A_633 = tpu.memref_slice %arg3[%mul3A_629] : memref<38535168xf32, #tpu.memory_space<hbm>> -> memref<1792xf32, #tpu.memory_space<hbm>>
      %dma_start3A_634 = arith.constant 55552 : i32
      %dma_start3A_635 = tpu.memref_slice %arg5[%dma_start3A_634] : memref<57344xf32, #tpu.memory_space<vmem>> -> memref<1792xf32, #tpu.memory_space<vmem>>
      tpu.enqueue_dma source(%dma_start3A_635 : memref<1792xf32, #tpu.memory_space<vmem>>) target(%dma_start3A_633 : memref<1792xf32, #tpu.memory_space<hbm>>) target_semaphore(%arg6 : memref<!tpu.dma_semaphore, #tpu.memory_space<semaphore_mem>>)
      %dma_wait3A_636 = arith.constant 0 : i32
      %dma_wait3A_637 = tpu.memref_slice %arg5[%dma_wait3A_636] : memref<57344xf32, #tpu.memory_space<vmem>> -> memref<1792xf32, #tpu.memory_space<vmem>>
      %dma_wait3A_638 = tpu.memref_slice %arg3[%mul3A_319] : memref<38535168xf32, #tpu.memory_space<hbm>> -> memref<1792xf32, #tpu.memory_space<hbm>>
      %dma_wait3A_639 = tpu.memref_slice %arg3[%mul3A_319] : memref<38535168xf32, #tpu.memory_space<hbm>> -> memref<1792xf32, #tpu.memory_space<hbm>>
      %dma_wait3A_640 = arith.constant 0 : i32
      %dma_wait3A_641 = tpu.memref_slice %arg5[%dma_wait3A_640] : memref<57344xf32, #tpu.memory_space<vmem>> -> memref<1792xf32, #tpu.memory_space<vmem>>
      tpu.wait_dma2 semaphore(%arg6 : memref<!tpu.dma_semaphore, #tpu.memory_space<semaphore_mem>>) src(%dma_wait3A_641 : memref<1792xf32, #tpu.memory_space<vmem>>) dst(%dma_wait3A_639 : memref<1792xf32, #tpu.memory_space<hbm>>)
      %dma_wait3A_642 = arith.constant 1792 : i32
      %dma_wait3A_643 = tpu.memref_slice %arg5[%dma_wait3A_642] : memref<57344xf32, #tpu.memory_space<vmem>> -> memref<1792xf32, #tpu.memory_space<vmem>>
      %dma_wait3A_644 = tpu.memref_slice %arg3[%mul3A_329] : memref<38535168xf32, #tpu.memory_space<hbm>> -> memref<1792xf32, #tpu.memory_space<hbm>>
      %dma_wait3A_645 = tpu.memref_slice %arg3[%mul3A_329] : memref<38535168xf32, #tpu.memory_space<hbm>> -> memref<1792xf32, #tpu.memory_space<hbm>>
      %dma_wait3A_646 = arith.constant 1792 : i32
      %dma_wait3A_647 = tpu.memref_slice %arg5[%dma_wait3A_646] : memref<57344xf32, #tpu.memory_space<vmem>> -> memref<1792xf32, #tpu.memory_space<vmem>>
      tpu.wait_dma2 semaphore(%arg6 : memref<!tpu.dma_semaphore, #tpu.memory_space<semaphore_mem>>) src(%dma_wait3A_647 : memref<1792xf32, #tpu.memory_space<vmem>>) dst(%dma_wait3A_645 : memref<1792xf32, #tpu.memory_space<hbm>>)
      %dma_wait3A_648 = arith.constant 3584 : i32
      %dma_wait3A_649 = tpu.memref_slice %arg5[%dma_wait3A_648] : memref<57344xf32, #tpu.memory_space<vmem>> -> memref<1792xf32, #tpu.memory_space<vmem>>
      %dma_wait3A_650 = tpu.memref_slice %arg3[%mul3A_339] : memref<38535168xf32, #tpu.memory_space<hbm>> -> memref<1792xf32, #tpu.memory_space<hbm>>
      %dma_wait3A_651 = tpu.memref_slice %arg3[%mul3A_339] : memref<38535168xf32, #tpu.memory_space<hbm>> -> memref<1792xf32, #tpu.memory_space<hbm>>
      %dma_wait3A_652 = arith.constant 3584 : i32
      %dma_wait3A_653 = tpu.memref_slice %arg5[%dma_wait3A_652] : memref<57344xf32, #tpu.memory_space<vmem>> -> memref<1792xf32, #tpu.memory_space<vmem>>
      tpu.wait_dma2 semaphore(%arg6 : memref<!tpu.dma_semaphore, #tpu.memory_space<semaphore_mem>>) src(%dma_wait3A_653 : memref<1792xf32, #tpu.memory_space<vmem>>) dst(%dma_wait3A_651 : memref<1792xf32, #tpu.memory_space<hbm>>)
      %dma_wait3A_654 = arith.constant 5376 : i32
      %dma_wait3A_655 = tpu.memref_slice %arg5[%dma_wait3A_654] : memref<57344xf32, #tpu.memory_space<vmem>> -> memref<1792xf32, #tpu.memory_space<vmem>>
      %dma_wait3A_656 = tpu.memref_slice %arg3[%mul3A_349] : memref<38535168xf32, #tpu.memory_space<hbm>> -> memref<1792xf32, #tpu.memory_space<hbm>>
      %dma_wait3A_657 = tpu.memref_slice %arg3[%mul3A_349] : memref<38535168xf32, #tpu.memory_space<hbm>> -> memref<1792xf32, #tpu.memory_space<hbm>>
      %dma_wait3A_658 = arith.constant 5376 : i32
      %dma_wait3A_659 = tpu.memref_slice %arg5[%dma_wait3A_658] : memref<57344xf32, #tpu.memory_space<vmem>> -> memref<1792xf32, #tpu.memory_space<vmem>>
      tpu.wait_dma2 semaphore(%arg6 : memref<!tpu.dma_semaphore, #tpu.memory_space<semaphore_mem>>) src(%dma_wait3A_659 : memref<1792xf32, #tpu.memory_space<vmem>>) dst(%dma_wait3A_657 : memref<1792xf32, #tpu.memory_space<hbm>>)
      %dma_wait3A_660 = arith.constant 7168 : i32
      %dma_wait3A_661 = tpu.memref_slice %arg5[%dma_wait3A_660] : memref<57344xf32, #tpu.memory_space<vmem>> -> memref<1792xf32, #tpu.memory_space<vmem>>
      %dma_wait3A_662 = tpu.memref_slice %arg3[%mul3A_359] : memref<38535168xf32, #tpu.memory_space<hbm>> -> memref<1792xf32, #tpu.memory_space<hbm>>
      %dma_wait3A_663 = tpu.memref_slice %arg3[%mul3A_359] : memref<38535168xf32, #tpu.memory_space<hbm>> -> memref<1792xf32, #tpu.memory_space<hbm>>
      %dma_wait3A_664 = arith.constant 7168 : i32
      %dma_wait3A_665 = tpu.memref_slice %arg5[%dma_wait3A_664] : memref<57344xf32, #tpu.memory_space<vmem>> -> memref<1792xf32, #tpu.memory_space<vmem>>
      tpu.wait_dma2 semaphore(%arg6 : memref<!tpu.dma_semaphore, #tpu.memory_space<semaphore_mem>>) src(%dma_wait3A_665 : memref<1792xf32, #tpu.memory_space<vmem>>) dst(%dma_wait3A_663 : memref<1792xf32, #tpu.memory_space<hbm>>)
      %dma_wait3A_666 = arith.constant 8960 : i32
      %dma_wait3A_667 = tpu.memref_slice %arg5[%dma_wait3A_666] : memref<57344xf32, #tpu.memory_space<vmem>> -> memref<1792xf32, #tpu.memory_space<vmem>>
      %dma_wait3A_668 = tpu.memref_slice %arg3[%mul3A_369] : memref<38535168xf32, #tpu.memory_space<hbm>> -> memref<1792xf32, #tpu.memory_space<hbm>>
      %dma_wait3A_669 = tpu.memref_slice %arg3[%mul3A_369] : memref<38535168xf32, #tpu.memory_space<hbm>> -> memref<1792xf32, #tpu.memory_space<hbm>>
      %dma_wait3A_670 = arith.constant 8960 : i32
      %dma_wait3A_671 = tpu.memref_slice %arg5[%dma_wait3A_670] : memref<57344xf32, #tpu.memory_space<vmem>> -> memref<1792xf32, #tpu.memory_space<vmem>>
      tpu.wait_dma2 semaphore(%arg6 : memref<!tpu.dma_semaphore, #tpu.memory_space<semaphore_mem>>) src(%dma_wait3A_671 : memref<1792xf32, #tpu.memory_space<vmem>>) dst(%dma_wait3A_669 : memref<1792xf32, #tpu.memory_space<hbm>>)
      %dma_wait3A_672 = arith.constant 10752 : i32
      %dma_wait3A_673 = tpu.memref_slice %arg5[%dma_wait3A_672] : memref<57344xf32, #tpu.memory_space<vmem>> -> memref<1792xf32, #tpu.memory_space<vmem>>
      %dma_wait3A_674 = tpu.memref_slice %arg3[%mul3A_379] : memref<38535168xf32, #tpu.memory_space<hbm>> -> memref<1792xf32, #tpu.memory_space<hbm>>
      %dma_wait3A_675 = tpu.memref_slice %arg3[%mul3A_379] : memref<38535168xf32, #tpu.memory_space<hbm>> -> memref<1792xf32, #tpu.memory_space<hbm>>
      %dma_wait3A_676 = arith.constant 10752 : i32
      %dma_wait3A_677 = tpu.memref_slice %arg5[%dma_wait3A_676] : memref<57344xf32, #tpu.memory_space<vmem>> -> memref<1792xf32, #tpu.memory_space<vmem>>
      tpu.wait_dma2 semaphore(%arg6 : memref<!tpu.dma_semaphore, #tpu.memory_space<semaphore_mem>>) src(%dma_wait3A_677 : memref<1792xf32, #tpu.memory_space<vmem>>) dst(%dma_wait3A_675 : memref<1792xf32, #tpu.memory_space<hbm>>)
      %dma_wait3A_678 = arith.constant 12544 : i32
      %dma_wait3A_679 = tpu.memref_slice %arg5[%dma_wait3A_678] : memref<57344xf32, #tpu.memory_space<vmem>> -> memref<1792xf32, #tpu.memory_space<vmem>>
      %dma_wait3A_680 = tpu.memref_slice %arg3[%mul3A_389] : memref<38535168xf32, #tpu.memory_space<hbm>> -> memref<1792xf32, #tpu.memory_space<hbm>>
      %dma_wait3A_681 = tpu.memref_slice %arg3[%mul3A_389] : memref<38535168xf32, #tpu.memory_space<hbm>> -> memref<1792xf32, #tpu.memory_space<hbm>>
      %dma_wait3A_682 = arith.constant 12544 : i32
      %dma_wait3A_683 = tpu.memref_slice %arg5[%dma_wait3A_682] : memref<57344xf32, #tpu.memory_space<vmem>> -> memref<1792xf32, #tpu.memory_space<vmem>>
      tpu.wait_dma2 semaphore(%arg6 : memref<!tpu.dma_semaphore, #tpu.memory_space<semaphore_mem>>) src(%dma_wait3A_683 : memref<1792xf32, #tpu.memory_space<vmem>>) dst(%dma_wait3A_681 : memref<1792xf32, #tpu.memory_space<hbm>>)
      %dma_wait3A_684 = arith.constant 14336 : i32
      %dma_wait3A_685 = tpu.memref_slice %arg5[%dma_wait3A_684] : memref<57344xf32, #tpu.memory_space<vmem>> -> memref<1792xf32, #tpu.memory_space<vmem>>
      %dma_wait3A_686 = tpu.memref_slice %arg3[%mul3A_399] : memref<38535168xf32, #tpu.memory_space<hbm>> -> memref<1792xf32, #tpu.memory_space<hbm>>
      %dma_wait3A_687 = tpu.memref_slice %arg3[%mul3A_399] : memref<38535168xf32, #tpu.memory_space<hbm>> -> memref<1792xf32, #tpu.memory_space<hbm>>
      %dma_wait3A_688 = arith.constant 14336 : i32
      %dma_wait3A_689 = tpu.memref_slice %arg5[%dma_wait3A_688] : memref<57344xf32, #tpu.memory_space<vmem>> -> memref<1792xf32, #tpu.memory_space<vmem>>
      tpu.wait_dma2 semaphore(%arg6 : memref<!tpu.dma_semaphore, #tpu.memory_space<semaphore_mem>>) src(%dma_wait3A_689 : memref<1792xf32, #tpu.memory_space<vmem>>) dst(%dma_wait3A_687 : memref<1792xf32, #tpu.memory_space<hbm>>)
      %dma_wait3A_690 = arith.constant 16128 : i32
      %dma_wait3A_691 = tpu.memref_slice %arg5[%dma_wait3A_690] : memref<57344xf32, #tpu.memory_space<vmem>> -> memref<1792xf32, #tpu.memory_space<vmem>>
      %dma_wait3A_692 = tpu.memref_slice %arg3[%mul3A_409] : memref<38535168xf32, #tpu.memory_space<hbm>> -> memref<1792xf32, #tpu.memory_space<hbm>>
      %dma_wait3A_693 = tpu.memref_slice %arg3[%mul3A_409] : memref<38535168xf32, #tpu.memory_space<hbm>> -> memref<1792xf32, #tpu.memory_space<hbm>>
      %dma_wait3A_694 = arith.constant 16128 : i32
      %dma_wait3A_695 = tpu.memref_slice %arg5[%dma_wait3A_694] : memref<57344xf32, #tpu.memory_space<vmem>> -> memref<1792xf32, #tpu.memory_space<vmem>>
      tpu.wait_dma2 semaphore(%arg6 : memref<!tpu.dma_semaphore, #tpu.memory_space<semaphore_mem>>) src(%dma_wait3A_695 : memref<1792xf32, #tpu.memory_space<vmem>>) dst(%dma_wait3A_693 : memref<1792xf32, #tpu.memory_space<hbm>>)
      %dma_wait3A_696 = arith.constant 17920 : i32
      %dma_wait3A_697 = tpu.memref_slice %arg5[%dma_wait3A_696] : memref<57344xf32, #tpu.memory_space<vmem>> -> memref<1792xf32, #tpu.memory_space<vmem>>
      %dma_wait3A_698 = tpu.memref_slice %arg3[%mul3A_419] : memref<38535168xf32, #tpu.memory_space<hbm>> -> memref<1792xf32, #tpu.memory_space<hbm>>
      %dma_wait3A_699 = tpu.memref_slice %arg3[%mul3A_419] : memref<38535168xf32, #tpu.memory_space<hbm>> -> memref<1792xf32, #tpu.memory_space<hbm>>
      %dma_wait3A_700 = arith.constant 17920 : i32
      %dma_wait3A_701 = tpu.memref_slice %arg5[%dma_wait3A_700] : memref<57344xf32, #tpu.memory_space<vmem>> -> memref<1792xf32, #tpu.memory_space<vmem>>
      tpu.wait_dma2 semaphore(%arg6 : memref<!tpu.dma_semaphore, #tpu.memory_space<semaphore_mem>>) src(%dma_wait3A_701 : memref<1792xf32, #tpu.memory_space<vmem>>) dst(%dma_wait3A_699 : memref<1792xf32, #tpu.memory_space<hbm>>)
      %dma_wait3A_702 = arith.constant 19712 : i32
      %dma_wait3A_703 = tpu.memref_slice %arg5[%dma_wait3A_702] : memref<57344xf32, #tpu.memory_space<vmem>> -> memref<1792xf32, #tpu.memory_space<vmem>>
      %dma_wait3A_704 = tpu.memref_slice %arg3[%mul3A_429] : memref<38535168xf32, #tpu.memory_space<hbm>> -> memref<1792xf32, #tpu.memory_space<hbm>>
      %dma_wait3A_705 = tpu.memref_slice %arg3[%mul3A_429] : memref<38535168xf32, #tpu.memory_space<hbm>> -> memref<1792xf32, #tpu.memory_space<hbm>>
      %dma_wait3A_706 = arith.constant 19712 : i32
      %dma_wait3A_707 = tpu.memref_slice %arg5[%dma_wait3A_706] : memref<57344xf32, #tpu.memory_space<vmem>> -> memref<1792xf32, #tpu.memory_space<vmem>>
      tpu.wait_dma2 semaphore(%arg6 : memref<!tpu.dma_semaphore, #tpu.memory_space<semaphore_mem>>) src(%dma_wait3A_707 : memref<1792xf32, #tpu.memory_space<vmem>>) dst(%dma_wait3A_705 : memref<1792xf32, #tpu.memory_space<hbm>>)
      %dma_wait3A_708 = arith.constant 21504 : i32
      %dma_wait3A_709 = tpu.memref_slice %arg5[%dma_wait3A_708] : memref<57344xf32, #tpu.memory_space<vmem>> -> memref<1792xf32, #tpu.memory_space<vmem>>
      %dma_wait3A_710 = tpu.memref_slice %arg3[%mul3A_439] : memref<38535168xf32, #tpu.memory_space<hbm>> -> memref<1792xf32, #tpu.memory_space<hbm>>
      %dma_wait3A_711 = tpu.memref_slice %arg3[%mul3A_439] : memref<38535168xf32, #tpu.memory_space<hbm>> -> memref<1792xf32, #tpu.memory_space<hbm>>
      %dma_wait3A_712 = arith.constant 21504 : i32
      %dma_wait3A_713 = tpu.memref_slice %arg5[%dma_wait3A_712] : memref<57344xf32, #tpu.memory_space<vmem>> -> memref<1792xf32, #tpu.memory_space<vmem>>
      tpu.wait_dma2 semaphore(%arg6 : memref<!tpu.dma_semaphore, #tpu.memory_space<semaphore_mem>>) src(%dma_wait3A_713 : memref<1792xf32, #tpu.memory_space<vmem>>) dst(%dma_wait3A_711 : memref<1792xf32, #tpu.memory_space<hbm>>)
      %dma_wait3A_714 = arith.constant 23296 : i32
      %dma_wait3A_715 = tpu.memref_slice %arg5[%dma_wait3A_714] : memref<57344xf32, #tpu.memory_space<vmem>> -> memref<1792xf32, #tpu.memory_space<vmem>>
      %dma_wait3A_716 = tpu.memref_slice %arg3[%mul3A_449] : memref<38535168xf32, #tpu.memory_space<hbm>> -> memref<1792xf32, #tpu.memory_space<hbm>>
      %dma_wait3A_717 = tpu.memref_slice %arg3[%mul3A_449] : memref<38535168xf32, #tpu.memory_space<hbm>> -> memref<1792xf32, #tpu.memory_space<hbm>>
      %dma_wait3A_718 = arith.constant 23296 : i32
      %dma_wait3A_719 = tpu.memref_slice %arg5[%dma_wait3A_718] : memref<57344xf32, #tpu.memory_space<vmem>> -> memref<1792xf32, #tpu.memory_space<vmem>>
      tpu.wait_dma2 semaphore(%arg6 : memref<!tpu.dma_semaphore, #tpu.memory_space<semaphore_mem>>) src(%dma_wait3A_719 : memref<1792xf32, #tpu.memory_space<vmem>>) dst(%dma_wait3A_717 : memref<1792xf32, #tpu.memory_space<hbm>>)
      %dma_wait3A_720 = arith.constant 25088 : i32
      %dma_wait3A_721 = tpu.memref_slice %arg5[%dma_wait3A_720] : memref<57344xf32, #tpu.memory_space<vmem>> -> memref<1792xf32, #tpu.memory_space<vmem>>
      %dma_wait3A_722 = tpu.memref_slice %arg3[%mul3A_459] : memref<38535168xf32, #tpu.memory_space<hbm>> -> memref<1792xf32, #tpu.memory_space<hbm>>
      %dma_wait3A_723 = tpu.memref_slice %arg3[%mul3A_459] : memref<38535168xf32, #tpu.memory_space<hbm>> -> memref<1792xf32, #tpu.memory_space<hbm>>
      %dma_wait3A_724 = arith.constant 25088 : i32
      %dma_wait3A_725 = tpu.memref_slice %arg5[%dma_wait3A_724] : memref<57344xf32, #tpu.memory_space<vmem>> -> memref<1792xf32, #tpu.memory_space<vmem>>
      tpu.wait_dma2 semaphore(%arg6 : memref<!tpu.dma_semaphore, #tpu.memory_space<semaphore_mem>>) src(%dma_wait3A_725 : memref<1792xf32, #tpu.memory_space<vmem>>) dst(%dma_wait3A_723 : memref<1792xf32, #tpu.memory_space<hbm>>)
      %dma_wait3A_726 = arith.constant 26880 : i32
      %dma_wait3A_727 = tpu.memref_slice %arg5[%dma_wait3A_726] : memref<57344xf32, #tpu.memory_space<vmem>> -> memref<1792xf32, #tpu.memory_space<vmem>>
      %dma_wait3A_728 = tpu.memref_slice %arg3[%mul3A_469] : memref<38535168xf32, #tpu.memory_space<hbm>> -> memref<1792xf32, #tpu.memory_space<hbm>>
      %dma_wait3A_729 = tpu.memref_slice %arg3[%mul3A_469] : memref<38535168xf32, #tpu.memory_space<hbm>> -> memref<1792xf32, #tpu.memory_space<hbm>>
      %dma_wait3A_730 = arith.constant 26880 : i32
      %dma_wait3A_731 = tpu.memref_slice %arg5[%dma_wait3A_730] : memref<57344xf32, #tpu.memory_space<vmem>> -> memref<1792xf32, #tpu.memory_space<vmem>>
      tpu.wait_dma2 semaphore(%arg6 : memref<!tpu.dma_semaphore, #tpu.memory_space<semaphore_mem>>) src(%dma_wait3A_731 : memref<1792xf32, #tpu.memory_space<vmem>>) dst(%dma_wait3A_729 : memref<1792xf32, #tpu.memory_space<hbm>>)
      %dma_wait3A_732 = arith.constant 28672 : i32
      %dma_wait3A_733 = tpu.memref_slice %arg5[%dma_wait3A_732] : memref<57344xf32, #tpu.memory_space<vmem>> -> memref<1792xf32, #tpu.memory_space<vmem>>
      %dma_wait3A_734 = tpu.memref_slice %arg3[%mul3A_479] : memref<38535168xf32, #tpu.memory_space<hbm>> -> memref<1792xf32, #tpu.memory_space<hbm>>
      %dma_wait3A_735 = tpu.memref_slice %arg3[%mul3A_479] : memref<38535168xf32, #tpu.memory_space<hbm>> -> memref<1792xf32, #tpu.memory_space<hbm>>
      %dma_wait3A_736 = arith.constant 28672 : i32
      %dma_wait3A_737 = tpu.memref_slice %arg5[%dma_wait3A_736] : memref<57344xf32, #tpu.memory_space<vmem>> -> memref<1792xf32, #tpu.memory_space<vmem>>
      tpu.wait_dma2 semaphore(%arg6 : memref<!tpu.dma_semaphore, #tpu.memory_space<semaphore_mem>>) src(%dma_wait3A_737 : memref<1792xf32, #tpu.memory_space<vmem>>) dst(%dma_wait3A_735 : memref<1792xf32, #tpu.memory_space<hbm>>)
      %dma_wait3A_738 = arith.constant 30464 : i32
      %dma_wait3A_739 = tpu.memref_slice %arg5[%dma_wait3A_738] : memref<57344xf32, #tpu.memory_space<vmem>> -> memref<1792xf32, #tpu.memory_space<vmem>>
      %dma_wait3A_740 = tpu.memref_slice %arg3[%mul3A_489] : memref<38535168xf32, #tpu.memory_space<hbm>> -> memref<1792xf32, #tpu.memory_space<hbm>>
      %dma_wait3A_741 = tpu.memref_slice %arg3[%mul3A_489] : memref<38535168xf32, #tpu.memory_space<hbm>> -> memref<1792xf32, #tpu.memory_space<hbm>>
      %dma_wait3A_742 = arith.constant 30464 : i32
      %dma_wait3A_743 = tpu.memref_slice %arg5[%dma_wait3A_742] : memref<57344xf32, #tpu.memory_space<vmem>> -> memref<1792xf32, #tpu.memory_space<vmem>>
      tpu.wait_dma2 semaphore(%arg6 : memref<!tpu.dma_semaphore, #tpu.memory_space<semaphore_mem>>) src(%dma_wait3A_743 : memref<1792xf32, #tpu.memory_space<vmem>>) dst(%dma_wait3A_741 : memref<1792xf32, #tpu.memory_space<hbm>>)
      %dma_wait3A_744 = arith.constant 32256 : i32
      %dma_wait3A_745 = tpu.memref_slice %arg5[%dma_wait3A_744] : memref<57344xf32, #tpu.memory_space<vmem>> -> memref<1792xf32, #tpu.memory_space<vmem>>
      %dma_wait3A_746 = tpu.memref_slice %arg3[%mul3A_499] : memref<38535168xf32, #tpu.memory_space<hbm>> -> memref<1792xf32, #tpu.memory_space<hbm>>
      %dma_wait3A_747 = tpu.memref_slice %arg3[%mul3A_499] : memref<38535168xf32, #tpu.memory_space<hbm>> -> memref<1792xf32, #tpu.memory_space<hbm>>
      %dma_wait3A_748 = arith.constant 32256 : i32
      %dma_wait3A_749 = tpu.memref_slice %arg5[%dma_wait3A_748] : memref<57344xf32, #tpu.memory_space<vmem>> -> memref<1792xf32, #tpu.memory_space<vmem>>
      tpu.wait_dma2 semaphore(%arg6 : memref<!tpu.dma_semaphore, #tpu.memory_space<semaphore_mem>>) src(%dma_wait3A_749 : memref<1792xf32, #tpu.memory_space<vmem>>) dst(%dma_wait3A_747 : memref<1792xf32, #tpu.memory_space<hbm>>)
      %dma_wait3A_750 = arith.constant 34048 : i32
      %dma_wait3A_751 = tpu.memref_slice %arg5[%dma_wait3A_750] : memref<57344xf32, #tpu.memory_space<vmem>> -> memref<1792xf32, #tpu.memory_space<vmem>>
      %dma_wait3A_752 = tpu.memref_slice %arg3[%mul3A_509] : memref<38535168xf32, #tpu.memory_space<hbm>> -> memref<1792xf32, #tpu.memory_space<hbm>>
      %dma_wait3A_753 = tpu.memref_slice %arg3[%mul3A_509] : memref<38535168xf32, #tpu.memory_space<hbm>> -> memref<1792xf32, #tpu.memory_space<hbm>>
      %dma_wait3A_754 = arith.constant 34048 : i32
      %dma_wait3A_755 = tpu.memref_slice %arg5[%dma_wait3A_754] : memref<57344xf32, #tpu.memory_space<vmem>> -> memref<1792xf32, #tpu.memory_space<vmem>>
      tpu.wait_dma2 semaphore(%arg6 : memref<!tpu.dma_semaphore, #tpu.memory_space<semaphore_mem>>) src(%dma_wait3A_755 : memref<1792xf32, #tpu.memory_space<vmem>>) dst(%dma_wait3A_753 : memref<1792xf32, #tpu.memory_space<hbm>>)
      %dma_wait3A_756 = arith.constant 35840 : i32
      %dma_wait3A_757 = tpu.memref_slice %arg5[%dma_wait3A_756] : memref<57344xf32, #tpu.memory_space<vmem>> -> memref<1792xf32, #tpu.memory_space<vmem>>
      %dma_wait3A_758 = tpu.memref_slice %arg3[%mul3A_519] : memref<38535168xf32, #tpu.memory_space<hbm>> -> memref<1792xf32, #tpu.memory_space<hbm>>
      %dma_wait3A_759 = tpu.memref_slice %arg3[%mul3A_519] : memref<38535168xf32, #tpu.memory_space<hbm>> -> memref<1792xf32, #tpu.memory_space<hbm>>
      %dma_wait3A_760 = arith.constant 35840 : i32
      %dma_wait3A_761 = tpu.memref_slice %arg5[%dma_wait3A_760] : memref<57344xf32, #tpu.memory_space<vmem>> -> memref<1792xf32, #tpu.memory_space<vmem>>
      tpu.wait_dma2 semaphore(%arg6 : memref<!tpu.dma_semaphore, #tpu.memory_space<semaphore_mem>>) src(%dma_wait3A_761 : memref<1792xf32, #tpu.memory_space<vmem>>) dst(%dma_wait3A_759 : memref<1792xf32, #tpu.memory_space<hbm>>)
      %dma_wait3A_762 = arith.constant 37632 : i32
      %dma_wait3A_763 = tpu.memref_slice %arg5[%dma_wait3A_762] : memref<57344xf32, #tpu.memory_space<vmem>> -> memref<1792xf32, #tpu.memory_space<vmem>>
      %dma_wait3A_764 = tpu.memref_slice %arg3[%mul3A_529] : memref<38535168xf32, #tpu.memory_space<hbm>> -> memref<1792xf32, #tpu.memory_space<hbm>>
      %dma_wait3A_765 = tpu.memref_slice %arg3[%mul3A_529] : memref<38535168xf32, #tpu.memory_space<hbm>> -> memref<1792xf32, #tpu.memory_space<hbm>>
      %dma_wait3A_766 = arith.constant 37632 : i32
      %dma_wait3A_767 = tpu.memref_slice %arg5[%dma_wait3A_766] : memref<57344xf32, #tpu.memory_space<vmem>> -> memref<1792xf32, #tpu.memory_space<vmem>>
      tpu.wait_dma2 semaphore(%arg6 : memref<!tpu.dma_semaphore, #tpu.memory_space<semaphore_mem>>) src(%dma_wait3A_767 : memref<1792xf32, #tpu.memory_space<vmem>>) dst(%dma_wait3A_765 : memref<1792xf32, #tpu.memory_space<hbm>>)
      %dma_wait3A_768 = arith.constant 39424 : i32
      %dma_wait3A_769 = tpu.memref_slice %arg5[%dma_wait3A_768] : memref<57344xf32, #tpu.memory_space<vmem>> -> memref<1792xf32, #tpu.memory_space<vmem>>
      %dma_wait3A_770 = tpu.memref_slice %arg3[%mul3A_539] : memref<38535168xf32, #tpu.memory_space<hbm>> -> memref<1792xf32, #tpu.memory_space<hbm>>
      %dma_wait3A_771 = tpu.memref_slice %arg3[%mul3A_539] : memref<38535168xf32, #tpu.memory_space<hbm>> -> memref<1792xf32, #tpu.memory_space<hbm>>
      %dma_wait3A_772 = arith.constant 39424 : i32
      %dma_wait3A_773 = tpu.memref_slice %arg5[%dma_wait3A_772] : memref<57344xf32, #tpu.memory_space<vmem>> -> memref<1792xf32, #tpu.memory_space<vmem>>
      tpu.wait_dma2 semaphore(%arg6 : memref<!tpu.dma_semaphore, #tpu.memory_space<semaphore_mem>>) src(%dma_wait3A_773 : memref<1792xf32, #tpu.memory_space<vmem>>) dst(%dma_wait3A_771 : memref<1792xf32, #tpu.memory_space<hbm>>)
      %dma_wait3A_774 = arith.constant 41216 : i32
      %dma_wait3A_775 = tpu.memref_slice %arg5[%dma_wait3A_774] : memref<57344xf32, #tpu.memory_space<vmem>> -> memref<1792xf32, #tpu.memory_space<vmem>>
      %dma_wait3A_776 = tpu.memref_slice %arg3[%mul3A_549] : memref<38535168xf32, #tpu.memory_space<hbm>> -> memref<1792xf32, #tpu.memory_space<hbm>>
      %dma_wait3A_777 = tpu.memref_slice %arg3[%mul3A_549] : memref<38535168xf32, #tpu.memory_space<hbm>> -> memref<1792xf32, #tpu.memory_space<hbm>>
      %dma_wait3A_778 = arith.constant 41216 : i32
      %dma_wait3A_779 = tpu.memref_slice %arg5[%dma_wait3A_778] : memref<57344xf32, #tpu.memory_space<vmem>> -> memref<1792xf32, #tpu.memory_space<vmem>>
      tpu.wait_dma2 semaphore(%arg6 : memref<!tpu.dma_semaphore, #tpu.memory_space<semaphore_mem>>) src(%dma_wait3A_779 : memref<1792xf32, #tpu.memory_space<vmem>>) dst(%dma_wait3A_777 : memref<1792xf32, #tpu.memory_space<hbm>>)
      %dma_wait3A_780 = arith.constant 43008 : i32
      %dma_wait3A_781 = tpu.memref_slice %arg5[%dma_wait3A_780] : memref<57344xf32, #tpu.memory_space<vmem>> -> memref<1792xf32, #tpu.memory_space<vmem>>
      %dma_wait3A_782 = tpu.memref_slice %arg3[%mul3A_559] : memref<38535168xf32, #tpu.memory_space<hbm>> -> memref<1792xf32, #tpu.memory_space<hbm>>
      %dma_wait3A_783 = tpu.memref_slice %arg3[%mul3A_559] : memref<38535168xf32, #tpu.memory_space<hbm>> -> memref<1792xf32, #tpu.memory_space<hbm>>
      %dma_wait3A_784 = arith.constant 43008 : i32
      %dma_wait3A_785 = tpu.memref_slice %arg5[%dma_wait3A_784] : memref<57344xf32, #tpu.memory_space<vmem>> -> memref<1792xf32, #tpu.memory_space<vmem>>
      tpu.wait_dma2 semaphore(%arg6 : memref<!tpu.dma_semaphore, #tpu.memory_space<semaphore_mem>>) src(%dma_wait3A_785 : memref<1792xf32, #tpu.memory_space<vmem>>) dst(%dma_wait3A_783 : memref<1792xf32, #tpu.memory_space<hbm>>)
      %dma_wait3A_786 = arith.constant 44800 : i32
      %dma_wait3A_787 = tpu.memref_slice %arg5[%dma_wait3A_786] : memref<57344xf32, #tpu.memory_space<vmem>> -> memref<1792xf32, #tpu.memory_space<vmem>>
      %dma_wait3A_788 = tpu.memref_slice %arg3[%mul3A_569] : memref<38535168xf32, #tpu.memory_space<hbm>> -> memref<1792xf32, #tpu.memory_space<hbm>>
      %dma_wait3A_789 = tpu.memref_slice %arg3[%mul3A_569] : memref<38535168xf32, #tpu.memory_space<hbm>> -> memref<1792xf32, #tpu.memory_space<hbm>>
      %dma_wait3A_790 = arith.constant 44800 : i32
      %dma_wait3A_791 = tpu.memref_slice %arg5[%dma_wait3A_790] : memref<57344xf32, #tpu.memory_space<vmem>> -> memref<1792xf32, #tpu.memory_space<vmem>>
      tpu.wait_dma2 semaphore(%arg6 : memref<!tpu.dma_semaphore, #tpu.memory_space<semaphore_mem>>) src(%dma_wait3A_791 : memref<1792xf32, #tpu.memory_space<vmem>>) dst(%dma_wait3A_789 : memref<1792xf32, #tpu.memory_space<hbm>>)
      %dma_wait3A_792 = arith.constant 46592 : i32
      %dma_wait3A_793 = tpu.memref_slice %arg5[%dma_wait3A_792] : memref<57344xf32, #tpu.memory_space<vmem>> -> memref<1792xf32, #tpu.memory_space<vmem>>
      %dma_wait3A_794 = tpu.memref_slice %arg3[%mul3A_579] : memref<38535168xf32, #tpu.memory_space<hbm>> -> memref<1792xf32, #tpu.memory_space<hbm>>
      %dma_wait3A_795 = tpu.memref_slice %arg3[%mul3A_579] : memref<38535168xf32, #tpu.memory_space<hbm>> -> memref<1792xf32, #tpu.memory_space<hbm>>
      %dma_wait3A_796 = arith.constant 46592 : i32
      %dma_wait3A_797 = tpu.memref_slice %arg5[%dma_wait3A_796] : memref<57344xf32, #tpu.memory_space<vmem>> -> memref<1792xf32, #tpu.memory_space<vmem>>
      tpu.wait_dma2 semaphore(%arg6 : memref<!tpu.dma_semaphore, #tpu.memory_space<semaphore_mem>>) src(%dma_wait3A_797 : memref<1792xf32, #tpu.memory_space<vmem>>) dst(%dma_wait3A_795 : memref<1792xf32, #tpu.memory_space<hbm>>)
      %dma_wait3A_798 = arith.constant 48384 : i32
      %dma_wait3A_799 = tpu.memref_slice %arg5[%dma_wait3A_798] : memref<57344xf32, #tpu.memory_space<vmem>> -> memref<1792xf32, #tpu.memory_space<vmem>>
      %dma_wait3A_800 = tpu.memref_slice %arg3[%mul3A_589] : memref<38535168xf32, #tpu.memory_space<hbm>> -> memref<1792xf32, #tpu.memory_space<hbm>>
      %dma_wait3A_801 = tpu.memref_slice %arg3[%mul3A_589] : memref<38535168xf32, #tpu.memory_space<hbm>> -> memref<1792xf32, #tpu.memory_space<hbm>>
      %dma_wait3A_802 = arith.constant 48384 : i32
      %dma_wait3A_803 = tpu.memref_slice %arg5[%dma_wait3A_802] : memref<57344xf32, #tpu.memory_space<vmem>> -> memref<1792xf32, #tpu.memory_space<vmem>>
      tpu.wait_dma2 semaphore(%arg6 : memref<!tpu.dma_semaphore, #tpu.memory_space<semaphore_mem>>) src(%dma_wait3A_803 : memref<1792xf32, #tpu.memory_space<vmem>>) dst(%dma_wait3A_801 : memref<1792xf32, #tpu.memory_space<hbm>>)
      %dma_wait3A_804 = arith.constant 50176 : i32
      %dma_wait3A_805 = tpu.memref_slice %arg5[%dma_wait3A_804] : memref<57344xf32, #tpu.memory_space<vmem>> -> memref<1792xf32, #tpu.memory_space<vmem>>
      %dma_wait3A_806 = tpu.memref_slice %arg3[%mul3A_599] : memref<38535168xf32, #tpu.memory_space<hbm>> -> memref<1792xf32, #tpu.memory_space<hbm>>
      %dma_wait3A_807 = tpu.memref_slice %arg3[%mul3A_599] : memref<38535168xf32, #tpu.memory_space<hbm>> -> memref<1792xf32, #tpu.memory_space<hbm>>
      %dma_wait3A_808 = arith.constant 50176 : i32
      %dma_wait3A_809 = tpu.memref_slice %arg5[%dma_wait3A_808] : memref<57344xf32, #tpu.memory_space<vmem>> -> memref<1792xf32, #tpu.memory_space<vmem>>
      tpu.wait_dma2 semaphore(%arg6 : memref<!tpu.dma_semaphore, #tpu.memory_space<semaphore_mem>>) src(%dma_wait3A_809 : memref<1792xf32, #tpu.memory_space<vmem>>) dst(%dma_wait3A_807 : memref<1792xf32, #tpu.memory_space<hbm>>)
      %dma_wait3A_810 = arith.constant 51968 : i32
      %dma_wait3A_811 = tpu.memref_slice %arg5[%dma_wait3A_810] : memref<57344xf32, #tpu.memory_space<vmem>> -> memref<1792xf32, #tpu.memory_space<vmem>>
      %dma_wait3A_812 = tpu.memref_slice %arg3[%mul3A_609] : memref<38535168xf32, #tpu.memory_space<hbm>> -> memref<1792xf32, #tpu.memory_space<hbm>>
      %dma_wait3A_813 = tpu.memref_slice %arg3[%mul3A_609] : memref<38535168xf32, #tpu.memory_space<hbm>> -> memref<1792xf32, #tpu.memory_space<hbm>>
      %dma_wait3A_814 = arith.constant 51968 : i32
      %dma_wait3A_815 = tpu.memref_slice %arg5[%dma_wait3A_814] : memref<57344xf32, #tpu.memory_space<vmem>> -> memref<1792xf32, #tpu.memory_space<vmem>>
      tpu.wait_dma2 semaphore(%arg6 : memref<!tpu.dma_semaphore, #tpu.memory_space<semaphore_mem>>) src(%dma_wait3A_815 : memref<1792xf32, #tpu.memory_space<vmem>>) dst(%dma_wait3A_813 : memref<1792xf32, #tpu.memory_space<hbm>>)
      %dma_wait3A_816 = arith.constant 53760 : i32
      %dma_wait3A_817 = tpu.memref_slice %arg5[%dma_wait3A_816] : memref<57344xf32, #tpu.memory_space<vmem>> -> memref<1792xf32, #tpu.memory_space<vmem>>
      %dma_wait3A_818 = tpu.memref_slice %arg3[%mul3A_619] : memref<38535168xf32, #tpu.memory_space<hbm>> -> memref<1792xf32, #tpu.memory_space<hbm>>
      %dma_wait3A_819 = tpu.memref_slice %arg3[%mul3A_619] : memref<38535168xf32, #tpu.memory_space<hbm>> -> memref<1792xf32, #tpu.memory_space<hbm>>
      %dma_wait3A_820 = arith.constant 53760 : i32
      %dma_wait3A_821 = tpu.memref_slice %arg5[%dma_wait3A_820] : memref<57344xf32, #tpu.memory_space<vmem>> -> memref<1792xf32, #tpu.memory_space<vmem>>
      tpu.wait_dma2 semaphore(%arg6 : memref<!tpu.dma_semaphore, #tpu.memory_space<semaphore_mem>>) src(%dma_wait3A_821 : memref<1792xf32, #tpu.memory_space<vmem>>) dst(%dma_wait3A_819 : memref<1792xf32, #tpu.memory_space<hbm>>)
      %dma_wait3A_822 = arith.constant 55552 : i32
      %dma_wait3A_823 = tpu.memref_slice %arg5[%dma_wait3A_822] : memref<57344xf32, #tpu.memory_space<vmem>> -> memref<1792xf32, #tpu.memory_space<vmem>>
      %dma_wait3A_824 = tpu.memref_slice %arg3[%mul3A_629] : memref<38535168xf32, #tpu.memory_space<hbm>> -> memref<1792xf32, #tpu.memory_space<hbm>>
      %dma_wait3A_825 = tpu.memref_slice %arg3[%mul3A_629] : memref<38535168xf32, #tpu.memory_space<hbm>> -> memref<1792xf32, #tpu.memory_space<hbm>>
      %dma_wait3A_826 = arith.constant 55552 : i32
      %dma_wait3A_827 = tpu.memref_slice %arg5[%dma_wait3A_826] : memref<57344xf32, #tpu.memory_space<vmem>> -> memref<1792xf32, #tpu.memory_space<vmem>>
      tpu.wait_dma2 semaphore(%arg6 : memref<!tpu.dma_semaphore, #tpu.memory_space<semaphore_mem>>) src(%dma_wait3A_827 : memref<1792xf32, #tpu.memory_space<vmem>>) dst(%dma_wait3A_825 : memref<1792xf32, #tpu.memory_space<hbm>>)
    }
    %scan3A_5 = arith.constant 21 : i32
    return
  }
}

</mosaic_0001>

<sc_bundles>
// kernel: kernel.3.cloned.1.call-start
scs
__scs_entry_jumppad:
0x0: {  	(pc) =	sbr.rel $0x88, $3  }
0x1: {  	(tag) =	ssettag $0x0;
	lr =	simm.s32 $0x1  }
0x2: {  	[smem:$0x3FA0] =	sst lr;
	_ =	strace $0xD0000000  }
0x3: {  	_ = 	snop  }
0x4: {  	_ = 	snop  }
0x5: {  	_ = 	snop  }
0x6: {  	_ = 	snop  }
0x7: {  	_ = 	snop  }
__scs_overlays_trampoline_lowered:
0x8: {  	[smem:$0x3FAF] =	sst s0  }
0x9: {  	[smem:$0x3FB0] =	sst s1  }
0xa: {  	[smem:$0x3FB1] =	sst s2  }
0xb: {  	[smem:$0x3FB2] =	sst s3  }
0xc: {  	[smem:$0x3FB3] =	sst s4  }
0xd: {  	[smem:$0x3FB4] =	sst s5  }
0xe: {  	[smem:$0x3FB5] =	sst s6  }
0xf: {  	[smem:$0x3FB6] =	sst s7  }
0x10: {  	[smem:$0x3FB7] =	sst s8  }
0x11: {  	[smem:$0x3FB8] =	sst s9;
	s0 =	simm.s32 @!p0 $0x0  }
0x12: {  	s1 =	sld [smem:$0x3F9E];
	s0 =	simm.s32 @p0 $0x1  }
0x13: {  	[smem:$0x3FB9] =	sst s0;
	s0 =	simm.s32 @!p1 $0x0  }
0x14: {  	s2 =	sld [smem:$0x3F9D];
	s0 =	simm.s32 @p1 $0x1  }
0x15: {  	[smem:$0x3FBA] =	sst s0;
	s0 =	simm.s32 @!p2 $0x0  }
0x16: {  	s3 =	sld [smem:$0x3FDB];
	s0 =	simm.s32 @p2 $0x1  }
0x17: {  	s4 =	simm.s32 $0x1BF5;
	[smem:$0x3FBC] =	sst s0  }
0x18: {  	s0 =	sld [smem:$0x3F9F];
	_ =	swait.ge [sflag:s4], $0x0  }
0x19: {  	s7 =	sld [smem:$0x3FA0]  }
0x1a: {  	s8 =	sadd.s32 $0xFFFFE003, lr  }
0x1b: {  	s9 =	sadd.s32 $0xFFFFFEF7, lr;
	s5 =	simm.s32 $0xFFFFFFFF;
	p2 =	slt.u32 s8, $0xFFFFF086  }
0x1c: {  	p1 =	slt.u32 s9, $0xF7A;
	s5 =	simm.s32 @!p2 $0x0  }
0x1d: {  	s5 =	simm.s32 @p1 $0x1;
	p0 =	seq.s32 s7, s2  }
0x1e: {  	s7 =	smul.u32 @!p0 $0xF7A, s2;
	p2 =	seq.s32 @!p0 s5, $0x0  }
0x1f: {  	s9 =	smul.u32 $0xF7A, s1;
	s8 =	simm.s32 @!p0 $0x1BF5;
	p2 =	por !p2, p0  }
0x20: {  	[sflag:s8] =	ssyncset.s32 @!p0 $0xFFFFF086;
	s6 =	sadd.s32 @!p0 s3, s7;
	s7 =	simm.s32 @!p0 $0x108  }
0x21: {  	s3 =	sadd.s32 s3, s9;
	s6 =	sadd.s32 @!p0 $0x88, s6;
	s7 =	simm.s32 @p2 $0x1082  }
0x22: {  	[simem:s7], [sflag:s8] =	dma.local @!p0 [hbm:s6], $0xF7A  }
0x23: {  	s9 =	sor.u32 $0xD0000000, s2;
	s6 =	simm.s32 $0x108;
	_ =	swait.ge @!p0 [sflag:s8], $0x0  }
0x24: {  	s3 =	sadd.s32 $0x88, s3;
	s6 =	simm.s32 @!p1 $0x1082;
	[sflag:s4] =	ssyncset.s32 $0xFFFFF086  }
0x25: {  	[simem:s6], [sflag:s4] =	dma.local [hbm:s3], $0xF7A  }
0x26: {  	[smem:$0x3FA0] =	sst s1;
	(tag) =	ssettag s2;
	_ =	strace s9  }
0x27: {  	s1 =	sld [smem:$0x3FB0]  }
0x28: {  	s2 =	sld [smem:$0x3FB1]  }
0x29: {  	s4 =	sld [smem:$0x3FB3]  }
0x2a: {  	p0 =	seq.s32 s5, $0x0;
	s5 =	sld [smem:$0x3FB4]  }
0x2b: {  	s6 =	sld [smem:$0x3FB5]  }
0x2c: {  	s7 =	sld [smem:$0x3FB6]  }
0x2d: {  	s3 =	simm.s32 $0x108;
	s8 =	sld [smem:$0x3FB7]  }
0x2e: {  	s3 =	simm.s32 @!p0 $0x1082;
	s9 =	sld [smem:$0x3FB8]  }
0x2f: {  	lr =	sadd.s32 s0, s3;
	s0 =	sld [smem:$0x3FAF]  }
0x30: {  	s3 =	sld [smem:$0x3FB2]  }
0x31: {  	[smem:$0x3FBB] =	sst s10  }
0x32: {  	s10 =	sld [smem:$0x3FB9];
	_ =	sdelay $0x3  }
0x33: {  	p0 =	seq.s32 s10, $0x1;
	s10 =	sld [smem:$0x3FBB];
	_ =	sdelay $0x3  }
0x34: {  	[smem:$0x3FBB] =	sst s10  }
0x35: {  	s10 =	sld [smem:$0x3FBA];
	_ =	sdelay $0x3  }
0x36: {  	p1 =	seq.s32 s10, $0x1;
	s10 =	sld [smem:$0x3FBB];
	_ =	sdelay $0x3  }
0x37: {  	[smem:$0x3FBB] =	sst s10  }
0x38: {  	s10 =	sld [smem:$0x3FBC]  }
0x39: {  	_ = 	snop;
	(pc) =	sbr.ind lr, $3  }
0x3a: {  	_ = 	snop  }
0x3b: {  	_ = 	snop  }
0x3c: {  	p2 =	seq.s32 s10, $0x1;
	s10 =	sld [smem:$0x3FBB]  }
0x3d: {  	_ =	shalt  }
0x3e: {  	_ =	shalt  }
0x3f: {  	_ =	shalt  }
0x40: {  	_ =	shalt  }
0x41: {  	_ =	shalt  }
0x42: {  	_ =	shalt  }
0x43: {  	_ =	shalt  }
0x44: {  	_ =	shalt  }
0x45: {  	_ =	shalt  }
0x46: {  	_ =	shalt  }
0x47: {  	_ =	shalt  }
0x48: {  	_ =	shalt  }
0x49: {  	_ =	shalt  }
0x4a: {  	_ =	shalt  }
0x4b: {  	_ =	shalt  }
0x4c: {  	_ =	shalt  }
0x4d: {  	_ =	shalt  }
0x4e: {  	_ =	shalt  }
0x4f: {  	_ =	shalt  }
0x50: {  	_ =	shalt  }
0x51: {  	_ =	shalt  }
0x52: {  	_ =	shalt  }
0x53: {  	_ =	shalt  }
0x54: {  	_ =	shalt  }
0x55: {  	_ =	shalt  }
0x56: {  	_ =	shalt  }
0x57: {  	_ =	shalt  }
0x58: {  	_ =	shalt  }
0x59: {  	_ =	shalt  }
0x5a: {  	_ =	shalt  }
0x5b: {  	_ =	shalt  }
0x5c: {  	_ =	shalt  }
0x5d: {  	_ =	shalt  }
0x5e: {  	_ =	shalt  }
0x5f: {  	_ =	shalt  }
0x60: {  	_ =	shalt  }
0x61: {  	_ =	shalt  }
0x62: {  	_ =	shalt  }
0x63: {  	_ =	shalt  }
0x64: {  	_ =	shalt  }
0x65: {  	_ =	shalt  }
0x66: {  	_ =	shalt  }
0x67: {  	_ =	shalt  }
0x68: {  	_ =	shalt  }
0x69: {  	_ =	shalt  }
0x6a: {  	_ =	shalt  }
0x6b: {  	_ =	shalt  }
0x6c: {  	_ =	shalt  }
0x6d: {  	_ =	shalt  }
0x6e: {  	_ =	shalt  }
0x6f: {  	_ =	shalt  }
0x70: {  	_ =	shalt  }
0x71: {  	_ =	shalt  }
0x72: {  	_ =	shalt  }
0x73: {  	_ =	shalt  }
0x74: {  	_ =	shalt  }
0x75: {  	_ =	shalt  }
0x76: {  	_ =	shalt  }
0x77: {  	_ =	shalt  }
0x78: {  	_ =	shalt  }
0x79: {  	_ =	shalt  }
0x7a: {  	_ =	shalt  }
0x7b: {  	_ =	shalt  }
0x7c: {  	_ =	shalt  }
0x7d: {  	_ =	shalt  }
0x7e: {  	_ =	shalt  }
0x7f: {  	_ =	shalt  }
0x80: {  	_ =	shalt  }
0x81: {  	_ =	shalt  }
0x82: {  	_ =	shalt  }
0x83: {  	_ =	shalt  }
0x84: {  	_ =	shalt  }
0x85: {  	_ =	shalt  }
0x86: {  	_ =	shalt  }
0x87: {  	_ =	shalt  }
.Lfunc_end0:
.L_simem_size_0:
called_computation_lowered:
.L_overlay_start_0:
0x88: {  	s2 =	sld [smem:$0x3FD9]  }
0x89: {  	s3 =	sld [smem:$0x3FFE];
	_ =	sdelay $0x1  }
0x8a: {  	s1 =	srdreg.scid  }
0x8b: {  	s0 =	sand.u32 $0x1, s1  }
0x8c: {  	s17 =	sshll.u32 s0, $0xA;
	s2 =	sadd.s32 s3, s2  }
0x8d: {  	s2 =	sadd.s32 s2, s17  }
0x8e: {  	[smem:$0x3FC7] =	sst s2  }
0x8f: {  	_ = 	snop  }
0x90: {  	s2 =	sld [smem:$0x3FD0];
	(tm) =	ssettm $0x1  }
0x91: {  	s18 =	sld [smem:$0x3FFB];
	_ =	sdelay $0x3  }
0x92: {  	_ =	strace s18  }
0x93: {  	s3 =	sld [smem:$0x3FFC];
	_ =	sdelay $0x3  }
0x94: {  	_ =	strace s3  }
0x95: {  	s3 =	sld [smem:$0x3FFD];
	_ =	sdelay $0x3  }
0x96: {  	_ =	strace s3  }
0x97: {  	_ =	strace $0x8FFFFFFF  }
0x98: {  	s19 =	sld [smem:$0x3FDB];
	_ =	sdelay $0x1  }
0x99: {  	s4 =	simm.s32 $_scs_section_size  }
0x9a: {  	s5 =	simm.s32 $_size__tile_overlayer_lowered;
	s6 =	simm.s32 $_tile_overlayer_lowered  }
0x9b: {  	s22 =	simm.s32 $0x1BFF;
	s21 =	sshll.u32 s6, $0x1;
	s3 =	sadd.s32 s4, s19  }
0x9c: {  	s7 =	simm.s32 $0x0;
	s20 =	sshll.u32 s5, $0x1;
	s5 =	sadd.s32 s21, s3  }
0x9d: {  	[timem:s7], [sflag:s22] =	dma.local [hbm:s5], s20  }
0x9e: {  	_ =	swait.ge [sflag:s22], s20  }
0x9f: {  	s4 =	ssub.s32 $0x0, s20;
	[sflag:s22] =	ssyncset.done $0x0  }
0xa0: {  	[sflag:s22] =	ssyncadd.s32 s4;
	_ =	sdelay $0x1  }
0xa1: {  	s23 =	simm.s32 $0x1B8B  }
0xa2: {  	_ =	swait.ge [sflag:s23], $0x1  }
0xa3: {  	[sflag:s23] =	ssyncset.done $0x0  }
0xa4: {  	s25 =	simm.s32 $0x1B8E;
	s24 =	sld [smem:$0x3FFE];
	[sflag:s23] =	ssyncadd.s32 $0xFFFFFFFF  }
0xa5: {  	s26 =	simm.s32 $execute0_lowered;
	[smem:$0x3FD2] =	sst s25  }
0xa6: {  	s5 =	sshll.u32 s26, $0x1;
	_ =	strace $0x80000046;
	[dreg:$0x1] =	wrdreg $0xFFFFFFFF  }
0xa7: {  	s28 =	simm.s32 $_size_execute0_lowered;
	s3 =	sadd.s32 s3, s5;
	[dreg:$0x0] =	wrdreg $0x0  }
0xa8: {  	s5 =	sshll.u32 s28, $0x1;
	[dreg:$0x2] =	wrdreg s3  }
0xa9: {  	[dreg:$0x3] =	wrdreg s5  }
0xaa: {  	[dreg:$0x4] =	wrdreg $0xC0  }
0xab: {  	_ =	task [dreg:s7], $0x5FFFF  }
0xac: {  	[dreg:$0x1] =	wrdreg $0xFFFFFFFF  }
0xad: {  	[dreg:$0x0] =	wrdreg $0x60  }
0xae: {  	[dreg:$0x2] =	wrdreg s2  }
0xaf: {  	[dreg:$0x3] =	wrdreg s24  }
0xb0: {  	[dreg:$0x4] =	wrdreg $0x9  }
0xb1: {  	_ =	task.clear_ibuf [dreg:s7], $0x5FFFF;
	_ =	strace $0x90000046  }
0xb2: {  	s29 =	simm.s32 $0x9;
	_ =	strace $0x80000048  }
0xb3: {  	_ =	swait.ge [sflag:s29], $0x1  }
0xb4: {  	[sflag:s29] =	ssyncadd.s32 $0xFFFFFFFF  }
0xb5: {  	_ =	strace $0x90000048  }
0xb6: {  	_ =	sfence  }
0xb7: {  	s30 =	sld [smem:$0x0];
	_ =	sdelay $0x2  }
0xb8: {  	s31 =	sshll.u32 s1, $0xD;
	s1 =	sshrl.u32 s1, $0x2  }
0xb9: {  	s3 =	sand.u32 $0x4000, s31;
	s1 =	sadd.s32 s1, s30  }
0xba: {  	s0 =	sor.u32 s3, s0;
	s1 =	sshll.u32 s1, $0x11  }
0xbb: {  	s0 =	sor.u32 s1, s0  }
0xbc: {  	s0 =	sadd.s32 $0x8F2B, s0  }
0xbd: {  	[sflag:s0] =	ssyncadd.remote.s32 $0x1  }
0xbe: {  	_ =	sfence.sel $0xFFFF  }
0xbf: {  	[dreg:$0x0] =	wrdreg $0xFFFFFFFF;
	(pc) =	sbr.abs _section_cstart, $3  }
0xc0: {  	[dreg:$0x1] =	wrdreg $0xFFFFFFFF  }
0xc1: {  	_ =	task.clear_ibuf [dreg:s7], $0x2FFFF;
	_ =	strace $0x9FFFFFFF  }
0xc2: {  	(tm) =	ssettm $0x7FFFFFFF  }
0xc3: {  	_ =	shalt  }
tec
execute0_lowered:
.L_overlay_start_1:
0x0: {  	(tag) =	ssettag $0x1  }
0x1: {  	s0 =	rddreg [dreg:$0x1]  }
0x2: {  	s1 =	srdreg.scid;
	s3 =	simm.s32 $0x0;
	s4 =	stileid.u32  }
0x3: {  	s14 =	simm.s32 $0x1;
	s15 =	simm.s32 $0xE000;
	v0 =	vlaneseq.u32;
	s1 =	sand.u32 $0x1, s1  }
0x4: {  	s18 =	simm.s32 $0x1AB00;
	s19 =	simm.s32 $0x1B200;
	v0 =	vmul.u32 $0x8, v0;
	s2 =	ssub.s32 $0x2, s1  }
0x5: {  	s20 =	simm.s32 $0x1B900;
	[smem:$0x7FF] =	sst s3;
	s5 =	sshrl.u32 s2, $0x1  }
0x6: {  	s4 =	sshll.u32 s4, $0x1;
	_ =	strace $0x80000047;
	v1 =	vor.u32 $0x1, v0;
	s31 =	ssub.s32 s2, s5  }
0x7: {  	s1 =	sor.u32 s1, s4;
	s4 =	sadd.s32 $0x400, s0;
	v2 =	vor.u32 $0x2, v0;
	v3 =	vor.u32 $0x3, v0;
	v4 =	vor.u32 $0x4, v0;
	s0 =	smax.u32 s31, $0x1  }
0x8: {  	v5 =	vor.u32 $0x5, v0;
	v6 =	vor.u32 $0x6, v0;
	v7 =	vor.u32 $0x7, v0;
	s5 =	smul.u32 $0x3, s1;
	s1 =	simm.s32 $0x0;
	[dreg:$0x3] =	wrdreg s0  }
.LBB2_1:
0x9: {  	[dreg:$0x4] =	wrdreg s1;
	s21 =	simm.s32 $0x0  }
.LBB2_2:
0xa: {  	s0 =	smul.u32 $0x25, s21;
	_ =	sdelay $0x1  }
0xb: {  	s0 =	sshrl.u32 s0, $0x8  }
0xc: {  	s1 =	ssub.s32 s21, s0  }
0xd: {  	s1 =	sand.u32 $0xFE, s1  }
0xe: {  	s1 =	sshrl.u32 s1, $0x1  }
0xf: {  	s0 =	sadd.s32 s0, s1  }
0x10: {  	s0 =	sand.u32 $0xFC, s0  }
0x11: {  	s0 =	sshrl.u32 s0, $0x2  }
0x12: {  	s26 =	sadd.s32 s0, s5  }
0x13: {  	s23 =	smulhi.u32 $0xAAAAAAB, s26;
	_ =	sdelay $0x1  }
0x14: {  	s2 =	smul.u32 $0x18, s23;
	_ =	sdelay $0x1  }
0x15: {  	s1 =	ssub.s32 s26, s2  }
0x16: {  	s30 =	smul.u32 $0xC0, s23;
	s22 =	sand.u32 $0x7, s1  }
0x17: {  	s24 =	sshrl.u32 s1, $0x3;
	s31 =	sshll.u32 s22, $0x3  }
0x18: {  	s6 =	sshll.u32 s24, $0x6;
	s1 =	sor.u32 s30, s31  }
0x19: {  	s0 =	sadd.s32 s0, s21;
	s1 =	sadd.s32 s6, s1  }
0x1a: {  	s0 =	sshll.u32 s0, $0x5;
	s1 =	smul.u32 $0xE0, s1  }
0x1b: {  	s25 =	sand.u32 $0xE0, s0  }
0x1c: {  	s0 =	sor.u32 s25, s1  }
0x1d: {  	s0 =	smul.u32 $0xE0, s0;
	_ =	sdelay $0x1  }
0x1e: {  	s2 =	rddreg [dreg:$0x0];
	s0 =	sshrl.u32 s0, $0x3  }
0x1f: {  	s26 =	simm.s32 $0x0;
	s0 =	sadd.s32 s2, s0  }
0x20: {  	[tilespmem:s26], [sflag:$0x1] =	stream.linear.gather [hbm4b:s0+s26], $0x1C00, $0x38;
	[tilespmem:$0x1C000] =	vst v63  }
0x21: {  	s6 =	simm.s32 $0x1C00;
	s1 =	sadd.s32 $0x1880, s0  }
0x22: {  	[tilespmem:s6], [sflag:$0x1] =	stream.linear.gather [hbm4b:s1+s26], $0x1C00, $0x38;
	[tilespmem:$0x1C000] =	vst v63  }
0x23: {  	s8 =	simm.s32 $0x3800;
	s7 =	sadd.s32 $0x3100, s0  }
0x24: {  	[tilespmem:s8], [sflag:$0x1] =	stream.linear.gather [hbm4b:s7+s26], $0x1C00, $0x38;
	[tilespmem:$0x1C000] =	vst v63  }
0x25: {  	s10 =	simm.s32 $0x5400;
	s9 =	sadd.s32 $0x4980, s0  }
0x26: {  	[tilespmem:s10], [sflag:$0x1] =	stream.linear.gather [hbm4b:s9+s26], $0x1C00, $0x38;
	[tilespmem:$0x1C000] =	vst v63  }
0x27: {  	s12 =	simm.s32 $0x7000;
	s11 =	sadd.s32 $0x6200, s0  }
0x28: {  	[tilespmem:s12], [sflag:$0x1] =	stream.linear.gather [hbm4b:s11+s26], $0x1C00, $0x38;
	[tilespmem:$0x1C000] =	vst v63  }
0x29: {  	s16 =	simm.s32 $0x8C00;
	s13 =	sadd.s32 $0x7A80, s0  }
0x2a: {  	[tilespmem:s16], [sflag:$0x1] =	stream.linear.gather [hbm4b:s13+s26], $0x1C00, $0x38;
	[tilespmem:$0x1C000] =	vst v63  }
0x2b: {  	s30 =	simm.s32 $0xA800;
	s17 =	sadd.s32 $0x9300, s0  }
0x2c: {  	[tilespmem:s30], [sflag:$0x1] =	stream.linear.gather [hbm4b:s17+s26], $0x1C00, $0x38;
	[tilespmem:$0x1C000] =	vst v63  }
0x2d: {  	s31 =	simm.s32 $0xC400;
	s0 =	sadd.s32 $0xAB80, s0  }
0x2e: {  	[tilespmem:s31], [sflag:$0x1] =	stream.linear.gather [hbm4b:s0+s26], $0x1C00, $0x38;
	[tilespmem:$0x1C000] =	vst v63  }
0x2f: {  	_ =	swait.ge [sflag:s14], $0x1C00  }
0x30: {  	[sflag:s14] =	ssyncset.done $0x0  }
0x31: {  	[sflag:s14] =	ssyncadd.s32 $0xFFFFE400  }
0x32: {  	_ =	swait.ge [sflag:s14], $0x1C00  }
0x33: {  	[sflag:s14] =	ssyncset.done $0x0  }
0x34: {  	[sflag:s14] =	ssyncadd.s32 $0xFFFFE400  }
0x35: {  	_ =	swait.ge [sflag:s14], $0x1C00  }
0x36: {  	[sflag:s14] =	ssyncset.done $0x0  }
0x37: {  	[sflag:s14] =	ssyncadd.s32 $0xFFFFE400  }
0x38: {  	_ =	swait.ge [sflag:s14], $0x1C00  }
0x39: {  	[sflag:s14] =	ssyncset.done $0x0  }
0x3a: {  	[sflag:s14] =	ssyncadd.s32 $0xFFFFE400  }
0x3b: {  	_ =	swait.ge [sflag:s14], $0x1C00  }
0x3c: {  	[sflag:s14] =	ssyncset.done $0x0  }
0x3d: {  	[sflag:s14] =	ssyncadd.s32 $0xFFFFE400  }
0x3e: {  	_ =	swait.ge [sflag:s14], $0x1C00  }
0x3f: {  	[sflag:s14] =	ssyncset.done $0x0  }
0x40: {  	[sflag:s14] =	ssyncadd.s32 $0xFFFFE400  }
0x41: {  	_ =	swait.ge [sflag:s14], $0x1C00  }
0x42: {  	[sflag:s14] =	ssyncset.done $0x0  }
0x43: {  	[sflag:s14] =	ssyncadd.s32 $0xFFFFE400  }
0x44: {  	_ =	swait.ge [sflag:s14], $0x1C00  }
0x45: {  	[sflag:s14] =	ssyncset.done $0x0  }
0x46: {  	s28 =	simm.s32 $0x680;
	s29 =	simm.s32 $0x0;
	[sflag:s14] =	ssyncadd.s32 $0xFFFFE400  }
.LBB2_3:
0x47: {  	s31 =	sadd.s32 $0xFFFFF980, s28;
	s30 =	sshra.s32 s29, $0x2  }
0x48: {  	v8 =	vld [tilespmem:s30+$0x0];
	v9 =	vor.u32 s31, v0;
	_ =	sdelay $0x4  }
0x49: {  	s0 =	sadd.s32 $0xFFFFFA00, s28;
	[tilespmem:v9+s15+$0x0] =	vst.idx.msk $0xffff, v8  }
0x4a: {  	v57 =	vor.u32 s0, v0;
	v8 =	vld [tilespmem:s30+$0x10];
	_ =	sdelay $0x4  }
0x4b: {  	s2 =	sadd.s32 $0xFFFFFA80, s28;
	[tilespmem:v57+s15+$0x0] =	vst.idx.msk $0xffff, v8  }
0x4c: {  	v58 =	vor.u32 s2, v0;
	v8 =	vld [tilespmem:s30+$0x20];
	_ =	sdelay $0x4  }
0x4d: {  	s6 =	sadd.s32 $0xFFFFFB00, s28;
	[tilespmem:v58+s15+$0x0] =	vst.idx.msk $0xffff, v8  }
0x4e: {  	v59 =	vor.u32 s6, v0;
	v8 =	vld [tilespmem:s30+$0x30];
	_ =	sdelay $0x4  }
0x4f: {  	s1 =	sadd.s32 $0xFFFFFB80, s28;
	[tilespmem:v59+s15+$0x0] =	vst.idx.msk $0xffff, v8  }
0x50: {  	v60 =	vor.u32 s1, v0;
	v8 =	vld [tilespmem:s30+$0x40];
	_ =	sdelay $0x4  }
0x51: {  	s7 =	sadd.s32 $0xFFFFFC00, s28;
	[tilespmem:v60+s15+$0x0] =	vst.idx.msk $0xffff, v8  }
0x52: {  	v61 =	vor.u32 s7, v0;
	v8 =	vld [tilespmem:s30+$0x50];
	_ =	sdelay $0x4  }
0x53: {  	s8 =	sadd.s32 $0xFFFFFC80, s28;
	[tilespmem:v61+s15+$0x0] =	vst.idx.msk $0xffff, v8  }
0x54: {  	v62 =	vor.u32 s8, v0;
	v8 =	vld [tilespmem:s30+$0x60];
	_ =	sdelay $0x4  }
0x55: {  	s9 =	sadd.s32 $0xFFFFFD00, s28;
	[tilespmem:v62+s15+$0x0] =	vst.idx.msk $0xffff, v8  }
0x56: {  	v63 =	vor.u32 s9, v0;
	v8 =	vld [tilespmem:s30+$0x70];
	_ =	sdelay $0x4  }
0x57: {  	s10 =	sand.u32 $0x1FE0, s26;
	s11 =	sadd.s32 $0xFFFFFD80, s28;
	[tilespmem:v63+s15+$0x0] =	vst.idx.msk $0xffff, v8  }
0x58: {  	v12 =	vor.u32 s11, v0;
	v8 =	vld [tilespmem:s10+$0x80];
	_ =	sdelay $0x4  }
0x59: {  	s12 =	sadd.s32 $0xFFFFFE00, s28;
	[tilespmem:v12+s15+$0x0] =	vst.idx.msk $0xffff, v8  }
0x5a: {  	v13 =	vor.u32 s12, v0;
	v8 =	vld [tilespmem:s30+$0x90];
	_ =	sdelay $0x4  }
0x5b: {  	s13 =	sadd.s32 $0xFFFFFE80, s28;
	[tilespmem:v13+s15+$0x0] =	vst.idx.msk $0xffff, v8  }
0x5c: {  	v14 =	vor.u32 s13, v0;
	v8 =	vld [tilespmem:s30+$0xA0];
	_ =	sdelay $0x4  }
0x5d: {  	s16 =	sadd.s32 $0xFFFFFF00, s28;
	[tilespmem:v14+s15+$0x0] =	vst.idx.msk $0xffff, v8  }
0x5e: {  	v15 =	vor.u32 s16, v0;
	v8 =	vld [tilespmem:s30+$0xB0];
	_ =	sdelay $0x4  }
0x5f: {  	s17 =	sadd.s32 $0xFFFFFF80, s28;
	[tilespmem:v15+s15+$0x0] =	vst.idx.msk $0xffff, v8  }
0x60: {  	v16 =	vor.u32 s17, v0;
	v8 =	vld [tilespmem:s30+$0xC0];
	_ =	sdelay $0x4  }
0x61: {  	[tilespmem:v16+s15+$0x0] =	vst.idx.msk $0xffff, v8  }
0x62: {  	v17 =	vor.u32 s28, v0;
	v8 =	vld [tilespmem:s30+$0xD0];
	_ =	sdelay $0x4  }
0x63: {  	[tilespmem:v17+s15+$0x0] =	vst.idx.msk $0xffff, v8  }
0x64: {  	v18 =	vor.u32 s31, v1;
	v8 =	vld [tilespmem:s10+$0x1C00];
	_ =	sdelay $0x4  }
0x65: {  	[tilespmem:v18+s15+$0x0] =	vst.idx.msk $0xffff, v8  }
0x66: {  	v19 =	vor.u32 s0, v1;
	v8 =	vld [tilespmem:s30+$0x1C10];
	_ =	sdelay $0x4  }
0x67: {  	[tilespmem:v19+s15+$0x0] =	vst.idx.msk $0xffff, v8  }
0x68: {  	v20 =	vor.u32 s2, v1;
	v8 =	vld [tilespmem:s30+$0x1C20];
	_ =	sdelay $0x4  }
0x69: {  	[tilespmem:v20+s15+$0x0] =	vst.idx.msk $0xffff, v8  }
0x6a: {  	v21 =	vor.u32 s6, v1;
	v8 =	vld [tilespmem:s30+$0x1C30];
	_ =	sdelay $0x4  }
0x6b: {  	[tilespmem:v21+s15+$0x0] =	vst.idx.msk $0xffff, v8  }
0x6c: {  	v22 =	vor.u32 s1, v1;
	v8 =	vld [tilespmem:s30+$0x1C40];
	_ =	sdelay $0x4  }
0x6d: {  	[tilespmem:v22+s15+$0x0] =	vst.idx.msk $0xffff, v8  }
0x6e: {  	v23 =	vor.u32 s7, v1;
	v8 =	vld [tilespmem:s30+$0x1C50];
	_ =	sdelay $0x4  }
0x6f: {  	[tilespmem:v23+s15+$0x0] =	vst.idx.msk $0xffff, v8  }
0x70: {  	v24 =	vor.u32 s8, v1;
	v8 =	vld [tilespmem:s30+$0x1C60];
	_ =	sdelay $0x4  }
0x71: {  	[tilespmem:v24+s15+$0x0] =	vst.idx.msk $0xffff, v8  }
0x72: {  	v25 =	vor.u32 s9, v1;
	v8 =	vld [tilespmem:s30+$0x1C70];
	_ =	sdelay $0x4  }
0x73: {  	[tilespmem:v25+s15+$0x0] =	vst.idx.msk $0xffff, v8  }
0x74: {  	v26 =	vor.u32 s11, v1;
	v8 =	vld [tilespmem:s10+$0x1C80];
	_ =	sdelay $0x4  }
0x75: {  	[tilespmem:v26+s15+$0x0] =	vst.idx.msk $0xffff, v8  }
0x76: {  	v27 =	vor.u32 s12, v1;
	v8 =	vld [tilespmem:s30+$0x1C90];
	_ =	sdelay $0x4  }
0x77: {  	[tilespmem:v27+s15+$0x0] =	vst.idx.msk $0xffff, v8  }
0x78: {  	v28 =	vor.u32 s13, v1;
	v8 =	vld [tilespmem:s30+$0x1CA0];
	_ =	sdelay $0x4  }
0x79: {  	[tilespmem:v28+s15+$0x0] =	vst.idx.msk $0xffff, v8  }
0x7a: {  	v29 =	vor.u32 s16, v1;
	v8 =	vld [tilespmem:s30+$0x1CB0];
	_ =	sdelay $0x4  }
0x7b: {  	[tilespmem:v29+s15+$0x0] =	vst.idx.msk $0xffff, v8  }
0x7c: {  	v30 =	vor.u32 s17, v1;
	v8 =	vld [tilespmem:s30+$0x1CC0];
	_ =	sdelay $0x4  }
0x7d: {  	[tilespmem:v30+s15+$0x0] =	vst.idx.msk $0xffff, v8  }
0x7e: {  	v31 =	vor.u32 s28, v1;
	v8 =	vld [tilespmem:s30+$0x1CD0];
	_ =	sdelay $0x4  }
0x7f: {  	[tilespmem:v31+s15+$0x0] =	vst.idx.msk $0xffff, v8  }
0x80: {  	v32 =	vor.u32 s31, v2;
	v8 =	vld [tilespmem:s10+$0x3800];
	_ =	sdelay $0x4  }
0x81: {  	[tilespmem:v32+s15+$0x0] =	vst.idx.msk $0xffff, v8  }
0x82: {  	v33 =	vor.u32 s0, v2;
	v8 =	vld [tilespmem:s30+$0x3810];
	_ =	sdelay $0x4  }
0x83: {  	[tilespmem:v33+s15+$0x0] =	vst.idx.msk $0xffff, v8  }
0x84: {  	v34 =	vor.u32 s2, v2;
	v8 =	vld [tilespmem:s30+$0x3820];
	_ =	sdelay $0x4  }
0x85: {  	[tilespmem:v34+s15+$0x0] =	vst.idx.msk $0xffff, v8  }
0x86: {  	v35 =	vor.u32 s6, v2;
	v8 =	vld [tilespmem:s30+$0x3830];
	_ =	sdelay $0x4  }
0x87: {  	[tilespmem:v35+s15+$0x0] =	vst.idx.msk $0xffff, v8  }
0x88: {  	v36 =	vor.u32 s1, v2;
	v8 =	vld [tilespmem:s30+$0x3840];
	_ =	sdelay $0x4  }
0x89: {  	[tilespmem:v36+s15+$0x0] =	vst.idx.msk $0xffff, v8  }
0x8a: {  	v37 =	vor.u32 s7, v2;
	v8 =	vld [tilespmem:s30+$0x3850];
	_ =	sdelay $0x4  }
0x8b: {  	[tilespmem:v37+s15+$0x0] =	vst.idx.msk $0xffff, v8  }
0x8c: {  	v38 =	vor.u32 s8, v2;
	v8 =	vld [tilespmem:s30+$0x3860];
	_ =	sdelay $0x4  }
0x8d: {  	[tilespmem:v38+s15+$0x0] =	vst.idx.msk $0xffff, v8  }
0x8e: {  	v39 =	vor.u32 s9, v2;
	v8 =	vld [tilespmem:s30+$0x3870];
	_ =	sdelay $0x4  }
0x8f: {  	[tilespmem:v39+s15+$0x0] =	vst.idx.msk $0xffff, v8  }
0x90: {  	v40 =	vor.u32 s11, v2;
	v8 =	vld [tilespmem:s10+$0x3880];
	_ =	sdelay $0x4  }
0x91: {  	[tilespmem:v40+s15+$0x0] =	vst.idx.msk $0xffff, v8  }
0x92: {  	v41 =	vor.u32 s12, v2;
	v8 =	vld [tilespmem:s30+$0x3890];
	_ =	sdelay $0x4  }
0x93: {  	[tilespmem:v41+s15+$0x0] =	vst.idx.msk $0xffff, v8  }
0x94: {  	v42 =	vor.u32 s13, v2;
	v8 =	vld [tilespmem:s30+$0x38A0];
	_ =	sdelay $0x4  }
0x95: {  	[tilespmem:v42+s15+$0x0] =	vst.idx.msk $0xffff, v8  }
0x96: {  	v43 =	vor.u32 s16, v2;
	v8 =	vld [tilespmem:s30+$0x38B0];
	_ =	sdelay $0x4  }
0x97: {  	[tilespmem:v43+s15+$0x0] =	vst.idx.msk $0xffff, v8  }
0x98: {  	v44 =	vor.u32 s17, v2;
	v8 =	vld [tilespmem:s30+$0x38C0];
	_ =	sdelay $0x4  }
0x99: {  	[tilespmem:v44+s15+$0x0] =	vst.idx.msk $0xffff, v8  }
0x9a: {  	v45 =	vor.u32 s28, v2;
	v8 =	vld [tilespmem:s30+$0x38D0];
	_ =	sdelay $0x4  }
0x9b: {  	[tilespmem:v45+s15+$0x0] =	vst.idx.msk $0xffff, v8  }
0x9c: {  	v46 =	vor.u32 s31, v3;
	v8 =	vld [tilespmem:s10+$0x5400];
	_ =	sdelay $0x4  }
0x9d: {  	[tilespmem:v46+s15+$0x0] =	vst.idx.msk $0xffff, v8  }
0x9e: {  	v47 =	vor.u32 s0, v3;
	v8 =	vld [tilespmem:s30+$0x5410];
	_ =	sdelay $0x4  }
0x9f: {  	[tilespmem:v47+s15+$0x0] =	vst.idx.msk $0xffff, v8  }
0xa0: {  	v48 =	vor.u32 s2, v3;
	v8 =	vld [tilespmem:s30+$0x5420];
	_ =	sdelay $0x4  }
0xa1: {  	[tilespmem:v48+s15+$0x0] =	vst.idx.msk $0xffff, v8  }
0xa2: {  	v49 =	vor.u32 s6, v3;
	v8 =	vld [tilespmem:s30+$0x5430];
	_ =	sdelay $0x4  }
0xa3: {  	[tilespmem:v49+s15+$0x0] =	vst.idx.msk $0xffff, v8  }
0xa4: {  	v50 =	vor.u32 s1, v3;
	v8 =	vld [tilespmem:s30+$0x5440];
	_ =	sdelay $0x4  }
0xa5: {  	[tilespmem:v50+s15+$0x0] =	vst.idx.msk $0xffff, v8  }
0xa6: {  	v51 =	vor.u32 s7, v3;
	v8 =	vld [tilespmem:s30+$0x5450];
	_ =	sdelay $0x4  }
0xa7: {  	[tilespmem:v51+s15+$0x0] =	vst.idx.msk $0xffff, v8  }
0xa8: {  	v52 =	vor.u32 s8, v3;
	v8 =	vld [tilespmem:s30+$0x5460];
	_ =	sdelay $0x4  }
0xa9: {  	[tilespmem:v52+s15+$0x0] =	vst.idx.msk $0xffff, v8  }
0xaa: {  	v53 =	vor.u32 s9, v3;
	v8 =	vld [tilespmem:s30+$0x5470];
	_ =	sdelay $0x4  }
0xab: {  	[tilespmem:v53+s15+$0x0] =	vst.idx.msk $0xffff, v8  }
0xac: {  	v54 =	vor.u32 s11, v3;
	v8 =	vld [tilespmem:s10+$0x5480];
	_ =	sdelay $0x4  }
0xad: {  	[tilespmem:v54+s15+$0x0] =	vst.idx.msk $0xffff, v8  }
0xae: {  	v55 =	vor.u32 s12, v3;
	v8 =	vld [tilespmem:s30+$0x5490];
	_ =	sdelay $0x4  }
0xaf: {  	[tilespmem:v55+s15+$0x0] =	vst.idx.msk $0xffff, v8  }
0xb0: {  	v56 =	vor.u32 s13, v3;
	v8 =	vld [tilespmem:s30+$0x54A0];
	_ =	sdelay $0x4  }
0xb1: {  	[tilespmem:v56+s15+$0x0] =	vst.idx.msk $0xffff, v8  }
0xb2: {  	v57 =	vor.u32 s16, v3;
	v8 =	vld [tilespmem:s30+$0x54B0];
	_ =	sdelay $0x4  }
0xb3: {  	[tilespmem:v57+s15+$0x0] =	vst.idx.msk $0xffff, v8  }
0xb4: {  	v58 =	vor.u32 s17, v3;
	v8 =	vld [tilespmem:s30+$0x54C0];
	_ =	sdelay $0x4  }
0xb5: {  	[tilespmem:v58+s15+$0x0] =	vst.idx.msk $0xffff, v8  }
0xb6: {  	v59 =	vor.u32 s28, v3;
	v8 =	vld [tilespmem:s30+$0x54D0];
	_ =	sdelay $0x4  }
0xb7: {  	[tilespmem:v59+s15+$0x0] =	vst.idx.msk $0xffff, v8  }
0xb8: {  	v60 =	vor.u32 s31, v4;
	v8 =	vld [tilespmem:s10+$0x7000];
	_ =	sdelay $0x4  }
0xb9: {  	[tilespmem:v60+s15+$0x0] =	vst.idx.msk $0xffff, v8  }
0xba: {  	v61 =	vor.u32 s0, v4;
	v8 =	vld [tilespmem:s30+$0x7010];
	_ =	sdelay $0x4  }
0xbb: {  	[tilespmem:v61+s15+$0x0] =	vst.idx.msk $0xffff, v8  }
0xbc: {  	v62 =	vor.u32 s2, v4;
	v8 =	vld [tilespmem:s30+$0x7020];
	_ =	sdelay $0x4  }
0xbd: {  	[tilespmem:v62+s15+$0x0] =	vst.idx.msk $0xffff, v8  }
0xbe: {  	v63 =	vor.u32 s6, v4;
	v8 =	vld [tilespmem:s30+$0x7030];
	_ =	sdelay $0x4  }
0xbf: {  	[tilespmem:v63+s15+$0x0] =	vst.idx.msk $0xffff, v8  }
0xc0: {  	v12 =	vor.u32 s1, v4;
	v8 =	vld [tilespmem:s30+$0x7040];
	_ =	sdelay $0x4  }
0xc1: {  	[tilespmem:v12+s15+$0x0] =	vst.idx.msk $0xffff, v8  }
0xc2: {  	v13 =	vor.u32 s7, v4;
	v8 =	vld [tilespmem:s30+$0x7050];
	_ =	sdelay $0x4  }
0xc3: {  	[tilespmem:v13+s15+$0x0] =	vst.idx.msk $0xffff, v8  }
0xc4: {  	v14 =	vor.u32 s8, v4;
	v8 =	vld [tilespmem:s30+$0x7060];
	_ =	sdelay $0x4  }
0xc5: {  	[tilespmem:v14+s15+$0x0] =	vst.idx.msk $0xffff, v8  }
0xc6: {  	v15 =	vor.u32 s9, v4;
	v8 =	vld [tilespmem:s30+$0x7070];
	_ =	sdelay $0x4  }
0xc7: {  	[tilespmem:v15+s15+$0x0] =	vst.idx.msk $0xffff, v8  }
0xc8: {  	v16 =	vor.u32 s11, v4;
	v8 =	vld [tilespmem:s10+$0x7080];
	_ =	sdelay $0x4  }
0xc9: {  	[tilespmem:v16+s15+$0x0] =	vst.idx.msk $0xffff, v8  }
0xca: {  	v17 =	vor.u32 s12, v4;
	v8 =	vld [tilespmem:s30+$0x7090];
	_ =	sdelay $0x4  }
0xcb: {  	[tilespmem:v17+s15+$0x0] =	vst.idx.msk $0xffff, v8  }
0xcc: {  	v18 =	vor.u32 s13, v4;
	v8 =	vld [tilespmem:s30+$0x70A0];
	_ =	sdelay $0x4  }
0xcd: {  	[tilespmem:v18+s15+$0x0] =	vst.idx.msk $0xffff, v8  }
0xce: {  	v19 =	vor.u32 s16, v4;
	v8 =	vld [tilespmem:s30+$0x70B0];
	_ =	sdelay $0x4  }
0xcf: {  	[tilespmem:v19+s15+$0x0] =	vst.idx.msk $0xffff, v8  }
0xd0: {  	v20 =	vor.u32 s17, v4;
	v8 =	vld [tilespmem:s30+$0x70C0];
	_ =	sdelay $0x4  }
0xd1: {  	[tilespmem:v20+s15+$0x0] =	vst.idx.msk $0xffff, v8  }
0xd2: {  	v21 =	vor.u32 s28, v4;
	v8 =	vld [tilespmem:s30+$0x70D0];
	_ =	sdelay $0x4  }
0xd3: {  	[tilespmem:v21+s15+$0x0] =	vst.idx.msk $0xffff, v8  }
0xd4: {  	v22 =	vor.u32 s31, v5;
	v8 =	vld [tilespmem:s10+$0x8C00];
	_ =	sdelay $0x4  }
0xd5: {  	[tilespmem:v22+s15+$0x0] =	vst.idx.msk $0xffff, v8  }
0xd6: {  	v23 =	vor.u32 s0, v5;
	v8 =	vld [tilespmem:s30+$0x8C10];
	_ =	sdelay $0x4  }
0xd7: {  	[tilespmem:v23+s15+$0x0] =	vst.idx.msk $0xffff, v8  }
0xd8: {  	v24 =	vor.u32 s2, v5;
	v8 =	vld [tilespmem:s30+$0x8C20];
	_ =	sdelay $0x4  }
0xd9: {  	[tilespmem:v24+s15+$0x0] =	vst.idx.msk $0xffff, v8  }
0xda: {  	v25 =	vor.u32 s6, v5;
	v8 =	vld [tilespmem:s30+$0x8C30];
	_ =	sdelay $0x4  }
0xdb: {  	[tilespmem:v25+s15+$0x0] =	vst.idx.msk $0xffff, v8  }
0xdc: {  	v26 =	vor.u32 s1, v5;
	v8 =	vld [tilespmem:s30+$0x8C40];
	_ =	sdelay $0x4  }
0xdd: {  	[tilespmem:v26+s15+$0x0] =	vst.idx.msk $0xffff, v8  }
0xde: {  	v27 =	vor.u32 s7, v5;
	v8 =	vld [tilespmem:s30+$0x8C50];
	_ =	sdelay $0x4  }
0xdf: {  	[tilespmem:v27+s15+$0x0] =	vst.idx.msk $0xffff, v8  }
0xe0: {  	v28 =	vor.u32 s8, v5;
	v8 =	vld [tilespmem:s30+$0x8C60];
	_ =	sdelay $0x4  }
0xe1: {  	[tilespmem:v28+s15+$0x0] =	vst.idx.msk $0xffff, v8  }
0xe2: {  	v29 =	vor.u32 s9, v5;
	v8 =	vld [tilespmem:s30+$0x8C70];
	_ =	sdelay $0x4  }
0xe3: {  	[tilespmem:v29+s15+$0x0] =	vst.idx.msk $0xffff, v8  }
0xe4: {  	v30 =	vor.u32 s11, v5;
	v8 =	vld [tilespmem:s10+$0x8C80];
	_ =	sdelay $0x4  }
0xe5: {  	[tilespmem:v30+s15+$0x0] =	vst.idx.msk $0xffff, v8  }
0xe6: {  	v31 =	vor.u32 s12, v5;
	v8 =	vld [tilespmem:s30+$0x8C90];
	_ =	sdelay $0x4  }
0xe7: {  	[tilespmem:v31+s15+$0x0] =	vst.idx.msk $0xffff, v8  }
0xe8: {  	v32 =	vor.u32 s13, v5;
	v8 =	vld [tilespmem:s30+$0x8CA0];
	_ =	sdelay $0x4  }
0xe9: {  	[tilespmem:v32+s15+$0x0] =	vst.idx.msk $0xffff, v8  }
0xea: {  	v33 =	vor.u32 s16, v5;
	v8 =	vld [tilespmem:s30+$0x8CB0];
	_ =	sdelay $0x4  }
0xeb: {  	[tilespmem:v33+s15+$0x0] =	vst.idx.msk $0xffff, v8  }
0xec: {  	v34 =	vor.u32 s17, v5;
	v8 =	vld [tilespmem:s30+$0x8CC0];
	_ =	sdelay $0x4  }
0xed: {  	[tilespmem:v34+s15+$0x0] =	vst.idx.msk $0xffff, v8  }
0xee: {  	v35 =	vor.u32 s28, v5;
	v8 =	vld [tilespmem:s30+$0x8CD0];
	_ =	sdelay $0x4  }
0xef: {  	[tilespmem:v35+s15+$0x0] =	vst.idx.msk $0xffff, v8  }
0xf0: {  	v36 =	vor.u32 s31, v6;
	v8 =	vld [tilespmem:s10+$0xA800];
	_ =	sdelay $0x4  }
0xf1: {  	[tilespmem:v36+s15+$0x0] =	vst.idx.msk $0xffff, v8  }
0xf2: {  	v37 =	vor.u32 s0, v6;
	v8 =	vld [tilespmem:s30+$0xA810];
	_ =	sdelay $0x4  }
0xf3: {  	[tilespmem:v37+s15+$0x0] =	vst.idx.msk $0xffff, v8  }
0xf4: {  	v38 =	vor.u32 s2, v6;
	v8 =	vld [tilespmem:s30+$0xA820];
	_ =	sdelay $0x4  }
0xf5: {  	[tilespmem:v38+s15+$0x0] =	vst.idx.msk $0xffff, v8  }
0xf6: {  	v39 =	vor.u32 s6, v6;
	v8 =	vld [tilespmem:s30+$0xA830];
	_ =	sdelay $0x4  }
0xf7: {  	[tilespmem:v39+s15+$0x0] =	vst.idx.msk $0xffff, v8  }
0xf8: {  	v40 =	vor.u32 s1, v6;
	v8 =	vld [tilespmem:s30+$0xA840];
	_ =	sdelay $0x4  }
0xf9: {  	[tilespmem:v40+s15+$0x0] =	vst.idx.msk $0xffff, v8  }
0xfa: {  	v41 =	vor.u32 s7, v6;
	v8 =	vld [tilespmem:s30+$0xA850];
	_ =	sdelay $0x4  }
0xfb: {  	[tilespmem:v41+s15+$0x0] =	vst.idx.msk $0xffff, v8  }
0xfc: {  	v42 =	vor.u32 s8, v6;
	v8 =	vld [tilespmem:s30+$0xA860];
	_ =	sdelay $0x4  }
0xfd: {  	[tilespmem:v42+s15+$0x0] =	vst.idx.msk $0xffff, v8  }
0xfe: {  	v43 =	vor.u32 s9, v6;
	v8 =	vld [tilespmem:s30+$0xA870];
	_ =	sdelay $0x4  }
0xff: {  	[tilespmem:v43+s15+$0x0] =	vst.idx.msk $0xffff, v8  }
0x100: {  	v44 =	vor.u32 s11, v6;
	v8 =	vld [tilespmem:s10+$0xA880];
	_ =	sdelay $0x4  }
0x101: {  	[tilespmem:v44+s15+$0x0] =	vst.idx.msk $0xffff, v8  }
0x102: {  	v45 =	vor.u32 s12, v6;
	v8 =	vld [tilespmem:s30+$0xA890];
	_ =	sdelay $0x4  }
0x103: {  	[tilespmem:v45+s15+$0x0] =	vst.idx.msk $0xffff, v8  }
0x104: {  	v46 =	vor.u32 s13, v6;
	v8 =	vld [tilespmem:s30+$0xA8A0];
	_ =	sdelay $0x4  }
0x105: {  	[tilespmem:v46+s15+$0x0] =	vst.idx.msk $0xffff, v8  }
0x106: {  	v47 =	vor.u32 s16, v6;
	v8 =	vld [tilespmem:s30+$0xA8B0];
	_ =	sdelay $0x4  }
0x107: {  	[tilespmem:v47+s15+$0x0] =	vst.idx.msk $0xffff, v8  }
0x108: {  	v48 =	vor.u32 s17, v6;
	v8 =	vld [tilespmem:s30+$0xA8C0];
	_ =	sdelay $0x4  }
0x109: {  	[tilespmem:v48+s15+$0x0] =	vst.idx.msk $0xffff, v8  }
0x10a: {  	v49 =	vor.u32 s28, v6;
	v8 =	vld [tilespmem:s30+$0xA8D0];
	_ =	sdelay $0x4  }
0x10b: {  	[tilespmem:v49+s15+$0x0] =	vst.idx.msk $0xffff, v8  }
0x10c: {  	v50 =	vor.u32 s31, v7;
	v8 =	vld [tilespmem:s10+$0xC400];
	_ =	sdelay $0x4  }
0x10d: {  	[tilespmem:v50+s15+$0x0] =	vst.idx.msk $0xffff, v8  }
0x10e: {  	v51 =	vor.u32 s0, v7;
	v8 =	vld [tilespmem:s30+$0xC410];
	_ =	sdelay $0x4  }
0x10f: {  	[tilespmem:v51+s15+$0x0] =	vst.idx.msk $0xffff, v8  }
0x110: {  	v52 =	vor.u32 s2, v7;
	v8 =	vld [tilespmem:s30+$0xC420];
	_ =	sdelay $0x4  }
0x111: {  	[tilespmem:v52+s15+$0x0] =	vst.idx.msk $0xffff, v8  }
0x112: {  	v53 =	vor.u32 s6, v7;
	v8 =	vld [tilespmem:s30+$0xC430];
	_ =	sdelay $0x4  }
0x113: {  	[tilespmem:v53+s15+$0x0] =	vst.idx.msk $0xffff, v8  }
0x114: {  	v54 =	vor.u32 s1, v7;
	v8 =	vld [tilespmem:s30+$0xC440];
	_ =	sdelay $0x4  }
0x115: {  	[tilespmem:v54+s15+$0x0] =	vst.idx.msk $0xffff, v8  }
0x116: {  	v55 =	vor.u32 s7, v7;
	v8 =	vld [tilespmem:s30+$0xC450];
	_ =	sdelay $0x4  }
0x117: {  	[tilespmem:v55+s15+$0x0] =	vst.idx.msk $0xffff, v8  }
0x118: {  	v56 =	vor.u32 s8, v7;
	v8 =	vld [tilespmem:s30+$0xC460];
	_ =	sdelay $0x4  }
0x119: {  	[tilespmem:v56+s15+$0x0] =	vst.idx.msk $0xffff, v8  }
0x11a: {  	v57 =	vor.u32 s9, v7;
	v8 =	vld [tilespmem:s30+$0xC470];
	_ =	sdelay $0x4  }
0x11b: {  	[tilespmem:v57+s15+$0x0] =	vst.idx.msk $0xffff, v8  }
0x11c: {  	v58 =	vor.u32 s11, v7;
	v8 =	vld [tilespmem:s10+$0xC480];
	_ =	sdelay $0x4  }
0x11d: {  	[tilespmem:v58+s15+$0x0] =	vst.idx.msk $0xffff, v8  }
0x11e: {  	v59 =	vor.u32 s12, v7;
	v8 =	vld [tilespmem:s30+$0xC490];
	_ =	sdelay $0x4  }
0x11f: {  	[tilespmem:v59+s15+$0x0] =	vst.idx.msk $0xffff, v8  }
0x120: {  	v60 =	vor.u32 s13, v7;
	v8 =	vld [tilespmem:s30+$0xC4A0];
	_ =	sdelay $0x4  }
0x121: {  	[tilespmem:v60+s15+$0x0] =	vst.idx.msk $0xffff, v8  }
0x122: {  	v61 =	vor.u32 s16, v7;
	v8 =	vld [tilespmem:s30+$0xC4B0];
	_ =	sdelay $0x4  }
0x123: {  	[tilespmem:v61+s15+$0x0] =	vst.idx.msk $0xffff, v8  }
0x124: {  	v62 =	vor.u32 s17, v7;
	v8 =	vld [tilespmem:s30+$0xC4C0];
	_ =	sdelay $0x4  }
0x125: {  	[tilespmem:v62+s15+$0x0] =	vst.idx.msk $0xffff, v8  }
0x126: {  	p0 =	sne.s32 s29, $0x6C80;
	v63 =	vor.u32 s28, v7;
	v8 =	vld [tilespmem:s30+$0xC4D0]  }
.Ltmp0:
0x127: {  	_ = 	snop;
	(pc) =	sbr.rel @p0 .LBB2_3-.Ltmp0, $2  }
0x128: {  	_ =	sdelay $0x2  }
0x129: {  	s26 =	sadd.s32 $0xE0, s26;
	s29 =	sadd.s32 $0x380, s29;
	s28 =	sadd.s32 $0x700, s28;
	[tilespmem:v63+s15+$0x0] =	vst.idx.msk $0xffff, v8  }
0x12a: {  	s0 =	smul.u32 $0x3, s23;
	_ =	sdelay $0x1  }
0x12b: {  	s0 =	sadd.s32 s24, s0  }
0x12c: {  	s0 =	smul.u32 $0xE0, s0;
	_ =	sdelay $0x1  }
0x12d: {  	s0 =	sadd.s32 s25, s0  }
0x12e: {  	s0 =	sshll.u32 s0, $0x3  }
0x12f: {  	s0 =	sor.u32 s22, s0  }
0x130: {  	s0 =	smul.u32 $0x700, s0;
	_ =	sdelay $0x1  }
0x131: {  	s0 =	sshrl.u32 s0, $0x3  }
0x132: {  	s0 =	sadd.s32 s4, s0  }
0x133: {  	[hbm4b:s0+s3] =	stream.linear.scatter [tilespmem:s15], [sflag:$0x1], $0x700, $0x38;
	[tilespmem:$0x1C000] =	vst v63  }
0x134: {  	s2 =	simm.s32 $0xE700;
	s1 =	sadd.s32 $0x700, s0  }
0x135: {  	[hbm4b:s1+s3] =	stream.linear.scatter [tilespmem:s2], [sflag:$0x1], $0x700, $0x38;
	[tilespmem:$0x1C000] =	vst v63  }
0x136: {  	s10 =	simm.s32 $0xEE00;
	s9 =	sadd.s32 $0xE00, s0  }
0x137: {  	[hbm4b:s9+s3] =	stream.linear.scatter [tilespmem:s10], [sflag:$0x1], $0x700, $0x38;
	[tilespmem:$0x1C000] =	vst v63  }
0x138: {  	s12 =	simm.s32 $0xF500;
	s11 =	sadd.s32 $0x1500, s0  }
0x139: {  	[hbm4b:s11+s3] =	stream.linear.scatter [tilespmem:s12], [sflag:$0x1], $0x700, $0x38;
	[tilespmem:$0x1C000] =	vst v63  }
0x13a: {  	s16 =	simm.s32 $0xFC00;
	s13 =	sadd.s32 $0x1C00, s0  }
0x13b: {  	[hbm4b:s13+s3] =	stream.linear.scatter [tilespmem:s16], [sflag:$0x1], $0x700, $0x38;
	[tilespmem:$0x1C000] =	vst v63  }
0x13c: {  	s22 =	simm.s32 $0x10300;
	s17 =	sadd.s32 $0x2300, s0  }
0x13d: {  	[hbm4b:s17+s3] =	stream.linear.scatter [tilespmem:s22], [sflag:$0x1], $0x700, $0x38;
	[tilespmem:$0x1C000] =	vst v63  }
0x13e: {  	s24 =	simm.s32 $0x10A00;
	s23 =	sadd.s32 $0x2A00, s0  }
0x13f: {  	[hbm4b:s23+s3] =	stream.linear.scatter [tilespmem:s24], [sflag:$0x1], $0x700, $0x38;
	[tilespmem:$0x1C000] =	vst v63  }
0x140: {  	s26 =	simm.s32 $0x11100;
	s25 =	sadd.s32 $0x3100, s0  }
0x141: {  	[hbm4b:s25+s3] =	stream.linear.scatter [tilespmem:s26], [sflag:$0x1], $0x700, $0x38;
	[tilespmem:$0x1C000] =	vst v63  }
0x142: {  	s29 =	simm.s32 $0x11800;
	s28 =	sadd.s32 $0x3800, s0  }
0x143: {  	[hbm4b:s28+s3] =	stream.linear.scatter [tilespmem:s29], [sflag:$0x1], $0x700, $0x38;
	[tilespmem:$0x1C000] =	vst v63  }
0x144: {  	s31 =	simm.s32 $0x11F00;
	s30 =	sadd.s32 $0x3F00, s0  }
0x145: {  	[hbm4b:s30+s3] =	stream.linear.scatter [tilespmem:s31], [sflag:$0x1], $0x700, $0x38;
	[tilespmem:$0x1C000] =	vst v63  }
0x146: {  	s6 =	simm.s32 $0x12600;
	s2 =	sadd.s32 $0x4600, s0  }
0x147: {  	[hbm4b:s2+s3] =	stream.linear.scatter [tilespmem:s6], [sflag:$0x1], $0x700, $0x38;
	[tilespmem:$0x1C000] =	vst v63  }
0x148: {  	s8 =	simm.s32 $0x12D00;
	s7 =	sadd.s32 $0x4D00, s0  }
0x149: {  	[hbm4b:s7+s3] =	stream.linear.scatter [tilespmem:s8], [sflag:$0x1], $0x700, $0x38;
	[tilespmem:$0x1C000] =	vst v63  }
0x14a: {  	s9 =	sadd.s32 $0x5400, s0;
	s10 =	simm.s32 $0x13400  }
0x14b: {  	[hbm4b:s9+s3] =	stream.linear.scatter [tilespmem:s10], [sflag:$0x1], $0x700, $0x38;
	[tilespmem:$0x1C000] =	vst v63  }
0x14c: {  	s11 =	sadd.s32 $0x5B00, s0;
	s12 =	simm.s32 $0x13B00  }
0x14d: {  	[hbm4b:s11+s3] =	stream.linear.scatter [tilespmem:s12], [sflag:$0x1], $0x700, $0x38;
	[tilespmem:$0x1C000] =	vst v63  }
0x14e: {  	s13 =	sadd.s32 $0x6200, s0;
	s16 =	simm.s32 $0x14200  }
0x14f: {  	[hbm4b:s13+s3] =	stream.linear.scatter [tilespmem:s16], [sflag:$0x1], $0x700, $0x38;
	[tilespmem:$0x1C000] =	vst v63  }
0x150: {  	s17 =	sadd.s32 $0x6900, s0;
	s22 =	simm.s32 $0x14900  }
0x151: {  	[hbm4b:s17+s3] =	stream.linear.scatter [tilespmem:s22], [sflag:$0x1], $0x700, $0x38;
	[tilespmem:$0x1C000] =	vst v63  }
0x152: {  	s23 =	sadd.s32 $0x7000, s0;
	s24 =	simm.s32 $0x15000  }
0x153: {  	[hbm4b:s23+s3] =	stream.linear.scatter [tilespmem:s24], [sflag:$0x1], $0x700, $0x38;
	[tilespmem:$0x1C000] =	vst v63  }
0x154: {  	s25 =	sadd.s32 $0x7700, s0;
	s26 =	simm.s32 $0x15700  }
0x155: {  	[hbm4b:s25+s3] =	stream.linear.scatter [tilespmem:s26], [sflag:$0x1], $0x700, $0x38;
	[tilespmem:$0x1C000] =	vst v63  }
0x156: {  	s28 =	sadd.s32 $0x7E00, s0;
	s29 =	simm.s32 $0x15E00  }
0x157: {  	[hbm4b:s28+s3] =	stream.linear.scatter [tilespmem:s29], [sflag:$0x1], $0x700, $0x38;
	[tilespmem:$0x1C000] =	vst v63  }
0x158: {  	s30 =	sadd.s32 $0x8500, s0;
	s31 =	simm.s32 $0x16500  }
0x159: {  	[hbm4b:s30+s3] =	stream.linear.scatter [tilespmem:s31], [sflag:$0x1], $0x700, $0x38;
	[tilespmem:$0x1C000] =	vst v63  }
0x15a: {  	s2 =	sadd.s32 $0x8C00, s0;
	s6 =	simm.s32 $0x16C00  }
0x15b: {  	[hbm4b:s2+s3] =	stream.linear.scatter [tilespmem:s6], [sflag:$0x1], $0x700, $0x38;
	[tilespmem:$0x1C000] =	vst v63  }
0x15c: {  	s7 =	sadd.s32 $0x9300, s0;
	s8 =	simm.s32 $0x17300  }
0x15d: {  	[hbm4b:s7+s3] =	stream.linear.scatter [tilespmem:s8], [sflag:$0x1], $0x700, $0x38;
	[tilespmem:$0x1C000] =	vst v63  }
0x15e: {  	s9 =	sadd.s32 $0x9A00, s0;
	s10 =	simm.s32 $0x17A00  }
0x15f: {  	[hbm4b:s9+s3] =	stream.linear.scatter [tilespmem:s10], [sflag:$0x1], $0x700, $0x38;
	[tilespmem:$0x1C000] =	vst v63  }
0x160: {  	s11 =	sadd.s32 $0xA100, s0;
	s12 =	simm.s32 $0x18100  }
0x161: {  	[hbm4b:s11+s3] =	stream.linear.scatter [tilespmem:s12], [sflag:$0x1], $0x700, $0x38;
	[tilespmem:$0x1C000] =	vst v63  }
0x162: {  	s13 =	sadd.s32 $0xA800, s0;
	s16 =	simm.s32 $0x18800  }
0x163: {  	[hbm4b:s13+s3] =	stream.linear.scatter [tilespmem:s16], [sflag:$0x1], $0x700, $0x38;
	[tilespmem:$0x1C000] =	vst v63  }
0x164: {  	s17 =	sadd.s32 $0xAF00, s0;
	s22 =	simm.s32 $0x18F00  }
0x165: {  	[hbm4b:s17+s3] =	stream.linear.scatter [tilespmem:s22], [sflag:$0x1], $0x700, $0x38;
	[tilespmem:$0x1C000] =	vst v63  }
0x166: {  	s23 =	sadd.s32 $0xB600, s0;
	s24 =	simm.s32 $0x19600  }
0x167: {  	[hbm4b:s23+s3] =	stream.linear.scatter [tilespmem:s24], [sflag:$0x1], $0x700, $0x38;
	[tilespmem:$0x1C000] =	vst v63  }
0x168: {  	s25 =	sadd.s32 $0xBD00, s0;
	s26 =	simm.s32 $0x19D00  }
0x169: {  	[hbm4b:s25+s3] =	stream.linear.scatter [tilespmem:s26], [sflag:$0x1], $0x700, $0x38;
	[tilespmem:$0x1C000] =	vst v63  }
0x16a: {  	s28 =	sadd.s32 $0xC400, s0;
	s29 =	simm.s32 $0x1A400  }
0x16b: {  	[hbm4b:s28+s3] =	stream.linear.scatter [tilespmem:s29], [sflag:$0x1], $0x700, $0x38;
	[tilespmem:$0x1C000] =	vst v63  }
0x16c: {  	s30 =	sadd.s32 $0xCB00, s0  }
0x16d: {  	[hbm4b:s30+s3] =	stream.linear.scatter [tilespmem:s18], [sflag:$0x1], $0x700, $0x38;
	[tilespmem:$0x1C000] =	vst v63  }
0x16e: {  	s31 =	sadd.s32 $0xD200, s0  }
0x16f: {  	[hbm4b:s31+s3] =	stream.linear.scatter [tilespmem:s19], [sflag:$0x1], $0x700, $0x38;
	[tilespmem:$0x1C000] =	vst v63  }
0x170: {  	s0 =	sadd.s32 $0xD900, s0  }
0x171: {  	[hbm4b:s0+s3] =	stream.linear.scatter [tilespmem:s20], [sflag:$0x1], $0x700, $0x38;
	[tilespmem:$0x1C000] =	vst v63  }
0x172: {  	_ =	swait.ge [sflag:s14], $0x700  }
0x173: {  	[sflag:s14] =	ssyncset.done $0x0  }
0x174: {  	[sflag:s14] =	ssyncadd.s32 $0xFFFFF900  }
0x175: {  	_ =	swait.ge [sflag:s14], $0x700  }
0x176: {  	[sflag:s14] =	ssyncset.done $0x0  }
0x177: {  	[sflag:s14] =	ssyncadd.s32 $0xFFFFF900  }
0x178: {  	_ =	swait.ge [sflag:s14], $0x700  }
0x179: {  	[sflag:s14] =	ssyncset.done $0x0  }
0x17a: {  	[sflag:s14] =	ssyncadd.s32 $0xFFFFF900  }
0x17b: {  	_ =	swait.ge [sflag:s14], $0x700  }
0x17c: {  	[sflag:s14] =	ssyncset.done $0x0  }
0x17d: {  	[sflag:s14] =	ssyncadd.s32 $0xFFFFF900  }
0x17e: {  	_ =	swait.ge [sflag:s14], $0x700  }
0x17f: {  	[sflag:s14] =	ssyncset.done $0x0  }
0x180: {  	[sflag:s14] =	ssyncadd.s32 $0xFFFFF900  }
0x181: {  	_ =	swait.ge [sflag:s14], $0x700  }
0x182: {  	[sflag:s14] =	ssyncset.done $0x0  }
0x183: {  	[sflag:s14] =	ssyncadd.s32 $0xFFFFF900  }
0x184: {  	_ =	swait.ge [sflag:s14], $0x700  }
0x185: {  	[sflag:s14] =	ssyncset.done $0x0  }
0x186: {  	[sflag:s14] =	ssyncadd.s32 $0xFFFFF900  }
0x187: {  	_ =	swait.ge [sflag:s14], $0x700  }
0x188: {  	[sflag:s14] =	ssyncset.done $0x0  }
0x189: {  	[sflag:s14] =	ssyncadd.s32 $0xFFFFF900  }
0x18a: {  	_ =	swait.ge [sflag:s14], $0x700  }
0x18b: {  	[sflag:s14] =	ssyncset.done $0x0  }
0x18c: {  	[sflag:s14] =	ssyncadd.s32 $0xFFFFF900  }
0x18d: {  	_ =	swait.ge [sflag:s14], $0x700  }
0x18e: {  	[sflag:s14] =	ssyncset.done $0x0  }
0x18f: {  	[sflag:s14] =	ssyncadd.s32 $0xFFFFF900  }
0x190: {  	_ =	swait.ge [sflag:s14], $0x700  }
0x191: {  	[sflag:s14] =	ssyncset.done $0x0  }
0x192: {  	[sflag:s14] =	ssyncadd.s32 $0xFFFFF900  }
0x193: {  	_ =	swait.ge [sflag:s14], $0x700  }
0x194: {  	[sflag:s14] =	ssyncset.done $0x0  }
0x195: {  	[sflag:s14] =	ssyncadd.s32 $0xFFFFF900  }
0x196: {  	_ =	swait.ge [sflag:s14], $0x700  }
0x197: {  	[sflag:s14] =	ssyncset.done $0x0  }
0x198: {  	[sflag:s14] =	ssyncadd.s32 $0xFFFFF900  }
0x199: {  	_ =	swait.ge [sflag:s14], $0x700  }
0x19a: {  	[sflag:s14] =	ssyncset.done $0x0  }
0x19b: {  	[sflag:s14] =	ssyncadd.s32 $0xFFFFF900  }
0x19c: {  	_ =	swait.ge [sflag:s14], $0x700  }
0x19d: {  	[sflag:s14] =	ssyncset.done $0x0  }
0x19e: {  	[sflag:s14] =	ssyncadd.s32 $0xFFFFF900  }
0x19f: {  	_ =	swait.ge [sflag:s14], $0x700  }
0x1a0: {  	[sflag:s14] =	ssyncset.done $0x0  }
0x1a1: {  	[sflag:s14] =	ssyncadd.s32 $0xFFFFF900  }
0x1a2: {  	_ =	swait.ge [sflag:s14], $0x700  }
0x1a3: {  	[sflag:s14] =	ssyncset.done $0x0  }
0x1a4: {  	[sflag:s14] =	ssyncadd.s32 $0xFFFFF900  }
0x1a5: {  	_ =	swait.ge [sflag:s14], $0x700  }
0x1a6: {  	[sflag:s14] =	ssyncset.done $0x0  }
0x1a7: {  	[sflag:s14] =	ssyncadd.s32 $0xFFFFF900  }
0x1a8: {  	_ =	swait.ge [sflag:s14], $0x700  }
0x1a9: {  	[sflag:s14] =	ssyncset.done $0x0  }
0x1aa: {  	[sflag:s14] =	ssyncadd.s32 $0xFFFFF900  }
0x1ab: {  	_ =	swait.ge [sflag:s14], $0x700  }
0x1ac: {  	[sflag:s14] =	ssyncset.done $0x0  }
0x1ad: {  	[sflag:s14] =	ssyncadd.s32 $0xFFFFF900  }
0x1ae: {  	_ =	swait.ge [sflag:s14], $0x700  }
0x1af: {  	[sflag:s14] =	ssyncset.done $0x0  }
0x1b0: {  	[sflag:s14] =	ssyncadd.s32 $0xFFFFF900  }
0x1b1: {  	_ =	swait.ge [sflag:s14], $0x700  }
0x1b2: {  	[sflag:s14] =	ssyncset.done $0x0  }
0x1b3: {  	[sflag:s14] =	ssyncadd.s32 $0xFFFFF900  }
0x1b4: {  	_ =	swait.ge [sflag:s14], $0x700  }
0x1b5: {  	[sflag:s14] =	ssyncset.done $0x0  }
0x1b6: {  	[sflag:s14] =	ssyncadd.s32 $0xFFFFF900  }
0x1b7: {  	_ =	swait.ge [sflag:s14], $0x700  }
0x1b8: {  	[sflag:s14] =	ssyncset.done $0x0  }
0x1b9: {  	[sflag:s14] =	ssyncadd.s32 $0xFFFFF900  }
0x1ba: {  	_ =	swait.ge [sflag:s14], $0x700  }
0x1bb: {  	[sflag:s14] =	ssyncset.done $0x0  }
0x1bc: {  	[sflag:s14] =	ssyncadd.s32 $0xFFFFF900  }
0x1bd: {  	_ =	swait.ge [sflag:s14], $0x700  }
0x1be: {  	[sflag:s14] =	ssyncset.done $0x0  }
0x1bf: {  	[sflag:s14] =	ssyncadd.s32 $0xFFFFF900  }
0x1c0: {  	_ =	swait.ge [sflag:s14], $0x700  }
0x1c1: {  	[sflag:s14] =	ssyncset.done $0x0  }
0x1c2: {  	[sflag:s14] =	ssyncadd.s32 $0xFFFFF900  }
0x1c3: {  	_ =	swait.ge [sflag:s14], $0x700  }
0x1c4: {  	[sflag:s14] =	ssyncset.done $0x0  }
0x1c5: {  	[sflag:s14] =	ssyncadd.s32 $0xFFFFF900  }
0x1c6: {  	_ =	swait.ge [sflag:s14], $0x700  }
0x1c7: {  	[sflag:s14] =	ssyncset.done $0x0  }
0x1c8: {  	[sflag:s14] =	ssyncadd.s32 $0xFFFFF900  }
0x1c9: {  	_ =	swait.ge [sflag:s14], $0x700  }
0x1ca: {  	[sflag:s14] =	ssyncset.done $0x0  }
0x1cb: {  	s21 =	sadd.s32 $0x1, s21;
	[sflag:s14] =	ssyncadd.s32 $0xFFFFF900  }
0x1cc: {  	p0 =	sne.s32 s21, $0x15;
	_ =	swait.ge [sflag:s14], $0x700  }
.Ltmp1:
0x1cd: {  	[sflag:s14] =	ssyncset.done $0x0;
	(pc) =	sbr.rel @p0 .LBB2_2-.Ltmp1, $4  }
0x1ce: {  	[sflag:s14] =	ssyncadd.s32 $0xFFFFF900  }
0x1cf: {  	_ =	swait.ge [sflag:s14], $0x700  }
0x1d0: {  	[sflag:s14] =	ssyncset.done $0x0  }
0x1d1: {  	[sflag:s14] =	ssyncadd.s32 $0xFFFFF900  }
0x1d2: {  	s1 =	rddreg [dreg:$0x4]  }
0x1d3: {  	s0 =	rddreg [dreg:$0x3];
	s1 =	sadd.s32 $0x1, s1  }
0x1d4: {  	p0 =	sne.s32 s1, s0  }
.Ltmp2:
0x1d5: {  	_ = 	snop;
	(pc) =	sbr.rel @p0 .LBB2_1-.Ltmp2, $1  }
0x1d6: {  	_ =	sdelay $0x3  }
0x1d7: {  	_ =	sfence.sel $0x180000  }
0x1d8: {  	[bflag:$0x0] =	sbarrier.arrive $0xFFFF  }
0x1d9: {  	_ =	strace $0x90000047  }
0x1da: {  	s0 =	stileid.u32;
	[bflag:$0x2] =	sbarrier.arrive $0xFFFF  }
0x1db: {  	p0 =	sne.s32 s0, $0x0;
	s0 =	rddreg [dreg:$0x2]  }
0x1dc: {  	s0 =	sadd.s32 @!p0 $0x100000, s0  }
0x1dd: {  	[sflag:s0] =	ssyncadd.tile.s32 @!p0 $0x1;
	_ =	shalt  }
.Lfunc_end2:
_tile_overlayer_lowered:
.L_overlay_start_2:
0x1de: {  	(tag) =	ssettag $0x2  }
0x1df: {  	s0 =	rddreg [dreg:$0x0];
	s2 =	stileid.u32  }
0x1e0: {  	s1 =	rddreg [dreg:$0x1];
	p0 =	sne.s32 s2, $0x0  }
0x1e1: {  	s3 =	rddreg [dreg:$0x2];
	[bflag:$0x3] =	sbarrier.arrive $0xFFFF;
	s2 =	simm.s32 @!p0 $0x1C02  }
0x1e2: {  	[timem:s3], [sflag:s2] =	dma.local @!p0 [hbm:s0], s1  }
0x1e3: {  	s0 =	simm.s32 @!p0 $0x2  }
0x1e4: {  	_ =	swait.ge @!p0 [sflag:s0], s1  }
0x1e5: {  	s1 =	ssub.s32 @!p0 $0x0, s1;
	[sflag:s0] =	ssyncset.done @!p0 $0x0  }
0x1e6: {  	[sflag:s0] =	ssyncadd.s32 @!p0 s1  }
0x1e7: {  	[bflag:$0x3] =	sbarrier.arrive $0xFFFF  }
0x1e8: {  	_ =	shalt  }

</sc_bundles>
